<compile_context>
chip_gen: v7x
topology: tpu7x:2x2x1
jax: 0.10.2.dev20260603
libtpu: 0.0.44.dev20260713+nightly
codegen_flags: <defaults>
</compile_context>

<pallas_src>
import jax
import jax.numpy as jnp
from jax import lax
from jax.experimental import pallas as pl
from jax.experimental.pallas import tpu as pltpu
from jax.experimental.pallas import tpu_sc as plsc

N = 10000
E = 320000
D = 128
NC = 2
NS = 16
NW = NC * NS
CH = 128
CPT = 80
HCPT = CPT // 2
NCHUNKS = NW * CPT
E_PAD = NCHUNKS * CH
NP = 10240
RPT = NP // NS


def _fill(buf, n16, val):
    def st(i, c):
        buf[pl.ds(i * 16, 16)] = jnp.full((16,), val, jnp.float32)
        return c
    lax.fori_loop(0, n16, st, 0)


def _deg_body(col2d, deg_out, acc, colv, ones_v, zer_v, sem):
    cid = lax.axis_index("c")
    sid = lax.axis_index("s")
    wid = cid * NS + sid
    _fill(zer_v, RPT // 16, 0.0)
    _fill(ones_v, CH // 16, 1.0)
    pltpu.sync_copy(zer_v, acc.at[pl.ds(sid * RPT, RPT)])
    pltpu.sync_copy(col2d.at[pl.ds(wid * CPT, CPT)], colv)
    plsc.subcore_barrier()

    def fire(i, c):
        pltpu.async_copy(ones_v, acc.at[colv.at[i]], sem, add=True)
        return c
    lax.fori_loop(0, CPT, fire, 0)

    def drain(i, c):
        pltpu.make_async_copy(ones_v, acc.at[colv.at[0]], sem).wait()
        return c
    lax.fori_loop(0, CPT, drain, 0)
    plsc.subcore_barrier()
    pltpu.sync_copy(acc.at[pl.ds(sid * RPT, RPT)],
                    deg_out.at[cid, pl.ds(sid * RPT, RPT)])


def _agg_body(hs, row2d, col2d, out, acc, rowv, colv, d0, d1, sem0, sem1):
    cid = lax.axis_index("c")
    sid = lax.axis_index("s")
    wid = cid * NS + sid
    @pl.when(cid == 0)
    def _():
        pltpu.sync_copy(hs.at[pl.ds(sid * RPT, RPT)],
                        acc.at[pl.ds(sid * RPT, RPT)])

    @pl.when(cid != 0)
    def _():
        def zrow(r, c):
            for k in range(D // 16):
                d0[r, pl.ds(k * 16, 16)] = jnp.zeros((16,), jnp.float32)
            return c
        lax.fori_loop(0, CH, zrow, 0)
        for r in range(RPT // CH):
            pltpu.sync_copy(d0, acc.at[pl.ds(sid * RPT + r * CH, CH)])
    plsc.subcore_barrier()

    def start(i, dbuf, sem):
        pltpu.async_copy(hs.at[rowv.at[i]], dbuf, sem)

    def finish(dbuf, sem):
        pltpu.make_async_copy(hs.at[rowv.at[0]], dbuf, sem).wait()

    def scat(i, dbuf):
        pltpu.sync_copy(dbuf, acc.at[colv.at[i]], add=True)

    for h in range(2):
        pltpu.sync_copy(row2d.at[pl.ds(wid * CPT + h * HCPT, HCPT)], rowv)
        pltpu.sync_copy(col2d.at[pl.ds(wid * CPT + h * HCPT, HCPT)], colv)
        start(0, d0, sem0)

        def body(j, c):
            i0 = 2 * j
            start(i0 + 1, d1, sem1)
            finish(d0, sem0)
            scat(i0, d0)
            start(i0 + 2, d0, sem0)
            finish(d1, sem1)
            scat(i0 + 1, d1)
            return c
        lax.fori_loop(0, HCPT // 2 - 1, body, 0)
        start(HCPT - 1, d1, sem1)
        finish(d0, sem0)
        scat(HCPT - 2, d0)
        finish(d1, sem1)
        scat(HCPT - 1, d1)
    plsc.subcore_barrier()
    pltpu.sync_copy(acc.at[pl.ds(sid * RPT, RPT)],
                    out.at[cid, pl.ds(sid * RPT, RPT)])


def _tc_mm(x_ref, w_ref, h_ref):
    h = jnp.dot(x_ref[...], w_ref[...], preferred_element_type=jnp.float32)
    h_ref[...] = jnp.concatenate(
        [h, jnp.zeros((NP - N, D), jnp.float32)], axis=0)


def _dinv(degt_ref):
    return lax.rsqrt(degt_ref[:, 0:1] + degt_ref[:, 1:2] + 1.0)


def _tc_scale(h_ref, degt_ref, hs_ref):
    hs_ref[...] = h_ref[...] * _dinv(degt_ref)


def _tc_mid(acc_ref, degt_ref, b_ref, w_ref, out_ref):
    dinv = _dinv(degt_ref)
    pre = (acc_ref[0] + acc_ref[1]) * dinv + b_ref[...]
    h1 = jnp.maximum(pre, 0.0)
    out_ref[...] = jnp.dot(h1, w_ref[...],
                           preferred_element_type=jnp.float32) * dinv


def _tc_fin(acc_ref, degt_ref, b_ref, z_ref):
    z = (acc_ref[0] + acc_ref[1]) * _dinv(degt_ref) + b_ref[...]
    z_ref[...] = z[:N]


def kernel(x, edge_index, W1, b1, W2, b2):
    row = edge_index[0].astype(jnp.int32)
    col = edge_index[1].astype(jnp.int32)
    pad = E_PAD - E
    pad_idx = jnp.arange(pad, dtype=jnp.int32) % 128
    row2d = jnp.concatenate([row, pad_idx]).reshape(NCHUNKS, CH)
    col2d = jnp.concatenate([col, N + pad_idx]).reshape(NCHUNKS, CH)

    mesh = plsc.VectorSubcoreMesh(core_axis_name="c", subcore_axis_name="s")
    f32 = jnp.float32

    deg_call = pl.kernel(
        _deg_body,
        out_type=jax.ShapeDtypeStruct((NC, NP), f32),
        mesh=mesh,
        scratch_types=[
            pltpu.VMEM_SHARED((NP,), f32),
            pltpu.VMEM((CPT, CH), jnp.int32),
            pltpu.VMEM((CH,), f32),
            pltpu.VMEM((RPT,), f32),
            pltpu.SemaphoreType.DMA,
        ],
    )
    agg_call = pl.kernel(
        _agg_body,
        out_type=jax.ShapeDtypeStruct((NC, NP, D), f32),
        mesh=mesh,
        scratch_types=[
            pltpu.VMEM_SHARED((NP, D), f32),
            pltpu.VMEM((HCPT, CH), jnp.int32),
            pltpu.VMEM((HCPT, CH), jnp.int32),
            pltpu.VMEM((CH, D), f32),
            pltpu.VMEM((CH, D), f32),
            pltpu.SemaphoreType.DMA,
            pltpu.SemaphoreType.DMA,
        ],
    )
    mm_call = pl.pallas_call(
        _tc_mm,
        out_shape=jax.ShapeDtypeStruct((NP, D), f32),
    )
    scale_call = pl.pallas_call(
        _tc_scale,
        out_shape=jax.ShapeDtypeStruct((NP, D), f32),
    )
    mid_call = pl.pallas_call(
        _tc_mid,
        out_shape=jax.ShapeDtypeStruct((NP, D), f32),
    )
    fin_call = pl.pallas_call(
        _tc_fin,
        out_shape=jax.ShapeDtypeStruct((N, D), f32),
    )

    h1 = mm_call(x, W1)
    deg = deg_call(col2d)
    degt = deg.T
    hs1 = scale_call(h1, degt)
    acc1 = agg_call(hs1, row2d, col2d)
    hs2 = mid_call(acc1, degt, b1.reshape(1, D), W2)
    acc2 = agg_call(hs2, row2d, col2d)
    z = fin_call(acc2, degt, b2.reshape(1, D))
    return z

# --- scband reference (transcript-rebuilt; emitter-appended) ---
"""Pipeline reference for scband-net-33998961115687 (READ-ONLY COPY).

The authoritative reference and input builder live on the scoring server;
editing this copy changes nothing except your own understanding.
"""

import jax, jax.numpy as jnp
import numpy as np

N_NODES = 10000
N_EDGES = 320000
D_IN = 128
D_HID = 128
D_OUT = 128


def setup_inputs(seed: int = 0) -> dict:
    key = jax.random.key(seed)
    k_x, k_e, k_w1, k_b1, k_w2, k_b2 = jax.random.split(key, 6)
    x = jax.random.normal(k_x, (N_NODES, D_IN), dtype=jnp.float32)
    edge_index = jax.random.randint(k_e, (2, N_EDGES), 0, N_NODES, dtype=jnp.int64)
    # GCNConv weights (glorot-style scaling)
    W1 = jax.random.normal(k_w1, (D_IN, D_HID), dtype=jnp.float32) * (1.0 / np.sqrt(D_IN))
    b1 = jnp.zeros((D_HID,), dtype=jnp.float32)
    W2 = jax.random.normal(k_w2, (D_HID, D_OUT), dtype=jnp.float32) * (1.0 / np.sqrt(D_HID))
    b2 = jnp.zeros((D_OUT,), dtype=jnp.float32)
    return {"x": x, "edge_index": edge_index, "W1": W1, "b1": b1, "W2": W2, "b2": b2}


def _gcn_conv(x, edge_index, W, b):
    num_nodes = x.shape[0]
    row = edge_index[0]
    col = edge_index[1]
    # add self-loops (PyG GCNConv default add_self_loops=True)
    loop = jnp.arange(num_nodes, dtype=edge_index.dtype)
    row = jnp.concatenate([row, loop])
    col = jnp.concatenate([col, loop])
    # symmetric normalization: deg computed on target (col)
    deg = jnp.zeros((num_nodes,), dtype=jnp.float32).at[col].add(1.0)
    deg_inv_sqrt = jnp.where(deg > 0, 1.0 / jnp.sqrt(deg), 0.0)
    norm = deg_inv_sqrt[row] * deg_inv_sqrt[col]
    # linear transform first, then propagate
    h = x @ W
    msg = h[row] * norm[:, None]
    out = jnp.zeros((num_nodes, h.shape[1]), dtype=h.dtype).at[col].add(msg)
    return out + b


def reference(x, edge_index, W1, b1, W2, b2):
    # Net.encode: conv1 -> relu -> conv2
    h = _gcn_conv(x, edge_index, W1, b1)
    h = jax.nn.relu(h)
    z = _gcn_conv(h, edge_index, W2, b2)
    return z

if __name__ == "__main__":
    import jax
    _d = setup_inputs()
    print(jax.jit(kernel)(*tuple(_d.values())))

</pallas_src>

<mosaic_0001>
#map = affine_map<(d0, d1) -> (0, 0)>
#map1 = affine_map<(d0, d1) -> (0, 0, 0)>
module attributes {stable_mosaic.version = 14 : i64} {
  func.func @_agg_body(%arg0: i32, %arg1: i32, %arg2: memref<10240x128xf32, #tpu.memory_space<hbm>>, %arg3: memref<2560x128xi32, #tpu.memory_space<hbm>>, %arg4: memref<2560x128xi32, #tpu.memory_space<hbm>>, %arg5: memref<2x10240x128xf32, #tpu.memory_space<hbm>>, %arg6: memref<10240x128xf32, #tpu.memory_space<vmem_shared>>, %arg7: memref<40x128xi32, #tpu.memory_space<vmem>>, %arg8: memref<40x128xi32, #tpu.memory_space<vmem>>, %arg9: memref<128x128xf32, #tpu.memory_space<vmem>>, %arg10: memref<128x128xf32, #tpu.memory_space<vmem>>, %arg11: memref<!tpu.dma_semaphore, #tpu.memory_space<semaphore_mem>>, %arg12: memref<!tpu.dma_semaphore, #tpu.memory_space<semaphore_mem>>) attributes {dimension_semantics = [#tpu.dimension_semantics<core_parallel>, #tpu.dimension_semantics<subcore_parallel>], iteration_bounds = array<i64: 2, 16>, scalar_prefetch = 0 : i64, scratch_operands = 7 : i64, tpu.core_type = #tpu.core_type<sc_vector_subcore>, window_params = [{transform_indices = #map}, {transform_indices = #map}, {transform_indices = #map}, {transform_indices = #map1}]} {
    %mul3A = arith.constant 16 : i32
    %mul3A_0 = arith.muli %arg0, %mul3A : i32
    %add3A = arith.addi %mul3A_0, %arg1 : i32
    %eq3A = arith.constant 0 : i32
    %eq3A_1 = arith.cmpi eq, %arg0, %eq3A : i32
    %convert_element_type3A = arith.extui %eq3A_1 : i1 to i32
    %cond3A = arith.constant 0 : i32
    %cond3A_2 = arith.cmpi ne, %convert_element_type3A, %cond3A : i32
    scf.if %cond3A_2 {
      %mul3A_96 = arith.constant 640 : i32
      %mul3A_97 = arith.muli %arg1, %mul3A_96 : i32
      %mul3A_98 = arith.constant 640 : i32
      %mul3A_99 = arith.muli %arg1, %mul3A_98 : i32
      "tpu.region"() ({
        %run_scoped3A_100 = tpu.sem_alloc : memref<!tpu.dma_semaphore, #tpu.memory_space<semaphore_mem>>
        %dma_start3A_101 = arith.constant 0 : i32
        %dma_start3A_102 = tpu.memref_slice %arg6[%mul3A_99, %dma_start3A_101] : memref<10240x128xf32, #tpu.memory_space<vmem_shared>> -> memref<640x128xf32, #tpu.memory_space<vmem_shared>>
        %dma_start3A_103 = arith.constant 0 : i32
        %dma_start3A_104 = tpu.memref_slice %arg2[%mul3A_97, %dma_start3A_103] : memref<10240x128xf32, #tpu.memory_space<hbm>> -> memref<640x128xf32, #tpu.memory_space<hbm>>
        tpu.enqueue_dma source(%dma_start3A_104 : memref<640x128xf32, #tpu.memory_space<hbm>>) target(%dma_start3A_102 : memref<640x128xf32, #tpu.memory_space<vmem_shared>>) target_semaphore(%run_scoped3A_100 : memref<!tpu.dma_semaphore, #tpu.memory_space<semaphore_mem>>)
        %dma_wait3A_105 = arith.constant 0 : i32
        %dma_wait3A_106 = tpu.memref_slice %arg6[%mul3A_99, %dma_wait3A_105] : memref<10240x128xf32, #tpu.memory_space<vmem_shared>> -> memref<640x128xf32, #tpu.memory_space<vmem_shared>>
        %dma_wait3A_107 = arith.constant 0 : i32
        %dma_wait3A_108 = tpu.memref_slice %arg2[%mul3A_97, %dma_wait3A_107] : memref<10240x128xf32, #tpu.memory_space<hbm>> -> memref<640x128xf32, #tpu.memory_space<hbm>>
        tpu.wait_dma2 semaphore(%run_scoped3A_100 : memref<!tpu.dma_semaphore, #tpu.memory_space<semaphore_mem>>) src(%dma_wait3A_108 : memref<640x128xf32, #tpu.memory_space<hbm>>) dst(%dma_wait3A_106 : memref<640x128xf32, #tpu.memory_space<vmem_shared>>)
        tpu.yield
      }) : () -> ()
    } else {
    }
    %ne3A = arith.constant 0 : i32
    %ne3A_3 = arith.cmpi ne, %arg0, %ne3A : i32
    %convert_element_type3A_4 = arith.extui %ne3A_3 : i1 to i32
    %cond3A_5 = arith.constant 0 : i32
    %cond3A_6 = arith.cmpi ne, %convert_element_type3A_4, %cond3A_5 : i32
    scf.if %cond3A_6 {
      %scan3A_96 = arith.constant 0 : i32
      %scan3A_97 = arith.constant 0 : i32
      %scan3A_98 = arith.constant 128 : i32
      %scan3A_99 = arith.addi %scan3A_97, %scan3A_98 : i32
      %scan3A_100 = arith.constant 1 : i32
      scf.for %scan3A_122 = %scan3A_97 to %scan3A_99 step %scan3A_100  : i32 {
        %broadcast_in_dim3A = arith.constant 0.000000e+00 : f32
        %broadcast_in_dim3A_123 = vector.broadcast %broadcast_in_dim3A : f32 to vector<16xf32>
        %swap3A = arith.index_cast %scan3A_122 : i32 to index
        %swap3A_124 = arith.constant 0 : index
        %swap3A_125 = tpu.vector_load %arg9[%swap3A, %swap3A_124] {strides = array<i32>} : memref<128x128xf32, #tpu.memory_space<vmem>>, vector<1x16xf32>,
        %swap3A_126 = vector.shape_cast %swap3A_125 : vector<1x16xf32> to vector<16xf32>
        %swap3A_127 = vector.shape_cast %broadcast_in_dim3A_123 : vector<16xf32> to vector<1x16xf32>
        tpu.vector_store %arg9[%swap3A, %swap3A_124], %swap3A_127 {strides = array<i32>} : memref<128x128xf32, #tpu.memory_space<vmem>>, vector<1x16xf32>,
        %broadcast_in_dim3A_128 = arith.constant 0.000000e+00 : f32
        %broadcast_in_dim3A_129 = vector.broadcast %broadcast_in_dim3A_128 : f32 to vector<16xf32>
        %swap3A_130 = arith.index_cast %scan3A_122 : i32 to index
        %swap3A_131 = arith.constant 16 : index
        %swap3A_132 = tpu.vector_load %arg9[%swap3A_130, %swap3A_131] {strides = array<i32>} : memref<128x128xf32, #tpu.memory_space<vmem>>, vector<1x16xf32>,
        %swap3A_133 = vector.shape_cast %swap3A_132 : vector<1x16xf32> to vector<16xf32>
        %swap3A_134 = vector.shape_cast %broadcast_in_dim3A_129 : vector<16xf32> to vector<1x16xf32>
        tpu.vector_store %arg9[%swap3A_130, %swap3A_131], %swap3A_134 {strides = array<i32>} : memref<128x128xf32, #tpu.memory_space<vmem>>, vector<1x16xf32>,
        %broadcast_in_dim3A_135 = arith.constant 0.000000e+00 : f32
        %broadcast_in_dim3A_136 = vector.broadcast %broadcast_in_dim3A_135 : f32 to vector<16xf32>
        %swap3A_137 = arith.index_cast %scan3A_122 : i32 to index
        %swap3A_138 = arith.constant 32 : index
        %swap3A_139 = tpu.vector_load %arg9[%swap3A_137, %swap3A_138] {strides = array<i32>} : memref<128x128xf32, #tpu.memory_space<vmem>>, vector<1x16xf32>,
        %swap3A_140 = vector.shape_cast %swap3A_139 : vector<1x16xf32> to vector<16xf32>
        %swap3A_141 = vector.shape_cast %broadcast_in_dim3A_136 : vector<16xf32> to vector<1x16xf32>
        tpu.vector_store %arg9[%swap3A_137, %swap3A_138], %swap3A_141 {strides = array<i32>} : memref<128x128xf32, #tpu.memory_space<vmem>>, vector<1x16xf32>,
        %broadcast_in_dim3A_142 = arith.constant 0.000000e+00 : f32
        %broadcast_in_dim3A_143 = vector.broadcast %broadcast_in_dim3A_142 : f32 to vector<16xf32>
        %swap3A_144 = arith.index_cast %scan3A_122 : i32 to index
        %swap3A_145 = arith.constant 48 : index
        %swap3A_146 = tpu.vector_load %arg9[%swap3A_144, %swap3A_145] {strides = array<i32>} : memref<128x128xf32, #tpu.memory_space<vmem>>, vector<1x16xf32>,
        %swap3A_147 = vector.shape_cast %swap3A_146 : vector<1x16xf32> to vector<16xf32>
        %swap3A_148 = vector.shape_cast %broadcast_in_dim3A_143 : vector<16xf32> to vector<1x16xf32>
        tpu.vector_store %arg9[%swap3A_144, %swap3A_145], %swap3A_148 {strides = array<i32>} : memref<128x128xf32, #tpu.memory_space<vmem>>, vector<1x16xf32>,
        %broadcast_in_dim3A_149 = arith.constant 0.000000e+00 : f32
        %broadcast_in_dim3A_150 = vector.broadcast %broadcast_in_dim3A_149 : f32 to vector<16xf32>
        %swap3A_151 = arith.index_cast %scan3A_122 : i32 to index
        %swap3A_152 = arith.constant 64 : index
        %swap3A_153 = tpu.vector_load %arg9[%swap3A_151, %swap3A_152] {strides = array<i32>} : memref<128x128xf32, #tpu.memory_space<vmem>>, vector<1x16xf32>,
        %swap3A_154 = vector.shape_cast %swap3A_153 : vector<1x16xf32> to vector<16xf32>
        %swap3A_155 = vector.shape_cast %broadcast_in_dim3A_150 : vector<16xf32> to vector<1x16xf32>
        tpu.vector_store %arg9[%swap3A_151, %swap3A_152], %swap3A_155 {strides = array<i32>} : memref<128x128xf32, #tpu.memory_space<vmem>>, vector<1x16xf32>,
        %broadcast_in_dim3A_156 = arith.constant 0.000000e+00 : f32
        %broadcast_in_dim3A_157 = vector.broadcast %broadcast_in_dim3A_156 : f32 to vector<16xf32>
        %swap3A_158 = arith.index_cast %scan3A_122 : i32 to index
        %swap3A_159 = arith.constant 80 : index
        %swap3A_160 = tpu.vector_load %arg9[%swap3A_158, %swap3A_159] {strides = array<i32>} : memref<128x128xf32, #tpu.memory_space<vmem>>, vector<1x16xf32>,
        %swap3A_161 = vector.shape_cast %swap3A_160 : vector<1x16xf32> to vector<16xf32>
        %swap3A_162 = vector.shape_cast %broadcast_in_dim3A_157 : vector<16xf32> to vector<1x16xf32>
        tpu.vector_store %arg9[%swap3A_158, %swap3A_159], %swap3A_162 {strides = array<i32>} : memref<128x128xf32, #tpu.memory_space<vmem>>, vector<1x16xf32>,
        %broadcast_in_dim3A_163 = arith.constant 0.000000e+00 : f32
        %broadcast_in_dim3A_164 = vector.broadcast %broadcast_in_dim3A_163 : f32 to vector<16xf32>
        %swap3A_165 = arith.index_cast %scan3A_122 : i32 to index
        %swap3A_166 = arith.constant 96 : index
        %swap3A_167 = tpu.vector_load %arg9[%swap3A_165, %swap3A_166] {strides = array<i32>} : memref<128x128xf32, #tpu.memory_space<vmem>>, vector<1x16xf32>,
        %swap3A_168 = vector.shape_cast %swap3A_167 : vector<1x16xf32> to vector<16xf32>
        %swap3A_169 = vector.shape_cast %broadcast_in_dim3A_164 : vector<16xf32> to vector<1x16xf32>
        tpu.vector_store %arg9[%swap3A_165, %swap3A_166], %swap3A_169 {strides = array<i32>} : memref<128x128xf32, #tpu.memory_space<vmem>>, vector<1x16xf32>,
        %broadcast_in_dim3A_170 = arith.constant 0.000000e+00 : f32
        %broadcast_in_dim3A_171 = vector.broadcast %broadcast_in_dim3A_170 : f32 to vector<16xf32>
        %swap3A_172 = arith.index_cast %scan3A_122 : i32 to index
        %swap3A_173 = arith.constant 112 : index
        %swap3A_174 = tpu.vector_load %arg9[%swap3A_172, %swap3A_173] {strides = array<i32>} : memref<128x128xf32, #tpu.memory_space<vmem>>, vector<1x16xf32>,
        %swap3A_175 = vector.shape_cast %swap3A_174 : vector<1x16xf32> to vector<16xf32>
        %swap3A_176 = vector.shape_cast %broadcast_in_dim3A_171 : vector<16xf32> to vector<1x16xf32>
        tpu.vector_store %arg9[%swap3A_172, %swap3A_173], %swap3A_176 {strides = array<i32>} : memref<128x128xf32, #tpu.memory_space<vmem>>, vector<1x16xf32>,
      }
      %scan3A_101 = arith.constant 128 : i32
      %mul3A_102 = arith.constant 640 : i32
      %mul3A_103 = arith.muli %arg1, %mul3A_102 : i32
      %add3A_104 = arith.constant 0 : i32
      %add3A_105 = arith.addi %mul3A_103, %add3A_104 : i32
      "tpu.region"() ({
        %run_scoped3A_122 = tpu.sem_alloc : memref<!tpu.dma_semaphore, #tpu.memory_space<semaphore_mem>>
        %dma_start3A_123 = arith.constant 0 : i32
        %dma_start3A_124 = tpu.memref_slice %arg6[%add3A_105, %dma_start3A_123] : memref<10240x128xf32, #tpu.memory_space<vmem_shared>> -> memref<128x128xf32, #tpu.memory_space<vmem_shared>>
        %dma_start3A_125 = arith.constant 0 : i32
        %dma_start3A_126 = tpu.memref_slice %arg6[%add3A_105, %dma_start3A_125] : memref<10240x128xf32, #tpu.memory_space<vmem_shared>> -> memref<128x128xf32, #tpu.memory_space<vmem_shared>>
        tpu.enqueue_dma source(%arg9 : memref<128x128xf32, #tpu.memory_space<vmem>>) target(%dma_start3A_126 : memref<128x128xf32, #tpu.memory_space<vmem_shared>>) target_semaphore(%run_scoped3A_122 : memref<!tpu.dma_semaphore, #tpu.memory_space<semaphore_mem>>)
        %dma_wait3A_127 = arith.constant 0 : i32
        %dma_wait3A_128 = tpu.memref_slice %arg6[%add3A_105, %dma_wait3A_127] : memref<10240x128xf32, #tpu.memory_space<vmem_shared>> -> memref<128x128xf32, #tpu.memory_space<vmem_shared>>
        %dma_wait3A_129 = arith.constant 0 : i32
        %dma_wait3A_130 = tpu.memref_slice %arg6[%add3A_105, %dma_wait3A_129] : memref<10240x128xf32, #tpu.memory_space<vmem_shared>> -> memref<128x128xf32, #tpu.memory_space<vmem_shared>>
        tpu.wait_dma2 semaphore(%run_scoped3A_122 : memref<!tpu.dma_semaphore, #tpu.memory_space<semaphore_mem>>) src(%arg9 : memref<128x128xf32, #tpu.memory_space<vmem>>) dst(%dma_wait3A_130 : memref<128x128xf32, #tpu.memory_space<vmem_shared>>)
        tpu.yield
      }) : () -> ()
      %mul3A_106 = arith.constant 640 : i32
      %mul3A_107 = arith.muli %arg1, %mul3A_106 : i32
      %add3A_108 = arith.constant 128 : i32
      %add3A_109 = arith.addi %mul3A_107, %add3A_108 : i32
      "tpu.region"() ({
        %run_scoped3A_122 = tpu.sem_alloc : memref<!tpu.dma_semaphore, #tpu.memory_space<semaphore_mem>>
        %dma_start3A_123 = arith.constant 0 : i32
        %dma_start3A_124 = tpu.memref_slice %arg6[%add3A_109, %dma_start3A_123] : memref<10240x128xf32, #tpu.memory_space<vmem_shared>> -> memref<128x128xf32, #tpu.memory_space<vmem_shared>>
        %dma_start3A_125 = arith.constant 0 : i32
        %dma_start3A_126 = tpu.memref_slice %arg6[%add3A_109, %dma_start3A_125] : memref<10240x128xf32, #tpu.memory_space<vmem_shared>> -> memref<128x128xf32, #tpu.memory_space<vmem_shared>>
        tpu.enqueue_dma source(%arg9 : memref<128x128xf32, #tpu.memory_space<vmem>>) target(%dma_start3A_126 : memref<128x128xf32, #tpu.memory_space<vmem_shared>>) target_semaphore(%run_scoped3A_122 : memref<!tpu.dma_semaphore, #tpu.memory_space<semaphore_mem>>)
        %dma_wait3A_127 = arith.constant 0 : i32
        %dma_wait3A_128 = tpu.memref_slice %arg6[%add3A_109, %dma_wait3A_127] : memref<10240x128xf32, #tpu.memory_space<vmem_shared>> -> memref<128x128xf32, #tpu.memory_space<vmem_shared>>
        %dma_wait3A_129 = arith.constant 0 : i32
        %dma_wait3A_130 = tpu.memref_slice %arg6[%add3A_109, %dma_wait3A_129] : memref<10240x128xf32, #tpu.memory_space<vmem_shared>> -> memref<128x128xf32, #tpu.memory_space<vmem_shared>>
        tpu.wait_dma2 semaphore(%run_scoped3A_122 : memref<!tpu.dma_semaphore, #tpu.memory_space<semaphore_mem>>) src(%arg9 : memref<128x128xf32, #tpu.memory_space<vmem>>) dst(%dma_wait3A_130 : memref<128x128xf32, #tpu.memory_space<vmem_shared>>)
        tpu.yield
      }) : () -> ()
      %mul3A_110 = arith.constant 640 : i32
      %mul3A_111 = arith.muli %arg1, %mul3A_110 : i32
      %add3A_112 = arith.constant 256 : i32
      %add3A_113 = arith.addi %mul3A_111, %add3A_112 : i32
      "tpu.region"() ({
        %run_scoped3A_122 = tpu.sem_alloc : memref<!tpu.dma_semaphore, #tpu.memory_space<semaphore_mem>>
        %dma_start3A_123 = arith.constant 0 : i32
        %dma_start3A_124 = tpu.memref_slice %arg6[%add3A_113, %dma_start3A_123] : memref<10240x128xf32, #tpu.memory_space<vmem_shared>> -> memref<128x128xf32, #tpu.memory_space<vmem_shared>>
        %dma_start3A_125 = arith.constant 0 : i32
        %dma_start3A_126 = tpu.memref_slice %arg6[%add3A_113, %dma_start3A_125] : memref<10240x128xf32, #tpu.memory_space<vmem_shared>> -> memref<128x128xf32, #tpu.memory_space<vmem_shared>>
        tpu.enqueue_dma source(%arg9 : memref<128x128xf32, #tpu.memory_space<vmem>>) target(%dma_start3A_126 : memref<128x128xf32, #tpu.memory_space<vmem_shared>>) target_semaphore(%run_scoped3A_122 : memref<!tpu.dma_semaphore, #tpu.memory_space<semaphore_mem>>)
        %dma_wait3A_127 = arith.constant 0 : i32
        %dma_wait3A_128 = tpu.memref_slice %arg6[%add3A_113, %dma_wait3A_127] : memref<10240x128xf32, #tpu.memory_space<vmem_shared>> -> memref<128x128xf32, #tpu.memory_space<vmem_shared>>
        %dma_wait3A_129 = arith.constant 0 : i32
        %dma_wait3A_130 = tpu.memref_slice %arg6[%add3A_113, %dma_wait3A_129] : memref<10240x128xf32, #tpu.memory_space<vmem_shared>> -> memref<128x128xf32, #tpu.memory_space<vmem_shared>>
        tpu.wait_dma2 semaphore(%run_scoped3A_122 : memref<!tpu.dma_semaphore, #tpu.memory_space<semaphore_mem>>) src(%arg9 : memref<128x128xf32, #tpu.memory_space<vmem>>) dst(%dma_wait3A_130 : memref<128x128xf32, #tpu.memory_space<vmem_shared>>)
        tpu.yield
      }) : () -> ()
      %mul3A_114 = arith.constant 640 : i32
      %mul3A_115 = arith.muli %arg1, %mul3A_114 : i32
      %add3A_116 = arith.constant 384 : i32
      %add3A_117 = arith.addi %mul3A_115, %add3A_116 : i32
      "tpu.region"() ({
        %run_scoped3A_122 = tpu.sem_alloc : memref<!tpu.dma_semaphore, #tpu.memory_space<semaphore_mem>>
        %dma_start3A_123 = arith.constant 0 : i32
        %dma_start3A_124 = tpu.memref_slice %arg6[%add3A_117, %dma_start3A_123] : memref<10240x128xf32, #tpu.memory_space<vmem_shared>> -> memref<128x128xf32, #tpu.memory_space<vmem_shared>>
        %dma_start3A_125 = arith.constant 0 : i32
        %dma_start3A_126 = tpu.memref_slice %arg6[%add3A_117, %dma_start3A_125] : memref<10240x128xf32, #tpu.memory_space<vmem_shared>> -> memref<128x128xf32, #tpu.memory_space<vmem_shared>>
        tpu.enqueue_dma source(%arg9 : memref<128x128xf32, #tpu.memory_space<vmem>>) target(%dma_start3A_126 : memref<128x128xf32, #tpu.memory_space<vmem_shared>>) target_semaphore(%run_scoped3A_122 : memref<!tpu.dma_semaphore, #tpu.memory_space<semaphore_mem>>)
        %dma_wait3A_127 = arith.constant 0 : i32
        %dma_wait3A_128 = tpu.memref_slice %arg6[%add3A_117, %dma_wait3A_127] : memref<10240x128xf32, #tpu.memory_space<vmem_shared>> -> memref<128x128xf32, #tpu.memory_space<vmem_shared>>
        %dma_wait3A_129 = arith.constant 0 : i32
        %dma_wait3A_130 = tpu.memref_slice %arg6[%add3A_117, %dma_wait3A_129] : memref<10240x128xf32, #tpu.memory_space<vmem_shared>> -> memref<128x128xf32, #tpu.memory_space<vmem_shared>>
        tpu.wait_dma2 semaphore(%run_scoped3A_122 : memref<!tpu.dma_semaphore, #tpu.memory_space<semaphore_mem>>) src(%arg9 : memref<128x128xf32, #tpu.memory_space<vmem>>) dst(%dma_wait3A_130 : memref<128x128xf32, #tpu.memory_space<vmem_shared>>)
        tpu.yield
      }) : () -> ()
      %mul3A_118 = arith.constant 640 : i32
      %mul3A_119 = arith.muli %arg1, %mul3A_118 : i32
      %add3A_120 = arith.constant 512 : i32
      %add3A_121 = arith.addi %mul3A_119, %add3A_120 : i32
      "tpu.region"() ({
        %run_scoped3A_122 = tpu.sem_alloc : memref<!tpu.dma_semaphore, #tpu.memory_space<semaphore_mem>>
        %dma_start3A_123 = arith.constant 0 : i32
        %dma_start3A_124 = tpu.memref_slice %arg6[%add3A_121, %dma_start3A_123] : memref<10240x128xf32, #tpu.memory_space<vmem_shared>> -> memref<128x128xf32, #tpu.memory_space<vmem_shared>>
        %dma_start3A_125 = arith.constant 0 : i32
        %dma_start3A_126 = tpu.memref_slice %arg6[%add3A_121, %dma_start3A_125] : memref<10240x128xf32, #tpu.memory_space<vmem_shared>> -> memref<128x128xf32, #tpu.memory_space<vmem_shared>>
        tpu.enqueue_dma source(%arg9 : memref<128x128xf32, #tpu.memory_space<vmem>>) target(%dma_start3A_126 : memref<128x128xf32, #tpu.memory_space<vmem_shared>>) target_semaphore(%run_scoped3A_122 : memref<!tpu.dma_semaphore, #tpu.memory_space<semaphore_mem>>)
        %dma_wait3A_127 = arith.constant 0 : i32
        %dma_wait3A_128 = tpu.memref_slice %arg6[%add3A_121, %dma_wait3A_127] : memref<10240x128xf32, #tpu.memory_space<vmem_shared>> -> memref<128x128xf32, #tpu.memory_space<vmem_shared>>
        %dma_wait3A_129 = arith.constant 0 : i32
        %dma_wait3A_130 = tpu.memref_slice %arg6[%add3A_121, %dma_wait3A_129] : memref<10240x128xf32, #tpu.memory_space<vmem_shared>> -> memref<128x128xf32, #tpu.memory_space<vmem_shared>>
        tpu.wait_dma2 semaphore(%run_scoped3A_122 : memref<!tpu.dma_semaphore, #tpu.memory_space<semaphore_mem>>) src(%arg9 : memref<128x128xf32, #tpu.memory_space<vmem>>) dst(%dma_wait3A_130 : memref<128x128xf32, #tpu.memory_space<vmem_shared>>)
        tpu.yield
      }) : () -> ()
    } else {
    }
    %barrier3A = arith.constant 0 : index
    tpu.barrier barrier_id(%barrier3A)
    %mul3A_7 = arith.constant 80 : i32
    %mul3A_8 = arith.muli %add3A, %mul3A_7 : i32
    %add3A_9 = arith.constant 0 : i32
    %add3A_10 = arith.addi %mul3A_8, %add3A_9 : i32
    "tpu.region"() ({
      %run_scoped3A_96 = tpu.sem_alloc : memref<!tpu.dma_semaphore, #tpu.memory_space<semaphore_mem>>
      %dma_start3A_97 = arith.constant 0 : i32
      %dma_start3A_98 = tpu.memref_slice %arg3[%add3A_10, %dma_start3A_97] : memref<2560x128xi32, #tpu.memory_space<hbm>> -> memref<40x128xi32, #tpu.memory_space<hbm>>
      %dma_start3A_99 = arith.constant 0 : i32
      %dma_start3A_100 = tpu.memref_slice %arg3[%add3A_10, %dma_start3A_99] : memref<2560x128xi32, #tpu.memory_space<hbm>> -> memref<40x128xi32, #tpu.memory_space<hbm>>
      tpu.enqueue_dma source(%dma_start3A_100 : memref<40x128xi32, #tpu.memory_space<hbm>>) target(%arg7 : memref<40x128xi32, #tpu.memory_space<vmem>>) target_semaphore(%run_scoped3A_96 : memref<!tpu.dma_semaphore, #tpu.memory_space<semaphore_mem>>)
      %dma_wait3A_101 = arith.constant 0 : i32
      %dma_wait3A_102 = tpu.memref_slice %arg3[%add3A_10, %dma_wait3A_101] : memref<2560x128xi32, #tpu.memory_space<hbm>> -> memref<40x128xi32, #tpu.memory_space<hbm>>
      %dma_wait3A_103 = arith.constant 0 : i32
      %dma_wait3A_104 = tpu.memref_slice %arg3[%add3A_10, %dma_wait3A_103] : memref<2560x128xi32, #tpu.memory_space<hbm>> -> memref<40x128xi32, #tpu.memory_space<hbm>>
      tpu.wait_dma2 semaphore(%run_scoped3A_96 : memref<!tpu.dma_semaphore, #tpu.memory_space<semaphore_mem>>) src(%dma_wait3A_104 : memref<40x128xi32, #tpu.memory_space<hbm>>) dst(%arg7 : memref<40x128xi32, #tpu.memory_space<vmem>>)
      tpu.yield
    }) : () -> ()
    %mul3A_11 = arith.constant 80 : i32
    %mul3A_12 = arith.muli %add3A, %mul3A_11 : i32
    %add3A_13 = arith.constant 0 : i32
    %add3A_14 = arith.addi %mul3A_12, %add3A_13 : i32
    "tpu.region"() ({
      %run_scoped3A_96 = tpu.sem_alloc : memref<!tpu.dma_semaphore, #tpu.memory_space<semaphore_mem>>
      %dma_start3A_97 = arith.constant 0 : i32
      %dma_start3A_98 = tpu.memref_slice %arg4[%add3A_14, %dma_start3A_97] : memref<2560x128xi32, #tpu.memory_space<hbm>> -> memref<40x128xi32, #tpu.memory_space<hbm>>
      %dma_start3A_99 = arith.constant 0 : i32
      %dma_start3A_100 = tpu.memref_slice %arg4[%add3A_14, %dma_start3A_99] : memref<2560x128xi32, #tpu.memory_space<hbm>> -> memref<40x128xi32, #tpu.memory_space<hbm>>
      tpu.enqueue_dma source(%dma_start3A_100 : memref<40x128xi32, #tpu.memory_space<hbm>>) target(%arg8 : memref<40x128xi32, #tpu.memory_space<vmem>>) target_semaphore(%run_scoped3A_96 : memref<!tpu.dma_semaphore, #tpu.memory_space<semaphore_mem>>)
      %dma_wait3A_101 = arith.constant 0 : i32
      %dma_wait3A_102 = tpu.memref_slice %arg4[%add3A_14, %dma_wait3A_101] : memref<2560x128xi32, #tpu.memory_space<hbm>> -> memref<40x128xi32, #tpu.memory_space<hbm>>
      %dma_wait3A_103 = arith.constant 0 : i32
      %dma_wait3A_104 = tpu.memref_slice %arg4[%add3A_14, %dma_wait3A_103] : memref<2560x128xi32, #tpu.memory_space<hbm>> -> memref<40x128xi32, #tpu.memory_space<hbm>>
      tpu.wait_dma2 semaphore(%run_scoped3A_96 : memref<!tpu.dma_semaphore, #tpu.memory_space<semaphore_mem>>) src(%dma_wait3A_104 : memref<40x128xi32, #tpu.memory_space<hbm>>) dst(%arg8 : memref<40x128xi32, #tpu.memory_space<vmem>>)
      tpu.yield
    }) : () -> ()
    %dma_start3A = arith.constant 0 : i32
    %dma_start3A_15 = arith.constant 0 : i32
    %dma_start3A_16 = tpu.memref_slice %arg7[%dma_start3A, %dma_start3A_15] : memref<40x128xi32, #tpu.memory_space<vmem>> -> memref<1x128xi32, #tpu.memory_space<vmem>>
    %dma_start3A_17 = tpu.memref_squeeze %dma_start3A_16 : memref<1x128xi32, #tpu.memory_space<vmem>> -> memref<128xi32, #tpu.memory_space<vmem>>
    %dma_start3A_18 = arith.constant 0 : i32
    %dma_start3A_19 = arith.constant 0 : i32
    %dma_start3A_20 = tpu.memref_slice %arg2[%dma_start3A_18, %dma_start3A_19] : memref<10240x128xf32, #tpu.memory_space<hbm>> -> memref<10240x128xf32, #tpu.memory_space<hbm>>
    tpu.enqueue_indirect_dma source(%dma_start3A_20 : memref<10240x128xf32, #tpu.memory_space<hbm>>) target(%arg9 : memref<128x128xf32, #tpu.memory_space<vmem>>) offsets(%dma_start3A_17 : memref<128xi32, #tpu.memory_space<vmem>>) semaphore(%arg11 : memref<!tpu.dma_semaphore, #tpu.memory_space<semaphore_mem>>)
    %scan3A = arith.constant 0 : i32
    %scan3A_21 = arith.constant 0 : i32
    %scan3A_22 = arith.constant 19 : i32
    %scan3A_23 = arith.addi %scan3A_21, %scan3A_22 : i32
    %scan3A_24 = arith.constant 1 : i32
    scf.for %scan3A_96 = %scan3A_21 to %scan3A_23 step %scan3A_24  : i32 {
      %mul3A_97 = arith.constant 2 : i32
      %mul3A_98 = arith.muli %mul3A_97, %scan3A_96 : i32
      %add3A_99 = arith.constant 1 : i32
      %add3A_100 = arith.addi %mul3A_98, %add3A_99 : i32
      %dma_start3A_101 = arith.constant 0 : i32
      %dma_start3A_102 = tpu.memref_slice %arg7[%add3A_100, %dma_start3A_101] : memref<40x128xi32, #tpu.memory_space<vmem>> -> memref<1x128xi32, #tpu.memory_space<vmem>>
      %dma_start3A_103 = tpu.memref_squeeze %dma_start3A_102 : memref<1x128xi32, #tpu.memory_space<vmem>> -> memref<128xi32, #tpu.memory_space<vmem>>
      %dma_start3A_104 = arith.constant 0 : i32
      %dma_start3A_105 = arith.constant 0 : i32
      %dma_start3A_106 = tpu.memref_slice %arg2[%dma_start3A_104, %dma_start3A_105] : memref<10240x128xf32, #tpu.memory_space<hbm>> -> memref<10240x128xf32, #tpu.memory_space<hbm>>
      tpu.enqueue_indirect_dma source(%dma_start3A_106 : memref<10240x128xf32, #tpu.memory_space<hbm>>) target(%arg10 : memref<128x128xf32, #tpu.memory_space<vmem>>) offsets(%dma_start3A_103 : memref<128xi32, #tpu.memory_space<vmem>>) semaphore(%arg12 : memref<!tpu.dma_semaphore, #tpu.memory_space<semaphore_mem>>)
      %dma_wait3A_107 = arith.constant 0 : i32
      %dma_wait3A_108 = arith.constant 0 : i32
      %dma_wait3A_109 = tpu.memref_slice %arg7[%dma_wait3A_107, %dma_wait3A_108] : memref<40x128xi32, #tpu.memory_space<vmem>> -> memref<1x128xi32, #tpu.memory_space<vmem>>
      %dma_wait3A_110 = tpu.memref_squeeze %dma_wait3A_109 : memref<1x128xi32, #tpu.memory_space<vmem>> -> memref<128xi32, #tpu.memory_space<vmem>>
      %dma_wait3A_111 = arith.constant 0 : i32
      %dma_wait3A_112 = arith.constant 0 : i32
      %dma_wait3A_113 = tpu.memref_slice %arg2[%dma_wait3A_111, %dma_wait3A_112] : memref<10240x128xf32, #tpu.memory_space<hbm>> -> memref<10240x128xf32, #tpu.memory_space<hbm>>
      tpu.wait_indirect_dma semaphore(%arg11 : memref<!tpu.dma_semaphore, #tpu.memory_space<semaphore_mem>>) src(%dma_wait3A_113 : memref<10240x128xf32, #tpu.memory_space<hbm>>) dst(%arg9 : memref<128x128xf32, #tpu.memory_space<vmem>>)
      "tpu.region"() ({
        %run_scoped3A_131 = tpu.sem_alloc : memref<!tpu.dma_semaphore, #tpu.memory_space<semaphore_mem>>
        %dma_start3A_132 = arith.constant 0 : i32
        %dma_start3A_133 = tpu.memref_slice %arg8[%mul3A_98, %dma_start3A_132] : memref<40x128xi32, #tpu.memory_space<vmem>> -> memref<1x128xi32, #tpu.memory_space<vmem>>
        %dma_start3A_134 = tpu.memref_squeeze %dma_start3A_133 : memref<1x128xi32, #tpu.memory_space<vmem>> -> memref<128xi32, #tpu.memory_space<vmem>>
        %dma_start3A_135 = arith.constant 0 : i32
        %dma_start3A_136 = arith.constant 0 : i32
        %dma_start3A_137 = tpu.memref_slice %arg6[%dma_start3A_135, %dma_start3A_136] : memref<10240x128xf32, #tpu.memory_space<vmem_shared>> -> memref<10240x128xf32, #tpu.memory_space<vmem_shared>>
        tpu.enqueue_indirect_dma source(%arg9 : memref<128x128xf32, #tpu.memory_space<vmem>>) target(%dma_start3A_137 : memref<10240x128xf32, #tpu.memory_space<vmem_shared>>) offsets(%dma_start3A_134 : memref<128xi32, #tpu.memory_space<vmem>>) semaphore(%run_scoped3A_131 : memref<!tpu.dma_semaphore, #tpu.memory_space<semaphore_mem>>) {add = true}
        %dma_wait3A_138 = arith.constant 0 : i32
        %dma_wait3A_139 = tpu.memref_slice %arg8[%mul3A_98, %dma_wait3A_138] : memref<40x128xi32, #tpu.memory_space<vmem>> -> memref<1x128xi32, #tpu.memory_space<vmem>>
        %dma_wait3A_140 = tpu.memref_squeeze %dma_wait3A_139 : memref<1x128xi32, #tpu.memory_space<vmem>> -> memref<128xi32, #tpu.memory_space<vmem>>
        %dma_wait3A_141 = arith.constant 0 : i32
        %dma_wait3A_142 = arith.constant 0 : i32
        %dma_wait3A_143 = tpu.memref_slice %arg6[%dma_wait3A_141, %dma_wait3A_142] : memref<10240x128xf32, #tpu.memory_space<vmem_shared>> -> memref<10240x128xf32, #tpu.memory_space<vmem_shared>>
        tpu.wait_indirect_dma semaphore(%run_scoped3A_131 : memref<!tpu.dma_semaphore, #tpu.memory_space<semaphore_mem>>) src(%arg9 : memref<128x128xf32, #tpu.memory_space<vmem>>) dst(%dma_wait3A_143 : memref<10240x128xf32, #tpu.memory_space<vmem_shared>>)
        tpu.yield
      }) : () -> ()
      %add3A_114 = arith.constant 2 : i32
      %add3A_115 = arith.addi %mul3A_98, %add3A_114 : i32
      %dma_start3A_116 = arith.constant 0 : i32
      %dma_start3A_117 = tpu.memref_slice %arg7[%add3A_115, %dma_start3A_116] : memref<40x128xi32, #tpu.memory_space<vmem>> -> memref<1x128xi32, #tpu.memory_space<vmem>>
      %dma_start3A_118 = tpu.memref_squeeze %dma_start3A_117 : memref<1x128xi32, #tpu.memory_space<vmem>> -> memref<128xi32, #tpu.memory_space<vmem>>
      %dma_start3A_119 = arith.constant 0 : i32
      %dma_start3A_120 = arith.constant 0 : i32
      %dma_start3A_121 = tpu.memref_slice %arg2[%dma_start3A_119, %dma_start3A_120] : memref<10240x128xf32, #tpu.memory_space<hbm>> -> memref<10240x128xf32, #tpu.memory_space<hbm>>
      tpu.enqueue_indirect_dma source(%dma_start3A_121 : memref<10240x128xf32, #tpu.memory_space<hbm>>) target(%arg9 : memref<128x128xf32, #tpu.memory_space<vmem>>) offsets(%dma_start3A_118 : memref<128xi32, #tpu.memory_space<vmem>>) semaphore(%arg11 : memref<!tpu.dma_semaphore, #tpu.memory_space<semaphore_mem>>)
      %dma_wait3A_122 = arith.constant 0 : i32
      %dma_wait3A_123 = arith.constant 0 : i32
      %dma_wait3A_124 = tpu.memref_slice %arg7[%dma_wait3A_122, %dma_wait3A_123] : memref<40x128xi32, #tpu.memory_space<vmem>> -> memref<1x128xi32, #tpu.memory_space<vmem>>
      %dma_wait3A_125 = tpu.memref_squeeze %dma_wait3A_124 : memref<1x128xi32, #tpu.memory_space<vmem>> -> memref<128xi32, #tpu.memory_space<vmem>>
      %dma_wait3A_126 = arith.constant 0 : i32
      %dma_wait3A_127 = arith.constant 0 : i32
      %dma_wait3A_128 = tpu.memref_slice %arg2[%dma_wait3A_126, %dma_wait3A_127] : memref<10240x128xf32, #tpu.memory_space<hbm>> -> memref<10240x128xf32, #tpu.memory_space<hbm>>
      tpu.wait_indirect_dma semaphore(%arg12 : memref<!tpu.dma_semaphore, #tpu.memory_space<semaphore_mem>>) src(%dma_wait3A_128 : memref<10240x128xf32, #tpu.memory_space<hbm>>) dst(%arg10 : memref<128x128xf32, #tpu.memory_space<vmem>>)
      %add3A_129 = arith.constant 1 : i32
      %add3A_130 = arith.addi %mul3A_98, %add3A_129 : i32
      "tpu.region"() ({
        %run_scoped3A_131 = tpu.sem_alloc : memref<!tpu.dma_semaphore, #tpu.memory_space<semaphore_mem>>
        %dma_start3A_132 = arith.constant 0 : i32
        %dma_start3A_133 = tpu.memref_slice %arg8[%add3A_130, %dma_start3A_132] : memref<40x128xi32, #tpu.memory_space<vmem>> -> memref<1x128xi32, #tpu.memory_space<vmem>>
        %dma_start3A_134 = tpu.memref_squeeze %dma_start3A_133 : memref<1x128xi32, #tpu.memory_space<vmem>> -> memref<128xi32, #tpu.memory_space<vmem>>
        %dma_start3A_135 = arith.constant 0 : i32
        %dma_start3A_136 = arith.constant 0 : i32
        %dma_start3A_137 = tpu.memref_slice %arg6[%dma_start3A_135, %dma_start3A_136] : memref<10240x128xf32, #tpu.memory_space<vmem_shared>> -> memref<10240x128xf32, #tpu.memory_space<vmem_shared>>
        tpu.enqueue_indirect_dma source(%arg10 : memref<128x128xf32, #tpu.memory_space<vmem>>) target(%dma_start3A_137 : memref<10240x128xf32, #tpu.memory_space<vmem_shared>>) offsets(%dma_start3A_134 : memref<128xi32, #tpu.memory_space<vmem>>) semaphore(%run_scoped3A_131 : memref<!tpu.dma_semaphore, #tpu.memory_space<semaphore_mem>>) {add = true}
        %dma_wait3A_138 = arith.constant 0 : i32
        %dma_wait3A_139 = tpu.memref_slice %arg8[%add3A_130, %dma_wait3A_138] : memref<40x128xi32, #tpu.memory_space<vmem>> -> memref<1x128xi32, #tpu.memory_space<vmem>>
        %dma_wait3A_140 = tpu.memref_squeeze %dma_wait3A_139 : memref<1x128xi32, #tpu.memory_space<vmem>> -> memref<128xi32, #tpu.memory_space<vmem>>
        %dma_wait3A_141 = arith.constant 0 : i32
        %dma_wait3A_142 = arith.constant 0 : i32
        %dma_wait3A_143 = tpu.memref_slice %arg6[%dma_wait3A_141, %dma_wait3A_142] : memref<10240x128xf32, #tpu.memory_space<vmem_shared>> -> memref<10240x128xf32, #tpu.memory_space<vmem_shared>>
        tpu.wait_indirect_dma semaphore(%run_scoped3A_131 : memref<!tpu.dma_semaphore, #tpu.memory_space<semaphore_mem>>) src(%arg10 : memref<128x128xf32, #tpu.memory_space<vmem>>) dst(%dma_wait3A_143 : memref<10240x128xf32, #tpu.memory_space<vmem_shared>>)
        tpu.yield
      }) : () -> ()
    }
    %scan3A_25 = arith.constant 19 : i32
    %dma_start3A_26 = arith.constant 39 : i32
    %dma_start3A_27 = arith.constant 0 : i32
    %dma_start3A_28 = tpu.memref_slice %arg7[%dma_start3A_26, %dma_start3A_27] : memref<40x128xi32, #tpu.memory_space<vmem>> -> memref<1x128xi32, #tpu.memory_space<vmem>>
    %dma_start3A_29 = tpu.memref_squeeze %dma_start3A_28 : memref<1x128xi32, #tpu.memory_space<vmem>> -> memref<128xi32, #tpu.memory_space<vmem>>
    %dma_start3A_30 = arith.constant 0 : i32
    %dma_start3A_31 = arith.constant 0 : i32
    %dma_start3A_32 = tpu.memref_slice %arg2[%dma_start3A_30, %dma_start3A_31] : memref<10240x128xf32, #tpu.memory_space<hbm>> -> memref<10240x128xf32, #tpu.memory_space<hbm>>
    tpu.enqueue_indirect_dma source(%dma_start3A_32 : memref<10240x128xf32, #tpu.memory_space<hbm>>) target(%arg10 : memref<128x128xf32, #tpu.memory_space<vmem>>) offsets(%dma_start3A_29 : memref<128xi32, #tpu.memory_space<vmem>>) semaphore(%arg12 : memref<!tpu.dma_semaphore, #tpu.memory_space<semaphore_mem>>)
    %dma_wait3A = arith.constant 0 : i32
    %dma_wait3A_33 = arith.constant 0 : i32
    %dma_wait3A_34 = tpu.memref_slice %arg7[%dma_wait3A, %dma_wait3A_33] : memref<40x128xi32, #tpu.memory_space<vmem>> -> memref<1x128xi32, #tpu.memory_space<vmem>>
    %dma_wait3A_35 = tpu.memref_squeeze %dma_wait3A_34 : memref<1x128xi32, #tpu.memory_space<vmem>> -> memref<128xi32, #tpu.memory_space<vmem>>
    %dma_wait3A_36 = arith.constant 0 : i32
    %dma_wait3A_37 = arith.constant 0 : i32
    %dma_wait3A_38 = tpu.memref_slice %arg2[%dma_wait3A_36, %dma_wait3A_37] : memref<10240x128xf32, #tpu.memory_space<hbm>> -> memref<10240x128xf32, #tpu.memory_space<hbm>>
    tpu.wait_indirect_dma semaphore(%arg11 : memref<!tpu.dma_semaphore, #tpu.memory_space<semaphore_mem>>) src(%dma_wait3A_38 : memref<10240x128xf32, #tpu.memory_space<hbm>>) dst(%arg9 : memref<128x128xf32, #tpu.memory_space<vmem>>)
    %run_scoped3A = arith.constant 38 : i32
    "tpu.region"() ({
      %run_scoped3A_96 = tpu.sem_alloc : memref<!tpu.dma_semaphore, #tpu.memory_space<semaphore_mem>>
      %dma_start3A_97 = arith.constant 0 : i32
      %dma_start3A_98 = tpu.memref_slice %arg8[%run_scoped3A, %dma_start3A_97] : memref<40x128xi32, #tpu.memory_space<vmem>> -> memref<1x128xi32, #tpu.memory_space<vmem>>
      %dma_start3A_99 = tpu.memref_squeeze %dma_start3A_98 : memref<1x128xi32, #tpu.memory_space<vmem>> -> memref<128xi32, #tpu.memory_space<vmem>>
      %dma_start3A_100 = arith.constant 0 : i32
      %dma_start3A_101 = arith.constant 0 : i32
      %dma_start3A_102 = tpu.memref_slice %arg6[%dma_start3A_100, %dma_start3A_101] : memref<10240x128xf32, #tpu.memory_space<vmem_shared>> -> memref<10240x128xf32, #tpu.memory_space<vmem_shared>>
      tpu.enqueue_indirect_dma source(%arg9 : memref<128x128xf32, #tpu.memory_space<vmem>>) target(%dma_start3A_102 : memref<10240x128xf32, #tpu.memory_space<vmem_shared>>) offsets(%dma_start3A_99 : memref<128xi32, #tpu.memory_space<vmem>>) semaphore(%run_scoped3A_96 : memref<!tpu.dma_semaphore, #tpu.memory_space<semaphore_mem>>) {add = true}
      %dma_wait3A_103 = arith.constant 0 : i32
      %dma_wait3A_104 = tpu.memref_slice %arg8[%run_scoped3A, %dma_wait3A_103] : memref<40x128xi32, #tpu.memory_space<vmem>> -> memref<1x128xi32, #tpu.memory_space<vmem>>
      %dma_wait3A_105 = tpu.memref_squeeze %dma_wait3A_104 : memref<1x128xi32, #tpu.memory_space<vmem>> -> memref<128xi32, #tpu.memory_space<vmem>>
      %dma_wait3A_106 = arith.constant 0 : i32
      %dma_wait3A_107 = arith.constant 0 : i32
      %dma_wait3A_108 = tpu.memref_slice %arg6[%dma_wait3A_106, %dma_wait3A_107] : memref<10240x128xf32, #tpu.memory_space<vmem_shared>> -> memref<10240x128xf32, #tpu.memory_space<vmem_shared>>
      tpu.wait_indirect_dma semaphore(%run_scoped3A_96 : memref<!tpu.dma_semaphore, #tpu.memory_space<semaphore_mem>>) src(%arg9 : memref<128x128xf32, #tpu.memory_space<vmem>>) dst(%dma_wait3A_108 : memref<10240x128xf32, #tpu.memory_space<vmem_shared>>)
      tpu.yield
    }) : () -> ()
    %dma_wait3A_39 = arith.constant 0 : i32
    %dma_wait3A_40 = arith.constant 0 : i32
    %dma_wait3A_41 = tpu.memref_slice %arg7[%dma_wait3A_39, %dma_wait3A_40] : memref<40x128xi32, #tpu.memory_space<vmem>> -> memref<1x128xi32, #tpu.memory_space<vmem>>
    %dma_wait3A_42 = tpu.memref_squeeze %dma_wait3A_41 : memref<1x128xi32, #tpu.memory_space<vmem>> -> memref<128xi32, #tpu.memory_space<vmem>>
    %dma_wait3A_43 = arith.constant 0 : i32
    %dma_wait3A_44 = arith.constant 0 : i32
    %dma_wait3A_45 = tpu.memref_slice %arg2[%dma_wait3A_43, %dma_wait3A_44] : memref<10240x128xf32, #tpu.memory_space<hbm>> -> memref<10240x128xf32, #tpu.memory_space<hbm>>
    tpu.wait_indirect_dma semaphore(%arg12 : memref<!tpu.dma_semaphore, #tpu.memory_space<semaphore_mem>>) src(%dma_wait3A_45 : memref<10240x128xf32, #tpu.memory_space<hbm>>) dst(%arg10 : memref<128x128xf32, #tpu.memory_space<vmem>>)
    %run_scoped3A_46 = arith.constant 39 : i32
    "tpu.region"() ({
      %run_scoped3A_96 = tpu.sem_alloc : memref<!tpu.dma_semaphore, #tpu.memory_space<semaphore_mem>>
      %dma_start3A_97 = arith.constant 0 : i32
      %dma_start3A_98 = tpu.memref_slice %arg8[%run_scoped3A_46, %dma_start3A_97] : memref<40x128xi32, #tpu.memory_space<vmem>> -> memref<1x128xi32, #tpu.memory_space<vmem>>
      %dma_start3A_99 = tpu.memref_squeeze %dma_start3A_98 : memref<1x128xi32, #tpu.memory_space<vmem>> -> memref<128xi32, #tpu.memory_space<vmem>>
      %dma_start3A_100 = arith.constant 0 : i32
      %dma_start3A_101 = arith.constant 0 : i32
      %dma_start3A_102 = tpu.memref_slice %arg6[%dma_start3A_100, %dma_start3A_101] : memref<10240x128xf32, #tpu.memory_space<vmem_shared>> -> memref<10240x128xf32, #tpu.memory_space<vmem_shared>>
      tpu.enqueue_indirect_dma source(%arg10 : memref<128x128xf32, #tpu.memory_space<vmem>>) target(%dma_start3A_102 : memref<10240x128xf32, #tpu.memory_space<vmem_shared>>) offsets(%dma_start3A_99 : memref<128xi32, #tpu.memory_space<vmem>>) semaphore(%run_scoped3A_96 : memref<!tpu.dma_semaphore, #tpu.memory_space<semaphore_mem>>) {add = true}
      %dma_wait3A_103 = arith.constant 0 : i32
      %dma_wait3A_104 = tpu.memref_slice %arg8[%run_scoped3A_46, %dma_wait3A_103] : memref<40x128xi32, #tpu.memory_space<vmem>> -> memref<1x128xi32, #tpu.memory_space<vmem>>
      %dma_wait3A_105 = tpu.memref_squeeze %dma_wait3A_104 : memref<1x128xi32, #tpu.memory_space<vmem>> -> memref<128xi32, #tpu.memory_space<vmem>>
      %dma_wait3A_106 = arith.constant 0 : i32
      %dma_wait3A_107 = arith.constant 0 : i32
      %dma_wait3A_108 = tpu.memref_slice %arg6[%dma_wait3A_106, %dma_wait3A_107] : memref<10240x128xf32, #tpu.memory_space<vmem_shared>> -> memref<10240x128xf32, #tpu.memory_space<vmem_shared>>
      tpu.wait_indirect_dma semaphore(%run_scoped3A_96 : memref<!tpu.dma_semaphore, #tpu.memory_space<semaphore_mem>>) src(%arg10 : memref<128x128xf32, #tpu.memory_space<vmem>>) dst(%dma_wait3A_108 : memref<10240x128xf32, #tpu.memory_space<vmem_shared>>)
      tpu.yield
    }) : () -> ()
    %mul3A_47 = arith.constant 80 : i32
    %mul3A_48 = arith.muli %add3A, %mul3A_47 : i32
    %add3A_49 = arith.constant 40 : i32
    %add3A_50 = arith.addi %mul3A_48, %add3A_49 : i32
    "tpu.region"() ({
      %run_scoped3A_96 = tpu.sem_alloc : memref<!tpu.dma_semaphore, #tpu.memory_space<semaphore_mem>>
      %dma_start3A_97 = arith.constant 0 : i32
      %dma_start3A_98 = tpu.memref_slice %arg3[%add3A_50, %dma_start3A_97] : memref<2560x128xi32, #tpu.memory_space<hbm>> -> memref<40x128xi32, #tpu.memory_space<hbm>>
      %dma_start3A_99 = arith.constant 0 : i32
      %dma_start3A_100 = tpu.memref_slice %arg3[%add3A_50, %dma_start3A_99] : memref<2560x128xi32, #tpu.memory_space<hbm>> -> memref<40x128xi32, #tpu.memory_space<hbm>>
      tpu.enqueue_dma source(%dma_start3A_100 : memref<40x128xi32, #tpu.memory_space<hbm>>) target(%arg7 : memref<40x128xi32, #tpu.memory_space<vmem>>) target_semaphore(%run_scoped3A_96 : memref<!tpu.dma_semaphore, #tpu.memory_space<semaphore_mem>>)
      %dma_wait3A_101 = arith.constant 0 : i32
      %dma_wait3A_102 = tpu.memref_slice %arg3[%add3A_50, %dma_wait3A_101] : memref<2560x128xi32, #tpu.memory_space<hbm>> -> memref<40x128xi32, #tpu.memory_space<hbm>>
      %dma_wait3A_103 = arith.constant 0 : i32
      %dma_wait3A_104 = tpu.memref_slice %arg3[%add3A_50, %dma_wait3A_103] : memref<2560x128xi32, #tpu.memory_space<hbm>> -> memref<40x128xi32, #tpu.memory_space<hbm>>
      tpu.wait_dma2 semaphore(%run_scoped3A_96 : memref<!tpu.dma_semaphore, #tpu.memory_space<semaphore_mem>>) src(%dma_wait3A_104 : memref<40x128xi32, #tpu.memory_space<hbm>>) dst(%arg7 : memref<40x128xi32, #tpu.memory_space<vmem>>)
      tpu.yield
    }) : () -> ()
    %mul3A_51 = arith.constant 80 : i32
    %mul3A_52 = arith.muli %add3A, %mul3A_51 : i32
    %add3A_53 = arith.constant 40 : i32
    %add3A_54 = arith.addi %mul3A_52, %add3A_53 : i32
    "tpu.region"() ({
      %run_scoped3A_96 = tpu.sem_alloc : memref<!tpu.dma_semaphore, #tpu.memory_space<semaphore_mem>>
      %dma_start3A_97 = arith.constant 0 : i32
      %dma_start3A_98 = tpu.memref_slice %arg4[%add3A_54, %dma_start3A_97] : memref<2560x128xi32, #tpu.memory_space<hbm>> -> memref<40x128xi32, #tpu.memory_space<hbm>>
      %dma_start3A_99 = arith.constant 0 : i32
      %dma_start3A_100 = tpu.memref_slice %arg4[%add3A_54, %dma_start3A_99] : memref<2560x128xi32, #tpu.memory_space<hbm>> -> memref<40x128xi32, #tpu.memory_space<hbm>>
      tpu.enqueue_dma source(%dma_start3A_100 : memref<40x128xi32, #tpu.memory_space<hbm>>) target(%arg8 : memref<40x128xi32, #tpu.memory_space<vmem>>) target_semaphore(%run_scoped3A_96 : memref<!tpu.dma_semaphore, #tpu.memory_space<semaphore_mem>>)
      %dma_wait3A_101 = arith.constant 0 : i32
      %dma_wait3A_102 = tpu.memref_slice %arg4[%add3A_54, %dma_wait3A_101] : memref<2560x128xi32, #tpu.memory_space<hbm>> -> memref<40x128xi32, #tpu.memory_space<hbm>>
      %dma_wait3A_103 = arith.constant 0 : i32
      %dma_wait3A_104 = tpu.memref_slice %arg4[%add3A_54, %dma_wait3A_103] : memref<2560x128xi32, #tpu.memory_space<hbm>> -> memref<40x128xi32, #tpu.memory_space<hbm>>
      tpu.wait_dma2 semaphore(%run_scoped3A_96 : memref<!tpu.dma_semaphore, #tpu.memory_space<semaphore_mem>>) src(%dma_wait3A_104 : memref<40x128xi32, #tpu.memory_space<hbm>>) dst(%arg8 : memref<40x128xi32, #tpu.memory_space<vmem>>)
      tpu.yield
    }) : () -> ()
    %dma_start3A_55 = arith.constant 0 : i32
    %dma_start3A_56 = arith.constant 0 : i32
    %dma_start3A_57 = tpu.memref_slice %arg7[%dma_start3A_55, %dma_start3A_56] : memref<40x128xi32, #tpu.memory_space<vmem>> -> memref<1x128xi32, #tpu.memory_space<vmem>>
    %dma_start3A_58 = tpu.memref_squeeze %dma_start3A_57 : memref<1x128xi32, #tpu.memory_space<vmem>> -> memref<128xi32, #tpu.memory_space<vmem>>
    %dma_start3A_59 = arith.constant 0 : i32
    %dma_start3A_60 = arith.constant 0 : i32
    %dma_start3A_61 = tpu.memref_slice %arg2[%dma_start3A_59, %dma_start3A_60] : memref<10240x128xf32, #tpu.memory_space<hbm>> -> memref<10240x128xf32, #tpu.memory_space<hbm>>
    tpu.enqueue_indirect_dma source(%dma_start3A_61 : memref<10240x128xf32, #tpu.memory_space<hbm>>) target(%arg9 : memref<128x128xf32, #tpu.memory_space<vmem>>) offsets(%dma_start3A_58 : memref<128xi32, #tpu.memory_space<vmem>>) semaphore(%arg11 : memref<!tpu.dma_semaphore, #tpu.memory_space<semaphore_mem>>)
    %scan3A_62 = arith.constant 0 : i32
    %scan3A_63 = arith.constant 0 : i32
    %scan3A_64 = arith.constant 19 : i32
    %scan3A_65 = arith.addi %scan3A_63, %scan3A_64 : i32
    %scan3A_66 = arith.constant 1 : i32
    scf.for %scan3A_96 = %scan3A_63 to %scan3A_65 step %scan3A_66  : i32 {
      %mul3A_97 = arith.constant 2 : i32
      %mul3A_98 = arith.muli %mul3A_97, %scan3A_96 : i32
      %add3A_99 = arith.constant 1 : i32
      %add3A_100 = arith.addi %mul3A_98, %add3A_99 : i32
      %dma_start3A_101 = arith.constant 0 : i32
      %dma_start3A_102 = tpu.memref_slice %arg7[%add3A_100, %dma_start3A_101] : memref<40x128xi32, #tpu.memory_space<vmem>> -> memref<1x128xi32, #tpu.memory_space<vmem>>
      %dma_start3A_103 = tpu.memref_squeeze %dma_start3A_102 : memref<1x128xi32, #tpu.memory_space<vmem>> -> memref<128xi32, #tpu.memory_space<vmem>>
      %dma_start3A_104 = arith.constant 0 : i32
      %dma_start3A_105 = arith.constant 0 : i32
      %dma_start3A_106 = tpu.memref_slice %arg2[%dma_start3A_104, %dma_start3A_105] : memref<10240x128xf32, #tpu.memory_space<hbm>> -> memref<10240x128xf32, #tpu.memory_space<hbm>>
      tpu.enqueue_indirect_dma source(%dma_start3A_106 : memref<10240x128xf32, #tpu.memory_space<hbm>>) target(%arg10 : memref<128x128xf32, #tpu.memory_space<vmem>>) offsets(%dma_start3A_103 : memref<128xi32, #tpu.memory_space<vmem>>) semaphore(%arg12 : memref<!tpu.dma_semaphore, #tpu.memory_space<semaphore_mem>>)
      %dma_wait3A_107 = arith.constant 0 : i32
      %dma_wait3A_108 = arith.constant 0 : i32
      %dma_wait3A_109 = tpu.memref_slice %arg7[%dma_wait3A_107, %dma_wait3A_108] : memref<40x128xi32, #tpu.memory_space<vmem>> -> memref<1x128xi32, #tpu.memory_space<vmem>>
      %dma_wait3A_110 = tpu.memref_squeeze %dma_wait3A_109 : memref<1x128xi32, #tpu.memory_space<vmem>> -> memref<128xi32, #tpu.memory_space<vmem>>
      %dma_wait3A_111 = arith.constant 0 : i32
      %dma_wait3A_112 = arith.constant 0 : i32
      %dma_wait3A_113 = tpu.memref_slice %arg2[%dma_wait3A_111, %dma_wait3A_112] : memref<10240x128xf32, #tpu.memory_space<hbm>> -> memref<10240x128xf32, #tpu.memory_space<hbm>>
      tpu.wait_indirect_dma semaphore(%arg11 : memref<!tpu.dma_semaphore, #tpu.memory_space<semaphore_mem>>) src(%dma_wait3A_113 : memref<10240x128xf32, #tpu.memory_space<hbm>>) dst(%arg9 : memref<128x128xf32, #tpu.memory_space<vmem>>)
      "tpu.region"() ({
        %run_scoped3A_131 = tpu.sem_alloc : memref<!tpu.dma_semaphore, #tpu.memory_space<semaphore_mem>>
        %dma_start3A_132 = arith.constant 0 : i32
        %dma_start3A_133 = tpu.memref_slice %arg8[%mul3A_98, %dma_start3A_132] : memref<40x128xi32, #tpu.memory_space<vmem>> -> memref<1x128xi32, #tpu.memory_space<vmem>>
        %dma_start3A_134 = tpu.memref_squeeze %dma_start3A_133 : memref<1x128xi32, #tpu.memory_space<vmem>> -> memref<128xi32, #tpu.memory_space<vmem>>
        %dma_start3A_135 = arith.constant 0 : i32
        %dma_start3A_136 = arith.constant 0 : i32
        %dma_start3A_137 = tpu.memref_slice %arg6[%dma_start3A_135, %dma_start3A_136] : memref<10240x128xf32, #tpu.memory_space<vmem_shared>> -> memref<10240x128xf32, #tpu.memory_space<vmem_shared>>
        tpu.enqueue_indirect_dma source(%arg9 : memref<128x128xf32, #tpu.memory_space<vmem>>) target(%dma_start3A_137 : memref<10240x128xf32, #tpu.memory_space<vmem_shared>>) offsets(%dma_start3A_134 : memref<128xi32, #tpu.memory_space<vmem>>) semaphore(%run_scoped3A_131 : memref<!tpu.dma_semaphore, #tpu.memory_space<semaphore_mem>>) {add = true}
        %dma_wait3A_138 = arith.constant 0 : i32
        %dma_wait3A_139 = tpu.memref_slice %arg8[%mul3A_98, %dma_wait3A_138] : memref<40x128xi32, #tpu.memory_space<vmem>> -> memref<1x128xi32, #tpu.memory_space<vmem>>
        %dma_wait3A_140 = tpu.memref_squeeze %dma_wait3A_139 : memref<1x128xi32, #tpu.memory_space<vmem>> -> memref<128xi32, #tpu.memory_space<vmem>>
        %dma_wait3A_141 = arith.constant 0 : i32
        %dma_wait3A_142 = arith.constant 0 : i32
        %dma_wait3A_143 = tpu.memref_slice %arg6[%dma_wait3A_141, %dma_wait3A_142] : memref<10240x128xf32, #tpu.memory_space<vmem_shared>> -> memref<10240x128xf32, #tpu.memory_space<vmem_shared>>
        tpu.wait_indirect_dma semaphore(%run_scoped3A_131 : memref<!tpu.dma_semaphore, #tpu.memory_space<semaphore_mem>>) src(%arg9 : memref<128x128xf32, #tpu.memory_space<vmem>>) dst(%dma_wait3A_143 : memref<10240x128xf32, #tpu.memory_space<vmem_shared>>)
        tpu.yield
      }) : () -> ()
      %add3A_114 = arith.constant 2 : i32
      %add3A_115 = arith.addi %mul3A_98, %add3A_114 : i32
      %dma_start3A_116 = arith.constant 0 : i32
      %dma_start3A_117 = tpu.memref_slice %arg7[%add3A_115, %dma_start3A_116] : memref<40x128xi32, #tpu.memory_space<vmem>> -> memref<1x128xi32, #tpu.memory_space<vmem>>
      %dma_start3A_118 = tpu.memref_squeeze %dma_start3A_117 : memref<1x128xi32, #tpu.memory_space<vmem>> -> memref<128xi32, #tpu.memory_space<vmem>>
      %dma_start3A_119 = arith.constant 0 : i32
      %dma_start3A_120 = arith.constant 0 : i32
      %dma_start3A_121 = tpu.memref_slice %arg2[%dma_start3A_119, %dma_start3A_120] : memref<10240x128xf32, #tpu.memory_space<hbm>> -> memref<10240x128xf32, #tpu.memory_space<hbm>>
      tpu.enqueue_indirect_dma source(%dma_start3A_121 : memref<10240x128xf32, #tpu.memory_space<hbm>>) target(%arg9 : memref<128x128xf32, #tpu.memory_space<vmem>>) offsets(%dma_start3A_118 : memref<128xi32, #tpu.memory_space<vmem>>) semaphore(%arg11 : memref<!tpu.dma_semaphore, #tpu.memory_space<semaphore_mem>>)
      %dma_wait3A_122 = arith.constant 0 : i32
      %dma_wait3A_123 = arith.constant 0 : i32
      %dma_wait3A_124 = tpu.memref_slice %arg7[%dma_wait3A_122, %dma_wait3A_123] : memref<40x128xi32, #tpu.memory_space<vmem>> -> memref<1x128xi32, #tpu.memory_space<vmem>>
      %dma_wait3A_125 = tpu.memref_squeeze %dma_wait3A_124 : memref<1x128xi32, #tpu.memory_space<vmem>> -> memref<128xi32, #tpu.memory_space<vmem>>
      %dma_wait3A_126 = arith.constant 0 : i32
      %dma_wait3A_127 = arith.constant 0 : i32
      %dma_wait3A_128 = tpu.memref_slice %arg2[%dma_wait3A_126, %dma_wait3A_127] : memref<10240x128xf32, #tpu.memory_space<hbm>> -> memref<10240x128xf32, #tpu.memory_space<hbm>>
      tpu.wait_indirect_dma semaphore(%arg12 : memref<!tpu.dma_semaphore, #tpu.memory_space<semaphore_mem>>) src(%dma_wait3A_128 : memref<10240x128xf32, #tpu.memory_space<hbm>>) dst(%arg10 : memref<128x128xf32, #tpu.memory_space<vmem>>)
      %add3A_129 = arith.constant 1 : i32
      %add3A_130 = arith.addi %mul3A_98, %add3A_129 : i32
      "tpu.region"() ({
        %run_scoped3A_131 = tpu.sem_alloc : memref<!tpu.dma_semaphore, #tpu.memory_space<semaphore_mem>>
        %dma_start3A_132 = arith.constant 0 : i32
        %dma_start3A_133 = tpu.memref_slice %arg8[%add3A_130, %dma_start3A_132] : memref<40x128xi32, #tpu.memory_space<vmem>> -> memref<1x128xi32, #tpu.memory_space<vmem>>
        %dma_start3A_134 = tpu.memref_squeeze %dma_start3A_133 : memref<1x128xi32, #tpu.memory_space<vmem>> -> memref<128xi32, #tpu.memory_space<vmem>>
        %dma_start3A_135 = arith.constant 0 : i32
        %dma_start3A_136 = arith.constant 0 : i32
        %dma_start3A_137 = tpu.memref_slice %arg6[%dma_start3A_135, %dma_start3A_136] : memref<10240x128xf32, #tpu.memory_space<vmem_shared>> -> memref<10240x128xf32, #tpu.memory_space<vmem_shared>>
        tpu.enqueue_indirect_dma source(%arg10 : memref<128x128xf32, #tpu.memory_space<vmem>>) target(%dma_start3A_137 : memref<10240x128xf32, #tpu.memory_space<vmem_shared>>) offsets(%dma_start3A_134 : memref<128xi32, #tpu.memory_space<vmem>>) semaphore(%run_scoped3A_131 : memref<!tpu.dma_semaphore, #tpu.memory_space<semaphore_mem>>) {add = true}
        %dma_wait3A_138 = arith.constant 0 : i32
        %dma_wait3A_139 = tpu.memref_slice %arg8[%add3A_130, %dma_wait3A_138] : memref<40x128xi32, #tpu.memory_space<vmem>> -> memref<1x128xi32, #tpu.memory_space<vmem>>
        %dma_wait3A_140 = tpu.memref_squeeze %dma_wait3A_139 : memref<1x128xi32, #tpu.memory_space<vmem>> -> memref<128xi32, #tpu.memory_space<vmem>>
        %dma_wait3A_141 = arith.constant 0 : i32
        %dma_wait3A_142 = arith.constant 0 : i32
        %dma_wait3A_143 = tpu.memref_slice %arg6[%dma_wait3A_141, %dma_wait3A_142] : memref<10240x128xf32, #tpu.memory_space<vmem_shared>> -> memref<10240x128xf32, #tpu.memory_space<vmem_shared>>
        tpu.wait_indirect_dma semaphore(%run_scoped3A_131 : memref<!tpu.dma_semaphore, #tpu.memory_space<semaphore_mem>>) src(%arg10 : memref<128x128xf32, #tpu.memory_space<vmem>>) dst(%dma_wait3A_143 : memref<10240x128xf32, #tpu.memory_space<vmem_shared>>)
        tpu.yield
      }) : () -> ()
    }
    %scan3A_67 = arith.constant 19 : i32
    %dma_start3A_68 = arith.constant 39 : i32
    %dma_start3A_69 = arith.constant 0 : i32
    %dma_start3A_70 = tpu.memref_slice %arg7[%dma_start3A_68, %dma_start3A_69] : memref<40x128xi32, #tpu.memory_space<vmem>> -> memref<1x128xi32, #tpu.memory_space<vmem>>
    %dma_start3A_71 = tpu.memref_squeeze %dma_start3A_70 : memref<1x128xi32, #tpu.memory_space<vmem>> -> memref<128xi32, #tpu.memory_space<vmem>>
    %dma_start3A_72 = arith.constant 0 : i32
    %dma_start3A_73 = arith.constant 0 : i32
    %dma_start3A_74 = tpu.memref_slice %arg2[%dma_start3A_72, %dma_start3A_73] : memref<10240x128xf32, #tpu.memory_space<hbm>> -> memref<10240x128xf32, #tpu.memory_space<hbm>>
    tpu.enqueue_indirect_dma source(%dma_start3A_74 : memref<10240x128xf32, #tpu.memory_space<hbm>>) target(%arg10 : memref<128x128xf32, #tpu.memory_space<vmem>>) offsets(%dma_start3A_71 : memref<128xi32, #tpu.memory_space<vmem>>) semaphore(%arg12 : memref<!tpu.dma_semaphore, #tpu.memory_space<semaphore_mem>>)
    %dma_wait3A_75 = arith.constant 0 : i32
    %dma_wait3A_76 = arith.constant 0 : i32
    %dma_wait3A_77 = tpu.memref_slice %arg7[%dma_wait3A_75, %dma_wait3A_76] : memref<40x128xi32, #tpu.memory_space<vmem>> -> memref<1x128xi32, #tpu.memory_space<vmem>>
    %dma_wait3A_78 = tpu.memref_squeeze %dma_wait3A_77 : memref<1x128xi32, #tpu.memory_space<vmem>> -> memref<128xi32, #tpu.memory_space<vmem>>
    %dma_wait3A_79 = arith.constant 0 : i32
    %dma_wait3A_80 = arith.constant 0 : i32
    %dma_wait3A_81 = tpu.memref_slice %arg2[%dma_wait3A_79, %dma_wait3A_80] : memref<10240x128xf32, #tpu.memory_space<hbm>> -> memref<10240x128xf32, #tpu.memory_space<hbm>>
    tpu.wait_indirect_dma semaphore(%arg11 : memref<!tpu.dma_semaphore, #tpu.memory_space<semaphore_mem>>) src(%dma_wait3A_81 : memref<10240x128xf32, #tpu.memory_space<hbm>>) dst(%arg9 : memref<128x128xf32, #tpu.memory_space<vmem>>)
    %run_scoped3A_82 = arith.constant 38 : i32
    "tpu.region"() ({
      %run_scoped3A_96 = tpu.sem_alloc : memref<!tpu.dma_semaphore, #tpu.memory_space<semaphore_mem>>
      %dma_start3A_97 = arith.constant 0 : i32
      %dma_start3A_98 = tpu.memref_slice %arg8[%run_scoped3A_82, %dma_start3A_97] : memref<40x128xi32, #tpu.memory_space<vmem>> -> memref<1x128xi32, #tpu.memory_space<vmem>>
      %dma_start3A_99 = tpu.memref_squeeze %dma_start3A_98 : memref<1x128xi32, #tpu.memory_space<vmem>> -> memref<128xi32, #tpu.memory_space<vmem>>
      %dma_start3A_100 = arith.constant 0 : i32
      %dma_start3A_101 = arith.constant 0 : i32
      %dma_start3A_102 = tpu.memref_slice %arg6[%dma_start3A_100, %dma_start3A_101] : memref<10240x128xf32, #tpu.memory_space<vmem_shared>> -> memref<10240x128xf32, #tpu.memory_space<vmem_shared>>
      tpu.enqueue_indirect_dma source(%arg9 : memref<128x128xf32, #tpu.memory_space<vmem>>) target(%dma_start3A_102 : memref<10240x128xf32, #tpu.memory_space<vmem_shared>>) offsets(%dma_start3A_99 : memref<128xi32, #tpu.memory_space<vmem>>) semaphore(%run_scoped3A_96 : memref<!tpu.dma_semaphore, #tpu.memory_space<semaphore_mem>>) {add = true}
      %dma_wait3A_103 = arith.constant 0 : i32
      %dma_wait3A_104 = tpu.memref_slice %arg8[%run_scoped3A_82, %dma_wait3A_103] : memref<40x128xi32, #tpu.memory_space<vmem>> -> memref<1x128xi32, #tpu.memory_space<vmem>>
      %dma_wait3A_105 = tpu.memref_squeeze %dma_wait3A_104 : memref<1x128xi32, #tpu.memory_space<vmem>> -> memref<128xi32, #tpu.memory_space<vmem>>
      %dma_wait3A_106 = arith.constant 0 : i32
      %dma_wait3A_107 = arith.constant 0 : i32
      %dma_wait3A_108 = tpu.memref_slice %arg6[%dma_wait3A_106, %dma_wait3A_107] : memref<10240x128xf32, #tpu.memory_space<vmem_shared>> -> memref<10240x128xf32, #tpu.memory_space<vmem_shared>>
      tpu.wait_indirect_dma semaphore(%run_scoped3A_96 : memref<!tpu.dma_semaphore, #tpu.memory_space<semaphore_mem>>) src(%arg9 : memref<128x128xf32, #tpu.memory_space<vmem>>) dst(%dma_wait3A_108 : memref<10240x128xf32, #tpu.memory_space<vmem_shared>>)
      tpu.yield
    }) : () -> ()
    %dma_wait3A_83 = arith.constant 0 : i32
    %dma_wait3A_84 = arith.constant 0 : i32
    %dma_wait3A_85 = tpu.memref_slice %arg7[%dma_wait3A_83, %dma_wait3A_84] : memref<40x128xi32, #tpu.memory_space<vmem>> -> memref<1x128xi32, #tpu.memory_space<vmem>>
    %dma_wait3A_86 = tpu.memref_squeeze %dma_wait3A_85 : memref<1x128xi32, #tpu.memory_space<vmem>> -> memref<128xi32, #tpu.memory_space<vmem>>
    %dma_wait3A_87 = arith.constant 0 : i32
    %dma_wait3A_88 = arith.constant 0 : i32
    %dma_wait3A_89 = tpu.memref_slice %arg2[%dma_wait3A_87, %dma_wait3A_88] : memref<10240x128xf32, #tpu.memory_space<hbm>> -> memref<10240x128xf32, #tpu.memory_space<hbm>>
    tpu.wait_indirect_dma semaphore(%arg12 : memref<!tpu.dma_semaphore, #tpu.memory_space<semaphore_mem>>) src(%dma_wait3A_89 : memref<10240x128xf32, #tpu.memory_space<hbm>>) dst(%arg10 : memref<128x128xf32, #tpu.memory_space<vmem>>)
    %run_scoped3A_90 = arith.constant 39 : i32
    "tpu.region"() ({
      %run_scoped3A_96 = tpu.sem_alloc : memref<!tpu.dma_semaphore, #tpu.memory_space<semaphore_mem>>
      %dma_start3A_97 = arith.constant 0 : i32
      %dma_start3A_98 = tpu.memref_slice %arg8[%run_scoped3A_90, %dma_start3A_97] : memref<40x128xi32, #tpu.memory_space<vmem>> -> memref<1x128xi32, #tpu.memory_space<vmem>>
      %dma_start3A_99 = tpu.memref_squeeze %dma_start3A_98 : memref<1x128xi32, #tpu.memory_space<vmem>> -> memref<128xi32, #tpu.memory_space<vmem>>
      %dma_start3A_100 = arith.constant 0 : i32
      %dma_start3A_101 = arith.constant 0 : i32
      %dma_start3A_102 = tpu.memref_slice %arg6[%dma_start3A_100, %dma_start3A_101] : memref<10240x128xf32, #tpu.memory_space<vmem_shared>> -> memref<10240x128xf32, #tpu.memory_space<vmem_shared>>
      tpu.enqueue_indirect_dma source(%arg10 : memref<128x128xf32, #tpu.memory_space<vmem>>) target(%dma_start3A_102 : memref<10240x128xf32, #tpu.memory_space<vmem_shared>>) offsets(%dma_start3A_99 : memref<128xi32, #tpu.memory_space<vmem>>) semaphore(%run_scoped3A_96 : memref<!tpu.dma_semaphore, #tpu.memory_space<semaphore_mem>>) {add = true}
      %dma_wait3A_103 = arith.constant 0 : i32
      %dma_wait3A_104 = tpu.memref_slice %arg8[%run_scoped3A_90, %dma_wait3A_103] : memref<40x128xi32, #tpu.memory_space<vmem>> -> memref<1x128xi32, #tpu.memory_space<vmem>>
      %dma_wait3A_105 = tpu.memref_squeeze %dma_wait3A_104 : memref<1x128xi32, #tpu.memory_space<vmem>> -> memref<128xi32, #tpu.memory_space<vmem>>
      %dma_wait3A_106 = arith.constant 0 : i32
      %dma_wait3A_107 = arith.constant 0 : i32
      %dma_wait3A_108 = tpu.memref_slice %arg6[%dma_wait3A_106, %dma_wait3A_107] : memref<10240x128xf32, #tpu.memory_space<vmem_shared>> -> memref<10240x128xf32, #tpu.memory_space<vmem_shared>>
      tpu.wait_indirect_dma semaphore(%run_scoped3A_96 : memref<!tpu.dma_semaphore, #tpu.memory_space<semaphore_mem>>) src(%arg10 : memref<128x128xf32, #tpu.memory_space<vmem>>) dst(%dma_wait3A_108 : memref<10240x128xf32, #tpu.memory_space<vmem_shared>>)
      tpu.yield
    }) : () -> ()
    %barrier3A_91 = arith.constant 0 : index
    tpu.barrier barrier_id(%barrier3A_91)
    %mul3A_92 = arith.constant 640 : i32
    %mul3A_93 = arith.muli %arg1, %mul3A_92 : i32
    %mul3A_94 = arith.constant 640 : i32
    %mul3A_95 = arith.muli %arg1, %mul3A_94 : i32
    "tpu.region"() ({
      %run_scoped3A_96 = tpu.sem_alloc : memref<!tpu.dma_semaphore, #tpu.memory_space<semaphore_mem>>
      %dma_start3A_97 = arith.constant 0 : i32
      %dma_start3A_98 = tpu.memref_slice %arg5[%arg0, %mul3A_95, %dma_start3A_97] : memref<2x10240x128xf32, #tpu.memory_space<hbm>> -> memref<1x640x128xf32, #tpu.memory_space<hbm>>
      %dma_start3A_99 = tpu.memref_squeeze %dma_start3A_98 : memref<1x640x128xf32, #tpu.memory_space<hbm>> -> memref<640x128xf32, #tpu.memory_space<hbm>>
      %dma_start3A_100 = arith.constant 0 : i32
      %dma_start3A_101 = tpu.memref_slice %arg6[%mul3A_93, %dma_start3A_100] : memref<10240x128xf32, #tpu.memory_space<vmem_shared>> -> memref<640x128xf32, #tpu.memory_space<vmem_shared>>
      tpu.enqueue_dma source(%dma_start3A_101 : memref<640x128xf32, #tpu.memory_space<vmem_shared>>) target(%dma_start3A_99 : memref<640x128xf32, #tpu.memory_space<hbm>>) target_semaphore(%run_scoped3A_96 : memref<!tpu.dma_semaphore, #tpu.memory_space<semaphore_mem>>)
      %dma_wait3A_102 = arith.constant 0 : i32
      %dma_wait3A_103 = tpu.memref_slice %arg5[%arg0, %mul3A_95, %dma_wait3A_102] : memref<2x10240x128xf32, #tpu.memory_space<hbm>> -> memref<1x640x128xf32, #tpu.memory_space<hbm>>
      %dma_wait3A_104 = tpu.memref_squeeze %dma_wait3A_103 : memref<1x640x128xf32, #tpu.memory_space<hbm>> -> memref<640x128xf32, #tpu.memory_space<hbm>>
      %dma_wait3A_105 = arith.constant 0 : i32
      %dma_wait3A_106 = tpu.memref_slice %arg6[%mul3A_93, %dma_wait3A_105] : memref<10240x128xf32, #tpu.memory_space<vmem_shared>> -> memref<640x128xf32, #tpu.memory_space<vmem_shared>>
      tpu.wait_dma2 semaphore(%run_scoped3A_96 : memref<!tpu.dma_semaphore, #tpu.memory_space<semaphore_mem>>) src(%dma_wait3A_106 : memref<640x128xf32, #tpu.memory_space<vmem_shared>>) dst(%dma_wait3A_104 : memref<640x128xf32, #tpu.memory_space<hbm>>)
      tpu.yield
    }) : () -> ()
    return
  }
}

#map = affine_map<(d0, d1) -> (0, 0)>
#map1 = affine_map<(d0, d1) -> (0, 0, 0)>
module attributes {stable_mosaic.version = 14 : i64} {
  func.func @_agg_body(%arg0: i32, %arg1: i32, %arg2: memref<10240x128xf32, #tpu.memory_space<hbm>>, %arg3: memref<2560x128xi32, #tpu.memory_space<hbm>>, %arg4: memref<2560x128xi32, #tpu.memory_space<hbm>>, %arg5: memref<2x10240x128xf32, #tpu.memory_space<hbm>>, %arg6: memref<10240x128xf32, #tpu.memory_space<vmem_shared>>, %arg7: memref<40x128xi32, #tpu.memory_space<vmem>>, %arg8: memref<40x128xi32, #tpu.memory_space<vmem>>, %arg9: memref<128x128xf32, #tpu.memory_space<vmem>>, %arg10: memref<128x128xf32, #tpu.memory_space<vmem>>, %arg11: memref<!tpu.dma_semaphore, #tpu.memory_space<semaphore_mem>>, %arg12: memref<!tpu.dma_semaphore, #tpu.memory_space<semaphore_mem>>) attributes {dimension_semantics = [#tpu.dimension_semantics<core_parallel>, #tpu.dimension_semantics<subcore_parallel>], iteration_bounds = array<i64: 2, 16>, scalar_prefetch = 0 : i64, scratch_operands = 7 : i64, tpu.core_type = #tpu.core_type<sc_vector_subcore>, window_params = [{transform_indices = #map}, {transform_indices = #map}, {transform_indices = #map}, {transform_indices = #map1}]} {
    %mul3A = arith.constant 16 : i32
    %mul3A_0 = arith.muli %arg0, %mul3A : i32
    %add3A = arith.addi %mul3A_0, %arg1 : i32
    %eq3A = arith.constant 0 : i32
    %eq3A_1 = arith.cmpi eq, %arg0, %eq3A : i32
    %convert_element_type3A = arith.extui %eq3A_1 : i1 to i32
    %cond3A = arith.constant 0 : i32
    %cond3A_2 = arith.cmpi ne, %convert_element_type3A, %cond3A : i32
    scf.if %cond3A_2 {
      %mul3A_96 = arith.constant 640 : i32
      %mul3A_97 = arith.muli %arg1, %mul3A_96 : i32
      %mul3A_98 = arith.constant 640 : i32
      %mul3A_99 = arith.muli %arg1, %mul3A_98 : i32
      "tpu.region"() ({
        %run_scoped3A_100 = tpu.sem_alloc : memref<!tpu.dma_semaphore, #tpu.memory_space<semaphore_mem>>
        %dma_start3A_101 = arith.constant 0 : i32
        %dma_start3A_102 = tpu.memref_slice %arg6[%mul3A_99, %dma_start3A_101] : memref<10240x128xf32, #tpu.memory_space<vmem_shared>> -> memref<640x128xf32, #tpu.memory_space<vmem_shared>>
        %dma_start3A_103 = arith.constant 0 : i32
        %dma_start3A_104 = tpu.memref_slice %arg2[%mul3A_97, %dma_start3A_103] : memref<10240x128xf32, #tpu.memory_space<hbm>> -> memref<640x128xf32, #tpu.memory_space<hbm>>
        tpu.enqueue_dma source(%dma_start3A_104 : memref<640x128xf32, #tpu.memory_space<hbm>>) target(%dma_start3A_102 : memref<640x128xf32, #tpu.memory_space<vmem_shared>>) target_semaphore(%run_scoped3A_100 : memref<!tpu.dma_semaphore, #tpu.memory_space<semaphore_mem>>)
        %dma_wait3A_105 = arith.constant 0 : i32
        %dma_wait3A_106 = tpu.memref_slice %arg6[%mul3A_99, %dma_wait3A_105] : memref<10240x128xf32, #tpu.memory_space<vmem_shared>> -> memref<640x128xf32, #tpu.memory_space<vmem_shared>>
        %dma_wait3A_107 = arith.constant 0 : i32
        %dma_wait3A_108 = tpu.memref_slice %arg2[%mul3A_97, %dma_wait3A_107] : memref<10240x128xf32, #tpu.memory_space<hbm>> -> memref<640x128xf32, #tpu.memory_space<hbm>>
        tpu.wait_dma2 semaphore(%run_scoped3A_100 : memref<!tpu.dma_semaphore, #tpu.memory_space<semaphore_mem>>) src(%dma_wait3A_108 : memref<640x128xf32, #tpu.memory_space<hbm>>) dst(%dma_wait3A_106 : memref<640x128xf32, #tpu.memory_space<vmem_shared>>)
        tpu.yield
      }) : () -> ()
    } else {
    }
    %ne3A = arith.constant 0 : i32
    %ne3A_3 = arith.cmpi ne, %arg0, %ne3A : i32
    %convert_element_type3A_4 = arith.extui %ne3A_3 : i1 to i32
    %cond3A_5 = arith.constant 0 : i32
    %cond3A_6 = arith.cmpi ne, %convert_element_type3A_4, %cond3A_5 : i32
    scf.if %cond3A_6 {
      %scan3A_96 = arith.constant 0 : i32
      %scan3A_97 = arith.constant 0 : i32
      %scan3A_98 = arith.constant 128 : i32
      %scan3A_99 = arith.addi %scan3A_97, %scan3A_98 : i32
      %scan3A_100 = arith.constant 1 : i32
      scf.for %scan3A_122 = %scan3A_97 to %scan3A_99 step %scan3A_100  : i32 {
        %broadcast_in_dim3A = arith.constant 0.000000e+00 : f32
        %broadcast_in_dim3A_123 = vector.broadcast %broadcast_in_dim3A : f32 to vector<16xf32>
        %swap3A = arith.index_cast %scan3A_122 : i32 to index
        %swap3A_124 = arith.constant 0 : index
        %swap3A_125 = tpu.vector_load %arg9[%swap3A, %swap3A_124] {strides = array<i32>} : memref<128x128xf32, #tpu.memory_space<vmem>>, vector<1x16xf32>,
        %swap3A_126 = vector.shape_cast %swap3A_125 : vector<1x16xf32> to vector<16xf32>
        %swap3A_127 = vector.shape_cast %broadcast_in_dim3A_123 : vector<16xf32> to vector<1x16xf32>
        tpu.vector_store %arg9[%swap3A, %swap3A_124], %swap3A_127 {strides = array<i32>} : memref<128x128xf32, #tpu.memory_space<vmem>>, vector<1x16xf32>,
        %broadcast_in_dim3A_128 = arith.constant 0.000000e+00 : f32
        %broadcast_in_dim3A_129 = vector.broadcast %broadcast_in_dim3A_128 : f32 to vector<16xf32>
        %swap3A_130 = arith.index_cast %scan3A_122 : i32 to index
        %swap3A_131 = arith.constant 16 : index
        %swap3A_132 = tpu.vector_load %arg9[%swap3A_130, %swap3A_131] {strides = array<i32>} : memref<128x128xf32, #tpu.memory_space<vmem>>, vector<1x16xf32>,
        %swap3A_133 = vector.shape_cast %swap3A_132 : vector<1x16xf32> to vector<16xf32>
        %swap3A_134 = vector.shape_cast %broadcast_in_dim3A_129 : vector<16xf32> to vector<1x16xf32>
        tpu.vector_store %arg9[%swap3A_130, %swap3A_131], %swap3A_134 {strides = array<i32>} : memref<128x128xf32, #tpu.memory_space<vmem>>, vector<1x16xf32>,
        %broadcast_in_dim3A_135 = arith.constant 0.000000e+00 : f32
        %broadcast_in_dim3A_136 = vector.broadcast %broadcast_in_dim3A_135 : f32 to vector<16xf32>
        %swap3A_137 = arith.index_cast %scan3A_122 : i32 to index
        %swap3A_138 = arith.constant 32 : index
        %swap3A_139 = tpu.vector_load %arg9[%swap3A_137, %swap3A_138] {strides = array<i32>} : memref<128x128xf32, #tpu.memory_space<vmem>>, vector<1x16xf32>,
        %swap3A_140 = vector.shape_cast %swap3A_139 : vector<1x16xf32> to vector<16xf32>
        %swap3A_141 = vector.shape_cast %broadcast_in_dim3A_136 : vector<16xf32> to vector<1x16xf32>
        tpu.vector_store %arg9[%swap3A_137, %swap3A_138], %swap3A_141 {strides = array<i32>} : memref<128x128xf32, #tpu.memory_space<vmem>>, vector<1x16xf32>,
        %broadcast_in_dim3A_142 = arith.constant 0.000000e+00 : f32
        %broadcast_in_dim3A_143 = vector.broadcast %broadcast_in_dim3A_142 : f32 to vector<16xf32>
        %swap3A_144 = arith.index_cast %scan3A_122 : i32 to index
        %swap3A_145 = arith.constant 48 : index
        %swap3A_146 = tpu.vector_load %arg9[%swap3A_144, %swap3A_145] {strides = array<i32>} : memref<128x128xf32, #tpu.memory_space<vmem>>, vector<1x16xf32>,
        %swap3A_147 = vector.shape_cast %swap3A_146 : vector<1x16xf32> to vector<16xf32>
        %swap3A_148 = vector.shape_cast %broadcast_in_dim3A_143 : vector<16xf32> to vector<1x16xf32>
        tpu.vector_store %arg9[%swap3A_144, %swap3A_145], %swap3A_148 {strides = array<i32>} : memref<128x128xf32, #tpu.memory_space<vmem>>, vector<1x16xf32>,
        %broadcast_in_dim3A_149 = arith.constant 0.000000e+00 : f32
        %broadcast_in_dim3A_150 = vector.broadcast %broadcast_in_dim3A_149 : f32 to vector<16xf32>
        %swap3A_151 = arith.index_cast %scan3A_122 : i32 to index
        %swap3A_152 = arith.constant 64 : index
        %swap3A_153 = tpu.vector_load %arg9[%swap3A_151, %swap3A_152] {strides = array<i32>} : memref<128x128xf32, #tpu.memory_space<vmem>>, vector<1x16xf32>,
        %swap3A_154 = vector.shape_cast %swap3A_153 : vector<1x16xf32> to vector<16xf32>
        %swap3A_155 = vector.shape_cast %broadcast_in_dim3A_150 : vector<16xf32> to vector<1x16xf32>
        tpu.vector_store %arg9[%swap3A_151, %swap3A_152], %swap3A_155 {strides = array<i32>} : memref<128x128xf32, #tpu.memory_space<vmem>>, vector<1x16xf32>,
        %broadcast_in_dim3A_156 = arith.constant 0.000000e+00 : f32
        %broadcast_in_dim3A_157 = vector.broadcast %broadcast_in_dim3A_156 : f32 to vector<16xf32>
        %swap3A_158 = arith.index_cast %scan3A_122 : i32 to index
        %swap3A_159 = arith.constant 80 : index
        %swap3A_160 = tpu.vector_load %arg9[%swap3A_158, %swap3A_159] {strides = array<i32>} : memref<128x128xf32, #tpu.memory_space<vmem>>, vector<1x16xf32>,
        %swap3A_161 = vector.shape_cast %swap3A_160 : vector<1x16xf32> to vector<16xf32>
        %swap3A_162 = vector.shape_cast %broadcast_in_dim3A_157 : vector<16xf32> to vector<1x16xf32>
        tpu.vector_store %arg9[%swap3A_158, %swap3A_159], %swap3A_162 {strides = array<i32>} : memref<128x128xf32, #tpu.memory_space<vmem>>, vector<1x16xf32>,
        %broadcast_in_dim3A_163 = arith.constant 0.000000e+00 : f32
        %broadcast_in_dim3A_164 = vector.broadcast %broadcast_in_dim3A_163 : f32 to vector<16xf32>
        %swap3A_165 = arith.index_cast %scan3A_122 : i32 to index
        %swap3A_166 = arith.constant 96 : index
        %swap3A_167 = tpu.vector_load %arg9[%swap3A_165, %swap3A_166] {strides = array<i32>} : memref<128x128xf32, #tpu.memory_space<vmem>>, vector<1x16xf32>,
        %swap3A_168 = vector.shape_cast %swap3A_167 : vector<1x16xf32> to vector<16xf32>
        %swap3A_169 = vector.shape_cast %broadcast_in_dim3A_164 : vector<16xf32> to vector<1x16xf32>
        tpu.vector_store %arg9[%swap3A_165, %swap3A_166], %swap3A_169 {strides = array<i32>} : memref<128x128xf32, #tpu.memory_space<vmem>>, vector<1x16xf32>,
        %broadcast_in_dim3A_170 = arith.constant 0.000000e+00 : f32
        %broadcast_in_dim3A_171 = vector.broadcast %broadcast_in_dim3A_170 : f32 to vector<16xf32>
        %swap3A_172 = arith.index_cast %scan3A_122 : i32 to index
        %swap3A_173 = arith.constant 112 : index
        %swap3A_174 = tpu.vector_load %arg9[%swap3A_172, %swap3A_173] {strides = array<i32>} : memref<128x128xf32, #tpu.memory_space<vmem>>, vector<1x16xf32>,
        %swap3A_175 = vector.shape_cast %swap3A_174 : vector<1x16xf32> to vector<16xf32>
        %swap3A_176 = vector.shape_cast %broadcast_in_dim3A_171 : vector<16xf32> to vector<1x16xf32>
        tpu.vector_store %arg9[%swap3A_172, %swap3A_173], %swap3A_176 {strides = array<i32>} : memref<128x128xf32, #tpu.memory_space<vmem>>, vector<1x16xf32>,
      }
      %scan3A_101 = arith.constant 128 : i32
      %mul3A_102 = arith.constant 640 : i32
      %mul3A_103 = arith.muli %arg1, %mul3A_102 : i32
      %add3A_104 = arith.constant 0 : i32
      %add3A_105 = arith.addi %mul3A_103, %add3A_104 : i32
      "tpu.region"() ({
        %run_scoped3A_122 = tpu.sem_alloc : memref<!tpu.dma_semaphore, #tpu.memory_space<semaphore_mem>>
        %dma_start3A_123 = arith.constant 0 : i32
        %dma_start3A_124 = tpu.memref_slice %arg6[%add3A_105, %dma_start3A_123] : memref<10240x128xf32, #tpu.memory_space<vmem_shared>> -> memref<128x128xf32, #tpu.memory_space<vmem_shared>>
        %dma_start3A_125 = arith.constant 0 : i32
        %dma_start3A_126 = tpu.memref_slice %arg6[%add3A_105, %dma_start3A_125] : memref<10240x128xf32, #tpu.memory_space<vmem_shared>> -> memref<128x128xf32, #tpu.memory_space<vmem_shared>>
        tpu.enqueue_dma source(%arg9 : memref<128x128xf32, #tpu.memory_space<vmem>>) target(%dma_start3A_126 : memref<128x128xf32, #tpu.memory_space<vmem_shared>>) target_semaphore(%run_scoped3A_122 : memref<!tpu.dma_semaphore, #tpu.memory_space<semaphore_mem>>)
        %dma_wait3A_127 = arith.constant 0 : i32
        %dma_wait3A_128 = tpu.memref_slice %arg6[%add3A_105, %dma_wait3A_127] : memref<10240x128xf32, #tpu.memory_space<vmem_shared>> -> memref<128x128xf32, #tpu.memory_space<vmem_shared>>
        %dma_wait3A_129 = arith.constant 0 : i32
        %dma_wait3A_130 = tpu.memref_slice %arg6[%add3A_105, %dma_wait3A_129] : memref<10240x128xf32, #tpu.memory_space<vmem_shared>> -> memref<128x128xf32, #tpu.memory_space<vmem_shared>>
        tpu.wait_dma2 semaphore(%run_scoped3A_122 : memref<!tpu.dma_semaphore, #tpu.memory_space<semaphore_mem>>) src(%arg9 : memref<128x128xf32, #tpu.memory_space<vmem>>) dst(%dma_wait3A_130 : memref<128x128xf32, #tpu.memory_space<vmem_shared>>)
        tpu.yield
      }) : () -> ()
      %mul3A_106 = arith.constant 640 : i32
      %mul3A_107 = arith.muli %arg1, %mul3A_106 : i32
      %add3A_108 = arith.constant 128 : i32
      %add3A_109 = arith.addi %mul3A_107, %add3A_108 : i32
      "tpu.region"() ({
        %run_scoped3A_122 = tpu.sem_alloc : memref<!tpu.dma_semaphore, #tpu.memory_space<semaphore_mem>>
        %dma_start3A_123 = arith.constant 0 : i32
        %dma_start3A_124 = tpu.memref_slice %arg6[%add3A_109, %dma_start3A_123] : memref<10240x128xf32, #tpu.memory_space<vmem_shared>> -> memref<128x128xf32, #tpu.memory_space<vmem_shared>>
        %dma_start3A_125 = arith.constant 0 : i32
        %dma_start3A_126 = tpu.memref_slice %arg6[%add3A_109, %dma_start3A_125] : memref<10240x128xf32, #tpu.memory_space<vmem_shared>> -> memref<128x128xf32, #tpu.memory_space<vmem_shared>>
        tpu.enqueue_dma source(%arg9 : memref<128x128xf32, #tpu.memory_space<vmem>>) target(%dma_start3A_126 : memref<128x128xf32, #tpu.memory_space<vmem_shared>>) target_semaphore(%run_scoped3A_122 : memref<!tpu.dma_semaphore, #tpu.memory_space<semaphore_mem>>)
        %dma_wait3A_127 = arith.constant 0 : i32
        %dma_wait3A_128 = tpu.memref_slice %arg6[%add3A_109, %dma_wait3A_127] : memref<10240x128xf32, #tpu.memory_space<vmem_shared>> -> memref<128x128xf32, #tpu.memory_space<vmem_shared>>
        %dma_wait3A_129 = arith.constant 0 : i32
        %dma_wait3A_130 = tpu.memref_slice %arg6[%add3A_109, %dma_wait3A_129] : memref<10240x128xf32, #tpu.memory_space<vmem_shared>> -> memref<128x128xf32, #tpu.memory_space<vmem_shared>>
        tpu.wait_dma2 semaphore(%run_scoped3A_122 : memref<!tpu.dma_semaphore, #tpu.memory_space<semaphore_mem>>) src(%arg9 : memref<128x128xf32, #tpu.memory_space<vmem>>) dst(%dma_wait3A_130 : memref<128x128xf32, #tpu.memory_space<vmem_shared>>)
        tpu.yield
      }) : () -> ()
      %mul3A_110 = arith.constant 640 : i32
      %mul3A_111 = arith.muli %arg1, %mul3A_110 : i32
      %add3A_112 = arith.constant 256 : i32
      %add3A_113 = arith.addi %mul3A_111, %add3A_112 : i32
      "tpu.region"() ({
        %run_scoped3A_122 = tpu.sem_alloc : memref<!tpu.dma_semaphore, #tpu.memory_space<semaphore_mem>>
        %dma_start3A_123 = arith.constant 0 : i32
        %dma_start3A_124 = tpu.memref_slice %arg6[%add3A_113, %dma_start3A_123] : memref<10240x128xf32, #tpu.memory_space<vmem_shared>> -> memref<128x128xf32, #tpu.memory_space<vmem_shared>>
        %dma_start3A_125 = arith.constant 0 : i32
        %dma_start3A_126 = tpu.memref_slice %arg6[%add3A_113, %dma_start3A_125] : memref<10240x128xf32, #tpu.memory_space<vmem_shared>> -> memref<128x128xf32, #tpu.memory_space<vmem_shared>>
        tpu.enqueue_dma source(%arg9 : memref<128x128xf32, #tpu.memory_space<vmem>>) target(%dma_start3A_126 : memref<128x128xf32, #tpu.memory_space<vmem_shared>>) target_semaphore(%run_scoped3A_122 : memref<!tpu.dma_semaphore, #tpu.memory_space<semaphore_mem>>)
        %dma_wait3A_127 = arith.constant 0 : i32
        %dma_wait3A_128 = tpu.memref_slice %arg6[%add3A_113, %dma_wait3A_127] : memref<10240x128xf32, #tpu.memory_space<vmem_shared>> -> memref<128x128xf32, #tpu.memory_space<vmem_shared>>
        %dma_wait3A_129 = arith.constant 0 : i32
        %dma_wait3A_130 = tpu.memref_slice %arg6[%add3A_113, %dma_wait3A_129] : memref<10240x128xf32, #tpu.memory_space<vmem_shared>> -> memref<128x128xf32, #tpu.memory_space<vmem_shared>>
        tpu.wait_dma2 semaphore(%run_scoped3A_122 : memref<!tpu.dma_semaphore, #tpu.memory_space<semaphore_mem>>) src(%arg9 : memref<128x128xf32, #tpu.memory_space<vmem>>) dst(%dma_wait3A_130 : memref<128x128xf32, #tpu.memory_space<vmem_shared>>)
        tpu.yield
      }) : () -> ()
      %mul3A_114 = arith.constant 640 : i32
      %mul3A_115 = arith.muli %arg1, %mul3A_114 : i32
      %add3A_116 = arith.constant 384 : i32
      %add3A_117 = arith.addi %mul3A_115, %add3A_116 : i32
      "tpu.region"() ({
        %run_scoped3A_122 = tpu.sem_alloc : memref<!tpu.dma_semaphore, #tpu.memory_space<semaphore_mem>>
        %dma_start3A_123 = arith.constant 0 : i32
        %dma_start3A_124 = tpu.memref_slice %arg6[%add3A_117, %dma_start3A_123] : memref<10240x128xf32, #tpu.memory_space<vmem_shared>> -> memref<128x128xf32, #tpu.memory_space<vmem_shared>>
        %dma_start3A_125 = arith.constant 0 : i32
        %dma_start3A_126 = tpu.memref_slice %arg6[%add3A_117, %dma_start3A_125] : memref<10240x128xf32, #tpu.memory_space<vmem_shared>> -> memref<128x128xf32, #tpu.memory_space<vmem_shared>>
        tpu.enqueue_dma source(%arg9 : memref<128x128xf32, #tpu.memory_space<vmem>>) target(%dma_start3A_126 : memref<128x128xf32, #tpu.memory_space<vmem_shared>>) target_semaphore(%run_scoped3A_122 : memref<!tpu.dma_semaphore, #tpu.memory_space<semaphore_mem>>)
        %dma_wait3A_127 = arith.constant 0 : i32
        %dma_wait3A_128 = tpu.memref_slice %arg6[%add3A_117, %dma_wait3A_127] : memref<10240x128xf32, #tpu.memory_space<vmem_shared>> -> memref<128x128xf32, #tpu.memory_space<vmem_shared>>
        %dma_wait3A_129 = arith.constant 0 : i32
        %dma_wait3A_130 = tpu.memref_slice %arg6[%add3A_117, %dma_wait3A_129] : memref<10240x128xf32, #tpu.memory_space<vmem_shared>> -> memref<128x128xf32, #tpu.memory_space<vmem_shared>>
        tpu.wait_dma2 semaphore(%run_scoped3A_122 : memref<!tpu.dma_semaphore, #tpu.memory_space<semaphore_mem>>) src(%arg9 : memref<128x128xf32, #tpu.memory_space<vmem>>) dst(%dma_wait3A_130 : memref<128x128xf32, #tpu.memory_space<vmem_shared>>)
        tpu.yield
      }) : () -> ()
      %mul3A_118 = arith.constant 640 : i32
      %mul3A_119 = arith.muli %arg1, %mul3A_118 : i32
      %add3A_120 = arith.constant 512 : i32
      %add3A_121 = arith.addi %mul3A_119, %add3A_120 : i32
      "tpu.region"() ({
        %run_scoped3A_122 = tpu.sem_alloc : memref<!tpu.dma_semaphore, #tpu.memory_space<semaphore_mem>>
        %dma_start3A_123 = arith.constant 0 : i32
        %dma_start3A_124 = tpu.memref_slice %arg6[%add3A_121, %dma_start3A_123] : memref<10240x128xf32, #tpu.memory_space<vmem_shared>> -> memref<128x128xf32, #tpu.memory_space<vmem_shared>>
        %dma_start3A_125 = arith.constant 0 : i32
        %dma_start3A_126 = tpu.memref_slice %arg6[%add3A_121, %dma_start3A_125] : memref<10240x128xf32, #tpu.memory_space<vmem_shared>> -> memref<128x128xf32, #tpu.memory_space<vmem_shared>>
        tpu.enqueue_dma source(%arg9 : memref<128x128xf32, #tpu.memory_space<vmem>>) target(%dma_start3A_126 : memref<128x128xf32, #tpu.memory_space<vmem_shared>>) target_semaphore(%run_scoped3A_122 : memref<!tpu.dma_semaphore, #tpu.memory_space<semaphore_mem>>)
        %dma_wait3A_127 = arith.constant 0 : i32
        %dma_wait3A_128 = tpu.memref_slice %arg6[%add3A_121, %dma_wait3A_127] : memref<10240x128xf32, #tpu.memory_space<vmem_shared>> -> memref<128x128xf32, #tpu.memory_space<vmem_shared>>
        %dma_wait3A_129 = arith.constant 0 : i32
        %dma_wait3A_130 = tpu.memref_slice %arg6[%add3A_121, %dma_wait3A_129] : memref<10240x128xf32, #tpu.memory_space<vmem_shared>> -> memref<128x128xf32, #tpu.memory_space<vmem_shared>>
        tpu.wait_dma2 semaphore(%run_scoped3A_122 : memref<!tpu.dma_semaphore, #tpu.memory_space<semaphore_mem>>) src(%arg9 : memref<128x128xf32, #tpu.memory_space<vmem>>) dst(%dma_wait3A_130 : memref<128x128xf32, #tpu.memory_space<vmem_shared>>)
        tpu.yield
      }) : () -> ()
    } else {
    }
    %barrier3A = arith.constant 0 : index
    tpu.barrier barrier_id(%barrier3A)
    %mul3A_7 = arith.constant 80 : i32
    %mul3A_8 = arith.muli %add3A, %mul3A_7 : i32
    %add3A_9 = arith.constant 0 : i32
    %add3A_10 = arith.addi %mul3A_8, %add3A_9 : i32
    "tpu.region"() ({
      %run_scoped3A_96 = tpu.sem_alloc : memref<!tpu.dma_semaphore, #tpu.memory_space<semaphore_mem>>
      %dma_start3A_97 = arith.constant 0 : i32
      %dma_start3A_98 = tpu.memref_slice %arg3[%add3A_10, %dma_start3A_97] : memref<2560x128xi32, #tpu.memory_space<hbm>> -> memref<40x128xi32, #tpu.memory_space<hbm>>
      %dma_start3A_99 = arith.constant 0 : i32
      %dma_start3A_100 = tpu.memref_slice %arg3[%add3A_10, %dma_start3A_99] : memref<2560x128xi32, #tpu.memory_space<hbm>> -> memref<40x128xi32, #tpu.memory_space<hbm>>
      tpu.enqueue_dma source(%dma_start3A_100 : memref<40x128xi32, #tpu.memory_space<hbm>>) target(%arg7 : memref<40x128xi32, #tpu.memory_space<vmem>>) target_semaphore(%run_scoped3A_96 : memref<!tpu.dma_semaphore, #tpu.memory_space<semaphore_mem>>)
      %dma_wait3A_101 = arith.constant 0 : i32
      %dma_wait3A_102 = tpu.memref_slice %arg3[%add3A_10, %dma_wait3A_101] : memref<2560x128xi32, #tpu.memory_space<hbm>> -> memref<40x128xi32, #tpu.memory_space<hbm>>
      %dma_wait3A_103 = arith.constant 0 : i32
      %dma_wait3A_104 = tpu.memref_slice %arg3[%add3A_10, %dma_wait3A_103] : memref<2560x128xi32, #tpu.memory_space<hbm>> -> memref<40x128xi32, #tpu.memory_space<hbm>>
      tpu.wait_dma2 semaphore(%run_scoped3A_96 : memref<!tpu.dma_semaphore, #tpu.memory_space<semaphore_mem>>) src(%dma_wait3A_104 : memref<40x128xi32, #tpu.memory_space<hbm>>) dst(%arg7 : memref<40x128xi32, #tpu.memory_space<vmem>>)
      tpu.yield
    }) : () -> ()
    %mul3A_11 = arith.constant 80 : i32
    %mul3A_12 = arith.muli %add3A, %mul3A_11 : i32
    %add3A_13 = arith.constant 0 : i32
    %add3A_14 = arith.addi %mul3A_12, %add3A_13 : i32
    "tpu.region"() ({
      %run_scoped3A_96 = tpu.sem_alloc : memref<!tpu.dma_semaphore, #tpu.memory_space<semaphore_mem>>
      %dma_start3A_97 = arith.constant 0 : i32
      %dma_start3A_98 = tpu.memref_slice %arg4[%add3A_14, %dma_start3A_97] : memref<2560x128xi32, #tpu.memory_space<hbm>> -> memref<40x128xi32, #tpu.memory_space<hbm>>
      %dma_start3A_99 = arith.constant 0 : i32
      %dma_start3A_100 = tpu.memref_slice %arg4[%add3A_14, %dma_start3A_99] : memref<2560x128xi32, #tpu.memory_space<hbm>> -> memref<40x128xi32, #tpu.memory_space<hbm>>
      tpu.enqueue_dma source(%dma_start3A_100 : memref<40x128xi32, #tpu.memory_space<hbm>>) target(%arg8 : memref<40x128xi32, #tpu.memory_space<vmem>>) target_semaphore(%run_scoped3A_96 : memref<!tpu.dma_semaphore, #tpu.memory_space<semaphore_mem>>)
      %dma_wait3A_101 = arith.constant 0 : i32
      %dma_wait3A_102 = tpu.memref_slice %arg4[%add3A_14, %dma_wait3A_101] : memref<2560x128xi32, #tpu.memory_space<hbm>> -> memref<40x128xi32, #tpu.memory_space<hbm>>
      %dma_wait3A_103 = arith.constant 0 : i32
      %dma_wait3A_104 = tpu.memref_slice %arg4[%add3A_14, %dma_wait3A_103] : memref<2560x128xi32, #tpu.memory_space<hbm>> -> memref<40x128xi32, #tpu.memory_space<hbm>>
      tpu.wait_dma2 semaphore(%run_scoped3A_96 : memref<!tpu.dma_semaphore, #tpu.memory_space<semaphore_mem>>) src(%dma_wait3A_104 : memref<40x128xi32, #tpu.memory_space<hbm>>) dst(%arg8 : memref<40x128xi32, #tpu.memory_space<vmem>>)
      tpu.yield
    }) : () -> ()
    %dma_start3A = arith.constant 0 : i32
    %dma_start3A_15 = arith.constant 0 : i32
    %dma_start3A_16 = tpu.memref_slice %arg7[%dma_start3A, %dma_start3A_15] : memref<40x128xi32, #tpu.memory_space<vmem>> -> memref<1x128xi32, #tpu.memory_space<vmem>>
    %dma_start3A_17 = tpu.memref_squeeze %dma_start3A_16 : memref<1x128xi32, #tpu.memory_space<vmem>> -> memref<128xi32, #tpu.memory_space<vmem>>
    %dma_start3A_18 = arith.constant 0 : i32
    %dma_start3A_19 = arith.constant 0 : i32
    %dma_start3A_20 = tpu.memref_slice %arg2[%dma_start3A_18, %dma_start3A_19] : memref<10240x128xf32, #tpu.memory_space<hbm>> -> memref<10240x128xf32, #tpu.memory_space<hbm>>
    tpu.enqueue_indirect_dma source(%dma_start3A_20 : memref<10240x128xf32, #tpu.memory_space<hbm>>) target(%arg9 : memref<128x128xf32, #tpu.memory_space<vmem>>) offsets(%dma_start3A_17 : memref<128xi32, #tpu.memory_space<vmem>>) semaphore(%arg11 : memref<!tpu.dma_semaphore, #tpu.memory_space<semaphore_mem>>)
    %scan3A = arith.constant 0 : i32
    %scan3A_21 = arith.constant 0 : i32
    %scan3A_22 = arith.constant 19 : i32
    %scan3A_23 = arith.addi %scan3A_21, %scan3A_22 : i32
    %scan3A_24 = arith.constant 1 : i32
    scf.for %scan3A_96 = %scan3A_21 to %scan3A_23 step %scan3A_24  : i32 {
      %mul3A_97 = arith.constant 2 : i32
      %mul3A_98 = arith.muli %mul3A_97, %scan3A_96 : i32
      %add3A_99 = arith.constant 1 : i32
      %add3A_100 = arith.addi %mul3A_98, %add3A_99 : i32
      %dma_start3A_101 = arith.constant 0 : i32
      %dma_start3A_102 = tpu.memref_slice %arg7[%add3A_100, %dma_start3A_101] : memref<40x128xi32, #tpu.memory_space<vmem>> -> memref<1x128xi32, #tpu.memory_space<vmem>>
      %dma_start3A_103 = tpu.memref_squeeze %dma_start3A_102 : memref<1x128xi32, #tpu.memory_space<vmem>> -> memref<128xi32, #tpu.memory_space<vmem>>
      %dma_start3A_104 = arith.constant 0 : i32
      %dma_start3A_105 = arith.constant 0 : i32
      %dma_start3A_106 = tpu.memref_slice %arg2[%dma_start3A_104, %dma_start3A_105] : memref<10240x128xf32, #tpu.memory_space<hbm>> -> memref<10240x128xf32, #tpu.memory_space<hbm>>
      tpu.enqueue_indirect_dma source(%dma_start3A_106 : memref<10240x128xf32, #tpu.memory_space<hbm>>) target(%arg10 : memref<128x128xf32, #tpu.memory_space<vmem>>) offsets(%dma_start3A_103 : memref<128xi32, #tpu.memory_space<vmem>>) semaphore(%arg12 : memref<!tpu.dma_semaphore, #tpu.memory_space<semaphore_mem>>)
      %dma_wait3A_107 = arith.constant 0 : i32
      %dma_wait3A_108 = arith.constant 0 : i32
      %dma_wait3A_109 = tpu.memref_slice %arg7[%dma_wait3A_107, %dma_wait3A_108] : memref<40x128xi32, #tpu.memory_space<vmem>> -> memref<1x128xi32, #tpu.memory_space<vmem>>
      %dma_wait3A_110 = tpu.memref_squeeze %dma_wait3A_109 : memref<1x128xi32, #tpu.memory_space<vmem>> -> memref<128xi32, #tpu.memory_space<vmem>>
      %dma_wait3A_111 = arith.constant 0 : i32
      %dma_wait3A_112 = arith.constant 0 : i32
      %dma_wait3A_113 = tpu.memref_slice %arg2[%dma_wait3A_111, %dma_wait3A_112] : memref<10240x128xf32, #tpu.memory_space<hbm>> -> memref<10240x128xf32, #tpu.memory_space<hbm>>
      tpu.wait_indirect_dma semaphore(%arg11 : memref<!tpu.dma_semaphore, #tpu.memory_space<semaphore_mem>>) src(%dma_wait3A_113 : memref<10240x128xf32, #tpu.memory_space<hbm>>) dst(%arg9 : memref<128x128xf32, #tpu.memory_space<vmem>>)
      "tpu.region"() ({
        %run_scoped3A_131 = tpu.sem_alloc : memref<!tpu.dma_semaphore, #tpu.memory_space<semaphore_mem>>
        %dma_start3A_132 = arith.constant 0 : i32
        %dma_start3A_133 = tpu.memref_slice %arg8[%mul3A_98, %dma_start3A_132] : memref<40x128xi32, #tpu.memory_space<vmem>> -> memref<1x128xi32, #tpu.memory_space<vmem>>
        %dma_start3A_134 = tpu.memref_squeeze %dma_start3A_133 : memref<1x128xi32, #tpu.memory_space<vmem>> -> memref<128xi32, #tpu.memory_space<vmem>>
        %dma_start3A_135 = arith.constant 0 : i32
        %dma_start3A_136 = arith.constant 0 : i32
        %dma_start3A_137 = tpu.memref_slice %arg6[%dma_start3A_135, %dma_start3A_136] : memref<10240x128xf32, #tpu.memory_space<vmem_shared>> -> memref<10240x128xf32, #tpu.memory_space<vmem_shared>>
        tpu.enqueue_indirect_dma source(%arg9 : memref<128x128xf32, #tpu.memory_space<vmem>>) target(%dma_start3A_137 : memref<10240x128xf32, #tpu.memory_space<vmem_shared>>) offsets(%dma_start3A_134 : memref<128xi32, #tpu.memory_space<vmem>>) semaphore(%run_scoped3A_131 : memref<!tpu.dma_semaphore, #tpu.memory_space<semaphore_mem>>) {add = true}
        %dma_wait3A_138 = arith.constant 0 : i32
        %dma_wait3A_139 = tpu.memref_slice %arg8[%mul3A_98, %dma_wait3A_138] : memref<40x128xi32, #tpu.memory_space<vmem>> -> memref<1x128xi32, #tpu.memory_space<vmem>>
        %dma_wait3A_140 = tpu.memref_squeeze %dma_wait3A_139 : memref<1x128xi32, #tpu.memory_space<vmem>> -> memref<128xi32, #tpu.memory_space<vmem>>
        %dma_wait3A_141 = arith.constant 0 : i32
        %dma_wait3A_142 = arith.constant 0 : i32
        %dma_wait3A_143 = tpu.memref_slice %arg6[%dma_wait3A_141, %dma_wait3A_142] : memref<10240x128xf32, #tpu.memory_space<vmem_shared>> -> memref<10240x128xf32, #tpu.memory_space<vmem_shared>>
        tpu.wait_indirect_dma semaphore(%run_scoped3A_131 : memref<!tpu.dma_semaphore, #tpu.memory_space<semaphore_mem>>) src(%arg9 : memref<128x128xf32, #tpu.memory_space<vmem>>) dst(%dma_wait3A_143 : memref<10240x128xf32, #tpu.memory_space<vmem_shared>>)
        tpu.yield
      }) : () -> ()
      %add3A_114 = arith.constant 2 : i32
      %add3A_115 = arith.addi %mul3A_98, %add3A_114 : i32
      %dma_start3A_116 = arith.constant 0 : i32
      %dma_start3A_117 = tpu.memref_slice %arg7[%add3A_115, %dma_start3A_116] : memref<40x128xi32, #tpu.memory_space<vmem>> -> memref<1x128xi32, #tpu.memory_space<vmem>>
      %dma_start3A_118 = tpu.memref_squeeze %dma_start3A_117 : memref<1x128xi32, #tpu.memory_space<vmem>> -> memref<128xi32, #tpu.memory_space<vmem>>
      %dma_start3A_119 = arith.constant 0 : i32
      %dma_start3A_120 = arith.constant 0 : i32
      %dma_start3A_121 = tpu.memref_slice %arg2[%dma_start3A_119, %dma_start3A_120] : memref<10240x128xf32, #tpu.memory_space<hbm>> -> memref<10240x128xf32, #tpu.memory_space<hbm>>
      tpu.enqueue_indirect_dma source(%dma_start3A_121 : memref<10240x128xf32, #tpu.memory_space<hbm>>) target(%arg9 : memref<128x128xf32, #tpu.memory_space<vmem>>) offsets(%dma_start3A_118 : memref<128xi32, #tpu.memory_space<vmem>>) semaphore(%arg11 : memref<!tpu.dma_semaphore, #tpu.memory_space<semaphore_mem>>)
      %dma_wait3A_122 = arith.constant 0 : i32
      %dma_wait3A_123 = arith.constant 0 : i32
      %dma_wait3A_124 = tpu.memref_slice %arg7[%dma_wait3A_122, %dma_wait3A_123] : memref<40x128xi32, #tpu.memory_space<vmem>> -> memref<1x128xi32, #tpu.memory_space<vmem>>
      %dma_wait3A_125 = tpu.memref_squeeze %dma_wait3A_124 : memref<1x128xi32, #tpu.memory_space<vmem>> -> memref<128xi32, #tpu.memory_space<vmem>>
      %dma_wait3A_126 = arith.constant 0 : i32
      %dma_wait3A_127 = arith.constant 0 : i32
      %dma_wait3A_128 = tpu.memref_slice %arg2[%dma_wait3A_126, %dma_wait3A_127] : memref<10240x128xf32, #tpu.memory_space<hbm>> -> memref<10240x128xf32, #tpu.memory_space<hbm>>
      tpu.wait_indirect_dma semaphore(%arg12 : memref<!tpu.dma_semaphore, #tpu.memory_space<semaphore_mem>>) src(%dma_wait3A_128 : memref<10240x128xf32, #tpu.memory_space<hbm>>) dst(%arg10 : memref<128x128xf32, #tpu.memory_space<vmem>>)
      %add3A_129 = arith.constant 1 : i32
      %add3A_130 = arith.addi %mul3A_98, %add3A_129 : i32
      "tpu.region"() ({
        %run_scoped3A_131 = tpu.sem_alloc : memref<!tpu.dma_semaphore, #tpu.memory_space<semaphore_mem>>
        %dma_start3A_132 = arith.constant 0 : i32
        %dma_start3A_133 = tpu.memref_slice %arg8[%add3A_130, %dma_start3A_132] : memref<40x128xi32, #tpu.memory_space<vmem>> -> memref<1x128xi32, #tpu.memory_space<vmem>>
        %dma_start3A_134 = tpu.memref_squeeze %dma_start3A_133 : memref<1x128xi32, #tpu.memory_space<vmem>> -> memref<128xi32, #tpu.memory_space<vmem>>
        %dma_start3A_135 = arith.constant 0 : i32
        %dma_start3A_136 = arith.constant 0 : i32
        %dma_start3A_137 = tpu.memref_slice %arg6[%dma_start3A_135, %dma_start3A_136] : memref<10240x128xf32, #tpu.memory_space<vmem_shared>> -> memref<10240x128xf32, #tpu.memory_space<vmem_shared>>
        tpu.enqueue_indirect_dma source(%arg10 : memref<128x128xf32, #tpu.memory_space<vmem>>) target(%dma_start3A_137 : memref<10240x128xf32, #tpu.memory_space<vmem_shared>>) offsets(%dma_start3A_134 : memref<128xi32, #tpu.memory_space<vmem>>) semaphore(%run_scoped3A_131 : memref<!tpu.dma_semaphore, #tpu.memory_space<semaphore_mem>>) {add = true}
        %dma_wait3A_138 = arith.constant 0 : i32
        %dma_wait3A_139 = tpu.memref_slice %arg8[%add3A_130, %dma_wait3A_138] : memref<40x128xi32, #tpu.memory_space<vmem>> -> memref<1x128xi32, #tpu.memory_space<vmem>>
        %dma_wait3A_140 = tpu.memref_squeeze %dma_wait3A_139 : memref<1x128xi32, #tpu.memory_space<vmem>> -> memref<128xi32, #tpu.memory_space<vmem>>
        %dma_wait3A_141 = arith.constant 0 : i32
        %dma_wait3A_142 = arith.constant 0 : i32
        %dma_wait3A_143 = tpu.memref_slice %arg6[%dma_wait3A_141, %dma_wait3A_142] : memref<10240x128xf32, #tpu.memory_space<vmem_shared>> -> memref<10240x128xf32, #tpu.memory_space<vmem_shared>>
        tpu.wait_indirect_dma semaphore(%run_scoped3A_131 : memref<!tpu.dma_semaphore, #tpu.memory_space<semaphore_mem>>) src(%arg10 : memref<128x128xf32, #tpu.memory_space<vmem>>) dst(%dma_wait3A_143 : memref<10240x128xf32, #tpu.memory_space<vmem_shared>>)
        tpu.yield
      }) : () -> ()
    }
    %scan3A_25 = arith.constant 19 : i32
    %dma_start3A_26 = arith.constant 39 : i32
    %dma_start3A_27 = arith.constant 0 : i32
    %dma_start3A_28 = tpu.memref_slice %arg7[%dma_start3A_26, %dma_start3A_27] : memref<40x128xi32, #tpu.memory_space<vmem>> -> memref<1x128xi32, #tpu.memory_space<vmem>>
    %dma_start3A_29 = tpu.memref_squeeze %dma_start3A_28 : memref<1x128xi32, #tpu.memory_space<vmem>> -> memref<128xi32, #tpu.memory_space<vmem>>
    %dma_start3A_30 = arith.constant 0 : i32
    %dma_start3A_31 = arith.constant 0 : i32
    %dma_start3A_32 = tpu.memref_slice %arg2[%dma_start3A_30, %dma_start3A_31] : memref<10240x128xf32, #tpu.memory_space<hbm>> -> memref<10240x128xf32, #tpu.memory_space<hbm>>
    tpu.enqueue_indirect_dma source(%dma_start3A_32 : memref<10240x128xf32, #tpu.memory_space<hbm>>) target(%arg10 : memref<128x128xf32, #tpu.memory_space<vmem>>) offsets(%dma_start3A_29 : memref<128xi32, #tpu.memory_space<vmem>>) semaphore(%arg12 : memref<!tpu.dma_semaphore, #tpu.memory_space<semaphore_mem>>)
    %dma_wait3A = arith.constant 0 : i32
    %dma_wait3A_33 = arith.constant 0 : i32
    %dma_wait3A_34 = tpu.memref_slice %arg7[%dma_wait3A, %dma_wait3A_33] : memref<40x128xi32, #tpu.memory_space<vmem>> -> memref<1x128xi32, #tpu.memory_space<vmem>>
    %dma_wait3A_35 = tpu.memref_squeeze %dma_wait3A_34 : memref<1x128xi32, #tpu.memory_space<vmem>> -> memref<128xi32, #tpu.memory_space<vmem>>
    %dma_wait3A_36 = arith.constant 0 : i32
    %dma_wait3A_37 = arith.constant 0 : i32
    %dma_wait3A_38 = tpu.memref_slice %arg2[%dma_wait3A_36, %dma_wait3A_37] : memref<10240x128xf32, #tpu.memory_space<hbm>> -> memref<10240x128xf32, #tpu.memory_space<hbm>>
    tpu.wait_indirect_dma semaphore(%arg11 : memref<!tpu.dma_semaphore, #tpu.memory_space<semaphore_mem>>) src(%dma_wait3A_38 : memref<10240x128xf32, #tpu.memory_space<hbm>>) dst(%arg9 : memref<128x128xf32, #tpu.memory_space<vmem>>)
    %run_scoped3A = arith.constant 38 : i32
    "tpu.region"() ({
      %run_scoped3A_96 = tpu.sem_alloc : memref<!tpu.dma_semaphore, #tpu.memory_space<semaphore_mem>>
      %dma_start3A_97 = arith.constant 0 : i32
      %dma_start3A_98 = tpu.memref_slice %arg8[%run_scoped3A, %dma_start3A_97] : memref<40x128xi32, #tpu.memory_space<vmem>> -> memref<1x128xi32, #tpu.memory_space<vmem>>
      %dma_start3A_99 = tpu.memref_squeeze %dma_start3A_98 : memref<1x128xi32, #tpu.memory_space<vmem>> -> memref<128xi32, #tpu.memory_space<vmem>>
      %dma_start3A_100 = arith.constant 0 : i32
      %dma_start3A_101 = arith.constant 0 : i32
      %dma_start3A_102 = tpu.memref_slice %arg6[%dma_start3A_100, %dma_start3A_101] : memref<10240x128xf32, #tpu.memory_space<vmem_shared>> -> memref<10240x128xf32, #tpu.memory_space<vmem_shared>>
      tpu.enqueue_indirect_dma source(%arg9 : memref<128x128xf32, #tpu.memory_space<vmem>>) target(%dma_start3A_102 : memref<10240x128xf32, #tpu.memory_space<vmem_shared>>) offsets(%dma_start3A_99 : memref<128xi32, #tpu.memory_space<vmem>>) semaphore(%run_scoped3A_96 : memref<!tpu.dma_semaphore, #tpu.memory_space<semaphore_mem>>) {add = true}
      %dma_wait3A_103 = arith.constant 0 : i32
      %dma_wait3A_104 = tpu.memref_slice %arg8[%run_scoped3A, %dma_wait3A_103] : memref<40x128xi32, #tpu.memory_space<vmem>> -> memref<1x128xi32, #tpu.memory_space<vmem>>
      %dma_wait3A_105 = tpu.memref_squeeze %dma_wait3A_104 : memref<1x128xi32, #tpu.memory_space<vmem>> -> memref<128xi32, #tpu.memory_space<vmem>>
      %dma_wait3A_106 = arith.constant 0 : i32
      %dma_wait3A_107 = arith.constant 0 : i32
      %dma_wait3A_108 = tpu.memref_slice %arg6[%dma_wait3A_106, %dma_wait3A_107] : memref<10240x128xf32, #tpu.memory_space<vmem_shared>> -> memref<10240x128xf32, #tpu.memory_space<vmem_shared>>
      tpu.wait_indirect_dma semaphore(%run_scoped3A_96 : memref<!tpu.dma_semaphore, #tpu.memory_space<semaphore_mem>>) src(%arg9 : memref<128x128xf32, #tpu.memory_space<vmem>>) dst(%dma_wait3A_108 : memref<10240x128xf32, #tpu.memory_space<vmem_shared>>)
      tpu.yield
    }) : () -> ()
    %dma_wait3A_39 = arith.constant 0 : i32
    %dma_wait3A_40 = arith.constant 0 : i32
    %dma_wait3A_41 = tpu.memref_slice %arg7[%dma_wait3A_39, %dma_wait3A_40] : memref<40x128xi32, #tpu.memory_space<vmem>> -> memref<1x128xi32, #tpu.memory_space<vmem>>
    %dma_wait3A_42 = tpu.memref_squeeze %dma_wait3A_41 : memref<1x128xi32, #tpu.memory_space<vmem>> -> memref<128xi32, #tpu.memory_space<vmem>>
    %dma_wait3A_43 = arith.constant 0 : i32
    %dma_wait3A_44 = arith.constant 0 : i32
    %dma_wait3A_45 = tpu.memref_slice %arg2[%dma_wait3A_43, %dma_wait3A_44] : memref<10240x128xf32, #tpu.memory_space<hbm>> -> memref<10240x128xf32, #tpu.memory_space<hbm>>
    tpu.wait_indirect_dma semaphore(%arg12 : memref<!tpu.dma_semaphore, #tpu.memory_space<semaphore_mem>>) src(%dma_wait3A_45 : memref<10240x128xf32, #tpu.memory_space<hbm>>) dst(%arg10 : memref<128x128xf32, #tpu.memory_space<vmem>>)
    %run_scoped3A_46 = arith.constant 39 : i32
    "tpu.region"() ({
      %run_scoped3A_96 = tpu.sem_alloc : memref<!tpu.dma_semaphore, #tpu.memory_space<semaphore_mem>>
      %dma_start3A_97 = arith.constant 0 : i32
      %dma_start3A_98 = tpu.memref_slice %arg8[%run_scoped3A_46, %dma_start3A_97] : memref<40x128xi32, #tpu.memory_space<vmem>> -> memref<1x128xi32, #tpu.memory_space<vmem>>
      %dma_start3A_99 = tpu.memref_squeeze %dma_start3A_98 : memref<1x128xi32, #tpu.memory_space<vmem>> -> memref<128xi32, #tpu.memory_space<vmem>>
      %dma_start3A_100 = arith.constant 0 : i32
      %dma_start3A_101 = arith.constant 0 : i32
      %dma_start3A_102 = tpu.memref_slice %arg6[%dma_start3A_100, %dma_start3A_101] : memref<10240x128xf32, #tpu.memory_space<vmem_shared>> -> memref<10240x128xf32, #tpu.memory_space<vmem_shared>>
      tpu.enqueue_indirect_dma source(%arg10 : memref<128x128xf32, #tpu.memory_space<vmem>>) target(%dma_start3A_102 : memref<10240x128xf32, #tpu.memory_space<vmem_shared>>) offsets(%dma_start3A_99 : memref<128xi32, #tpu.memory_space<vmem>>) semaphore(%run_scoped3A_96 : memref<!tpu.dma_semaphore, #tpu.memory_space<semaphore_mem>>) {add = true}
      %dma_wait3A_103 = arith.constant 0 : i32
      %dma_wait3A_104 = tpu.memref_slice %arg8[%run_scoped3A_46, %dma_wait3A_103] : memref<40x128xi32, #tpu.memory_space<vmem>> -> memref<1x128xi32, #tpu.memory_space<vmem>>
      %dma_wait3A_105 = tpu.memref_squeeze %dma_wait3A_104 : memref<1x128xi32, #tpu.memory_space<vmem>> -> memref<128xi32, #tpu.memory_space<vmem>>
      %dma_wait3A_106 = arith.constant 0 : i32
      %dma_wait3A_107 = arith.constant 0 : i32
      %dma_wait3A_108 = tpu.memref_slice %arg6[%dma_wait3A_106, %dma_wait3A_107] : memref<10240x128xf32, #tpu.memory_space<vmem_shared>> -> memref<10240x128xf32, #tpu.memory_space<vmem_shared>>
      tpu.wait_indirect_dma semaphore(%run_scoped3A_96 : memref<!tpu.dma_semaphore, #tpu.memory_space<semaphore_mem>>) src(%arg10 : memref<128x128xf32, #tpu.memory_space<vmem>>) dst(%dma_wait3A_108 : memref<10240x128xf32, #tpu.memory_space<vmem_shared>>)
      tpu.yield
    }) : () -> ()
    %mul3A_47 = arith.constant 80 : i32
    %mul3A_48 = arith.muli %add3A, %mul3A_47 : i32
    %add3A_49 = arith.constant 40 : i32
    %add3A_50 = arith.addi %mul3A_48, %add3A_49 : i32
    "tpu.region"() ({
      %run_scoped3A_96 = tpu.sem_alloc : memref<!tpu.dma_semaphore, #tpu.memory_space<semaphore_mem>>
      %dma_start3A_97 = arith.constant 0 : i32
      %dma_start3A_98 = tpu.memref_slice %arg3[%add3A_50, %dma_start3A_97] : memref<2560x128xi32, #tpu.memory_space<hbm>> -> memref<40x128xi32, #tpu.memory_space<hbm>>
      %dma_start3A_99 = arith.constant 0 : i32
      %dma_start3A_100 = tpu.memref_slice %arg3[%add3A_50, %dma_start3A_99] : memref<2560x128xi32, #tpu.memory_space<hbm>> -> memref<40x128xi32, #tpu.memory_space<hbm>>
      tpu.enqueue_dma source(%dma_start3A_100 : memref<40x128xi32, #tpu.memory_space<hbm>>) target(%arg7 : memref<40x128xi32, #tpu.memory_space<vmem>>) target_semaphore(%run_scoped3A_96 : memref<!tpu.dma_semaphore, #tpu.memory_space<semaphore_mem>>)
      %dma_wait3A_101 = arith.constant 0 : i32
      %dma_wait3A_102 = tpu.memref_slice %arg3[%add3A_50, %dma_wait3A_101] : memref<2560x128xi32, #tpu.memory_space<hbm>> -> memref<40x128xi32, #tpu.memory_space<hbm>>
      %dma_wait3A_103 = arith.constant 0 : i32
      %dma_wait3A_104 = tpu.memref_slice %arg3[%add3A_50, %dma_wait3A_103] : memref<2560x128xi32, #tpu.memory_space<hbm>> -> memref<40x128xi32, #tpu.memory_space<hbm>>
      tpu.wait_dma2 semaphore(%run_scoped3A_96 : memref<!tpu.dma_semaphore, #tpu.memory_space<semaphore_mem>>) src(%dma_wait3A_104 : memref<40x128xi32, #tpu.memory_space<hbm>>) dst(%arg7 : memref<40x128xi32, #tpu.memory_space<vmem>>)
      tpu.yield
    }) : () -> ()
    %mul3A_51 = arith.constant 80 : i32
    %mul3A_52 = arith.muli %add3A, %mul3A_51 : i32
    %add3A_53 = arith.constant 40 : i32
    %add3A_54 = arith.addi %mul3A_52, %add3A_53 : i32
    "tpu.region"() ({
      %run_scoped3A_96 = tpu.sem_alloc : memref<!tpu.dma_semaphore, #tpu.memory_space<semaphore_mem>>
      %dma_start3A_97 = arith.constant 0 : i32
      %dma_start3A_98 = tpu.memref_slice %arg4[%add3A_54, %dma_start3A_97] : memref<2560x128xi32, #tpu.memory_space<hbm>> -> memref<40x128xi32, #tpu.memory_space<hbm>>
      %dma_start3A_99 = arith.constant 0 : i32
      %dma_start3A_100 = tpu.memref_slice %arg4[%add3A_54, %dma_start3A_99] : memref<2560x128xi32, #tpu.memory_space<hbm>> -> memref<40x128xi32, #tpu.memory_space<hbm>>
      tpu.enqueue_dma source(%dma_start3A_100 : memref<40x128xi32, #tpu.memory_space<hbm>>) target(%arg8 : memref<40x128xi32, #tpu.memory_space<vmem>>) target_semaphore(%run_scoped3A_96 : memref<!tpu.dma_semaphore, #tpu.memory_space<semaphore_mem>>)
      %dma_wait3A_101 = arith.constant 0 : i32
      %dma_wait3A_102 = tpu.memref_slice %arg4[%add3A_54, %dma_wait3A_101] : memref<2560x128xi32, #tpu.memory_space<hbm>> -> memref<40x128xi32, #tpu.memory_space<hbm>>
      %dma_wait3A_103 = arith.constant 0 : i32
      %dma_wait3A_104 = tpu.memref_slice %arg4[%add3A_54, %dma_wait3A_103] : memref<2560x128xi32, #tpu.memory_space<hbm>> -> memref<40x128xi32, #tpu.memory_space<hbm>>
      tpu.wait_dma2 semaphore(%run_scoped3A_96 : memref<!tpu.dma_semaphore, #tpu.memory_space<semaphore_mem>>) src(%dma_wait3A_104 : memref<40x128xi32, #tpu.memory_space<hbm>>) dst(%arg8 : memref<40x128xi32, #tpu.memory_space<vmem>>)
      tpu.yield
    }) : () -> ()
    %dma_start3A_55 = arith.constant 0 : i32
    %dma_start3A_56 = arith.constant 0 : i32
    %dma_start3A_57 = tpu.memref_slice %arg7[%dma_start3A_55, %dma_start3A_56] : memref<40x128xi32, #tpu.memory_space<vmem>> -> memref<1x128xi32, #tpu.memory_space<vmem>>
    %dma_start3A_58 = tpu.memref_squeeze %dma_start3A_57 : memref<1x128xi32, #tpu.memory_space<vmem>> -> memref<128xi32, #tpu.memory_space<vmem>>
    %dma_start3A_59 = arith.constant 0 : i32
    %dma_start3A_60 = arith.constant 0 : i32
    %dma_start3A_61 = tpu.memref_slice %arg2[%dma_start3A_59, %dma_start3A_60] : memref<10240x128xf32, #tpu.memory_space<hbm>> -> memref<10240x128xf32, #tpu.memory_space<hbm>>
    tpu.enqueue_indirect_dma source(%dma_start3A_61 : memref<10240x128xf32, #tpu.memory_space<hbm>>) target(%arg9 : memref<128x128xf32, #tpu.memory_space<vmem>>) offsets(%dma_start3A_58 : memref<128xi32, #tpu.memory_space<vmem>>) semaphore(%arg11 : memref<!tpu.dma_semaphore, #tpu.memory_space<semaphore_mem>>)
    %scan3A_62 = arith.constant 0 : i32
    %scan3A_63 = arith.constant 0 : i32
    %scan3A_64 = arith.constant 19 : i32
    %scan3A_65 = arith.addi %scan3A_63, %scan3A_64 : i32
    %scan3A_66 = arith.constant 1 : i32
    scf.for %scan3A_96 = %scan3A_63 to %scan3A_65 step %scan3A_66  : i32 {
      %mul3A_97 = arith.constant 2 : i32
      %mul3A_98 = arith.muli %mul3A_97, %scan3A_96 : i32
      %add3A_99 = arith.constant 1 : i32
      %add3A_100 = arith.addi %mul3A_98, %add3A_99 : i32
      %dma_start3A_101 = arith.constant 0 : i32
      %dma_start3A_102 = tpu.memref_slice %arg7[%add3A_100, %dma_start3A_101] : memref<40x128xi32, #tpu.memory_space<vmem>> -> memref<1x128xi32, #tpu.memory_space<vmem>>
      %dma_start3A_103 = tpu.memref_squeeze %dma_start3A_102 : memref<1x128xi32, #tpu.memory_space<vmem>> -> memref<128xi32, #tpu.memory_space<vmem>>
      %dma_start3A_104 = arith.constant 0 : i32
      %dma_start3A_105 = arith.constant 0 : i32
      %dma_start3A_106 = tpu.memref_slice %arg2[%dma_start3A_104, %dma_start3A_105] : memref<10240x128xf32, #tpu.memory_space<hbm>> -> memref<10240x128xf32, #tpu.memory_space<hbm>>
      tpu.enqueue_indirect_dma source(%dma_start3A_106 : memref<10240x128xf32, #tpu.memory_space<hbm>>) target(%arg10 : memref<128x128xf32, #tpu.memory_space<vmem>>) offsets(%dma_start3A_103 : memref<128xi32, #tpu.memory_space<vmem>>) semaphore(%arg12 : memref<!tpu.dma_semaphore, #tpu.memory_space<semaphore_mem>>)
      %dma_wait3A_107 = arith.constant 0 : i32
      %dma_wait3A_108 = arith.constant 0 : i32
      %dma_wait3A_109 = tpu.memref_slice %arg7[%dma_wait3A_107, %dma_wait3A_108] : memref<40x128xi32, #tpu.memory_space<vmem>> -> memref<1x128xi32, #tpu.memory_space<vmem>>
      %dma_wait3A_110 = tpu.memref_squeeze %dma_wait3A_109 : memref<1x128xi32, #tpu.memory_space<vmem>> -> memref<128xi32, #tpu.memory_space<vmem>>
      %dma_wait3A_111 = arith.constant 0 : i32
      %dma_wait3A_112 = arith.constant 0 : i32
      %dma_wait3A_113 = tpu.memref_slice %arg2[%dma_wait3A_111, %dma_wait3A_112] : memref<10240x128xf32, #tpu.memory_space<hbm>> -> memref<10240x128xf32, #tpu.memory_space<hbm>>
      tpu.wait_indirect_dma semaphore(%arg11 : memref<!tpu.dma_semaphore, #tpu.memory_space<semaphore_mem>>) src(%dma_wait3A_113 : memref<10240x128xf32, #tpu.memory_space<hbm>>) dst(%arg9 : memref<128x128xf32, #tpu.memory_space<vmem>>)
      "tpu.region"() ({
        %run_scoped3A_131 = tpu.sem_alloc : memref<!tpu.dma_semaphore, #tpu.memory_space<semaphore_mem>>
        %dma_start3A_132 = arith.constant 0 : i32
        %dma_start3A_133 = tpu.memref_slice %arg8[%mul3A_98, %dma_start3A_132] : memref<40x128xi32, #tpu.memory_space<vmem>> -> memref<1x128xi32, #tpu.memory_space<vmem>>
        %dma_start3A_134 = tpu.memref_squeeze %dma_start3A_133 : memref<1x128xi32, #tpu.memory_space<vmem>> -> memref<128xi32, #tpu.memory_space<vmem>>
        %dma_start3A_135 = arith.constant 0 : i32
        %dma_start3A_136 = arith.constant 0 : i32
        %dma_start3A_137 = tpu.memref_slice %arg6[%dma_start3A_135, %dma_start3A_136] : memref<10240x128xf32, #tpu.memory_space<vmem_shared>> -> memref<10240x128xf32, #tpu.memory_space<vmem_shared>>
        tpu.enqueue_indirect_dma source(%arg9 : memref<128x128xf32, #tpu.memory_space<vmem>>) target(%dma_start3A_137 : memref<10240x128xf32, #tpu.memory_space<vmem_shared>>) offsets(%dma_start3A_134 : memref<128xi32, #tpu.memory_space<vmem>>) semaphore(%run_scoped3A_131 : memref<!tpu.dma_semaphore, #tpu.memory_space<semaphore_mem>>) {add = true}
        %dma_wait3A_138 = arith.constant 0 : i32
        %dma_wait3A_139 = tpu.memref_slice %arg8[%mul3A_98, %dma_wait3A_138] : memref<40x128xi32, #tpu.memory_space<vmem>> -> memref<1x128xi32, #tpu.memory_space<vmem>>
        %dma_wait3A_140 = tpu.memref_squeeze %dma_wait3A_139 : memref<1x128xi32, #tpu.memory_space<vmem>> -> memref<128xi32, #tpu.memory_space<vmem>>
        %dma_wait3A_141 = arith.constant 0 : i32
        %dma_wait3A_142 = arith.constant 0 : i32
        %dma_wait3A_143 = tpu.memref_slice %arg6[%dma_wait3A_141, %dma_wait3A_142] : memref<10240x128xf32, #tpu.memory_space<vmem_shared>> -> memref<10240x128xf32, #tpu.memory_space<vmem_shared>>
        tpu.wait_indirect_dma semaphore(%run_scoped3A_131 : memref<!tpu.dma_semaphore, #tpu.memory_space<semaphore_mem>>) src(%arg9 : memref<128x128xf32, #tpu.memory_space<vmem>>) dst(%dma_wait3A_143 : memref<10240x128xf32, #tpu.memory_space<vmem_shared>>)
        tpu.yield
      }) : () -> ()
      %add3A_114 = arith.constant 2 : i32
      %add3A_115 = arith.addi %mul3A_98, %add3A_114 : i32
      %dma_start3A_116 = arith.constant 0 : i32
      %dma_start3A_117 = tpu.memref_slice %arg7[%add3A_115, %dma_start3A_116] : memref<40x128xi32, #tpu.memory_space<vmem>> -> memref<1x128xi32, #tpu.memory_space<vmem>>
      %dma_start3A_118 = tpu.memref_squeeze %dma_start3A_117 : memref<1x128xi32, #tpu.memory_space<vmem>> -> memref<128xi32, #tpu.memory_space<vmem>>
      %dma_start3A_119 = arith.constant 0 : i32
      %dma_start3A_120 = arith.constant 0 : i32
      %dma_start3A_121 = tpu.memref_slice %arg2[%dma_start3A_119, %dma_start3A_120] : memref<10240x128xf32, #tpu.memory_space<hbm>> -> memref<10240x128xf32, #tpu.memory_space<hbm>>
      tpu.enqueue_indirect_dma source(%dma_start3A_121 : memref<10240x128xf32, #tpu.memory_space<hbm>>) target(%arg9 : memref<128x128xf32, #tpu.memory_space<vmem>>) offsets(%dma_start3A_118 : memref<128xi32, #tpu.memory_space<vmem>>) semaphore(%arg11 : memref<!tpu.dma_semaphore, #tpu.memory_space<semaphore_mem>>)
      %dma_wait3A_122 = arith.constant 0 : i32
      %dma_wait3A_123 = arith.constant 0 : i32
      %dma_wait3A_124 = tpu.memref_slice %arg7[%dma_wait3A_122, %dma_wait3A_123] : memref<40x128xi32, #tpu.memory_space<vmem>> -> memref<1x128xi32, #tpu.memory_space<vmem>>
      %dma_wait3A_125 = tpu.memref_squeeze %dma_wait3A_124 : memref<1x128xi32, #tpu.memory_space<vmem>> -> memref<128xi32, #tpu.memory_space<vmem>>
      %dma_wait3A_126 = arith.constant 0 : i32
      %dma_wait3A_127 = arith.constant 0 : i32
      %dma_wait3A_128 = tpu.memref_slice %arg2[%dma_wait3A_126, %dma_wait3A_127] : memref<10240x128xf32, #tpu.memory_space<hbm>> -> memref<10240x128xf32, #tpu.memory_space<hbm>>
      tpu.wait_indirect_dma semaphore(%arg12 : memref<!tpu.dma_semaphore, #tpu.memory_space<semaphore_mem>>) src(%dma_wait3A_128 : memref<10240x128xf32, #tpu.memory_space<hbm>>) dst(%arg10 : memref<128x128xf32, #tpu.memory_space<vmem>>)
      %add3A_129 = arith.constant 1 : i32
      %add3A_130 = arith.addi %mul3A_98, %add3A_129 : i32
      "tpu.region"() ({
        %run_scoped3A_131 = tpu.sem_alloc : memref<!tpu.dma_semaphore, #tpu.memory_space<semaphore_mem>>
        %dma_start3A_132 = arith.constant 0 : i32
        %dma_start3A_133 = tpu.memref_slice %arg8[%add3A_130, %dma_start3A_132] : memref<40x128xi32, #tpu.memory_space<vmem>> -> memref<1x128xi32, #tpu.memory_space<vmem>>
        %dma_start3A_134 = tpu.memref_squeeze %dma_start3A_133 : memref<1x128xi32, #tpu.memory_space<vmem>> -> memref<128xi32, #tpu.memory_space<vmem>>
        %dma_start3A_135 = arith.constant 0 : i32
        %dma_start3A_136 = arith.constant 0 : i32
        %dma_start3A_137 = tpu.memref_slice %arg6[%dma_start3A_135, %dma_start3A_136] : memref<10240x128xf32, #tpu.memory_space<vmem_shared>> -> memref<10240x128xf32, #tpu.memory_space<vmem_shared>>
        tpu.enqueue_indirect_dma source(%arg10 : memref<128x128xf32, #tpu.memory_space<vmem>>) target(%dma_start3A_137 : memref<10240x128xf32, #tpu.memory_space<vmem_shared>>) offsets(%dma_start3A_134 : memref<128xi32, #tpu.memory_space<vmem>>) semaphore(%run_scoped3A_131 : memref<!tpu.dma_semaphore, #tpu.memory_space<semaphore_mem>>) {add = true}
        %dma_wait3A_138 = arith.constant 0 : i32
        %dma_wait3A_139 = tpu.memref_slice %arg8[%add3A_130, %dma_wait3A_138] : memref<40x128xi32, #tpu.memory_space<vmem>> -> memref<1x128xi32, #tpu.memory_space<vmem>>
        %dma_wait3A_140 = tpu.memref_squeeze %dma_wait3A_139 : memref<1x128xi32, #tpu.memory_space<vmem>> -> memref<128xi32, #tpu.memory_space<vmem>>
        %dma_wait3A_141 = arith.constant 0 : i32
        %dma_wait3A_142 = arith.constant 0 : i32
        %dma_wait3A_143 = tpu.memref_slice %arg6[%dma_wait3A_141, %dma_wait3A_142] : memref<10240x128xf32, #tpu.memory_space<vmem_shared>> -> memref<10240x128xf32, #tpu.memory_space<vmem_shared>>
        tpu.wait_indirect_dma semaphore(%run_scoped3A_131 : memref<!tpu.dma_semaphore, #tpu.memory_space<semaphore_mem>>) src(%arg10 : memref<128x128xf32, #tpu.memory_space<vmem>>) dst(%dma_wait3A_143 : memref<10240x128xf32, #tpu.memory_space<vmem_shared>>)
        tpu.yield
      }) : () -> ()
    }
    %scan3A_67 = arith.constant 19 : i32
    %dma_start3A_68 = arith.constant 39 : i32
    %dma_start3A_69 = arith.constant 0 : i32
    %dma_start3A_70 = tpu.memref_slice %arg7[%dma_start3A_68, %dma_start3A_69] : memref<40x128xi32, #tpu.memory_space<vmem>> -> memref<1x128xi32, #tpu.memory_space<vmem>>
    %dma_start3A_71 = tpu.memref_squeeze %dma_start3A_70 : memref<1x128xi32, #tpu.memory_space<vmem>> -> memref<128xi32, #tpu.memory_space<vmem>>
    %dma_start3A_72 = arith.constant 0 : i32
    %dma_start3A_73 = arith.constant 0 : i32
    %dma_start3A_74 = tpu.memref_slice %arg2[%dma_start3A_72, %dma_start3A_73] : memref<10240x128xf32, #tpu.memory_space<hbm>> -> memref<10240x128xf32, #tpu.memory_space<hbm>>
    tpu.enqueue_indirect_dma source(%dma_start3A_74 : memref<10240x128xf32, #tpu.memory_space<hbm>>) target(%arg10 : memref<128x128xf32, #tpu.memory_space<vmem>>) offsets(%dma_start3A_71 : memref<128xi32, #tpu.memory_space<vmem>>) semaphore(%arg12 : memref<!tpu.dma_semaphore, #tpu.memory_space<semaphore_mem>>)
    %dma_wait3A_75 = arith.constant 0 : i32
    %dma_wait3A_76 = arith.constant 0 : i32
    %dma_wait3A_77 = tpu.memref_slice %arg7[%dma_wait3A_75, %dma_wait3A_76] : memref<40x128xi32, #tpu.memory_space<vmem>> -> memref<1x128xi32, #tpu.memory_space<vmem>>
    %dma_wait3A_78 = tpu.memref_squeeze %dma_wait3A_77 : memref<1x128xi32, #tpu.memory_space<vmem>> -> memref<128xi32, #tpu.memory_space<vmem>>
    %dma_wait3A_79 = arith.constant 0 : i32
    %dma_wait3A_80 = arith.constant 0 : i32
    %dma_wait3A_81 = tpu.memref_slice %arg2[%dma_wait3A_79, %dma_wait3A_80] : memref<10240x128xf32, #tpu.memory_space<hbm>> -> memref<10240x128xf32, #tpu.memory_space<hbm>>
    tpu.wait_indirect_dma semaphore(%arg11 : memref<!tpu.dma_semaphore, #tpu.memory_space<semaphore_mem>>) src(%dma_wait3A_81 : memref<10240x128xf32, #tpu.memory_space<hbm>>) dst(%arg9 : memref<128x128xf32, #tpu.memory_space<vmem>>)
    %run_scoped3A_82 = arith.constant 38 : i32
    "tpu.region"() ({
      %run_scoped3A_96 = tpu.sem_alloc : memref<!tpu.dma_semaphore, #tpu.memory_space<semaphore_mem>>
      %dma_start3A_97 = arith.constant 0 : i32
      %dma_start3A_98 = tpu.memref_slice %arg8[%run_scoped3A_82, %dma_start3A_97] : memref<40x128xi32, #tpu.memory_space<vmem>> -> memref<1x128xi32, #tpu.memory_space<vmem>>
      %dma_start3A_99 = tpu.memref_squeeze %dma_start3A_98 : memref<1x128xi32, #tpu.memory_space<vmem>> -> memref<128xi32, #tpu.memory_space<vmem>>
      %dma_start3A_100 = arith.constant 0 : i32
      %dma_start3A_101 = arith.constant 0 : i32
      %dma_start3A_102 = tpu.memref_slice %arg6[%dma_start3A_100, %dma_start3A_101] : memref<10240x128xf32, #tpu.memory_space<vmem_shared>> -> memref<10240x128xf32, #tpu.memory_space<vmem_shared>>
      tpu.enqueue_indirect_dma source(%arg9 : memref<128x128xf32, #tpu.memory_space<vmem>>) target(%dma_start3A_102 : memref<10240x128xf32, #tpu.memory_space<vmem_shared>>) offsets(%dma_start3A_99 : memref<128xi32, #tpu.memory_space<vmem>>) semaphore(%run_scoped3A_96 : memref<!tpu.dma_semaphore, #tpu.memory_space<semaphore_mem>>) {add = true}
      %dma_wait3A_103 = arith.constant 0 : i32
      %dma_wait3A_104 = tpu.memref_slice %arg8[%run_scoped3A_82, %dma_wait3A_103] : memref<40x128xi32, #tpu.memory_space<vmem>> -> memref<1x128xi32, #tpu.memory_space<vmem>>
      %dma_wait3A_105 = tpu.memref_squeeze %dma_wait3A_104 : memref<1x128xi32, #tpu.memory_space<vmem>> -> memref<128xi32, #tpu.memory_space<vmem>>
      %dma_wait3A_106 = arith.constant 0 : i32
      %dma_wait3A_107 = arith.constant 0 : i32
      %dma_wait3A_108 = tpu.memref_slice %arg6[%dma_wait3A_106, %dma_wait3A_107] : memref<10240x128xf32, #tpu.memory_space<vmem_shared>> -> memref<10240x128xf32, #tpu.memory_space<vmem_shared>>
      tpu.wait_indirect_dma semaphore(%run_scoped3A_96 : memref<!tpu.dma_semaphore, #tpu.memory_space<semaphore_mem>>) src(%arg9 : memref<128x128xf32, #tpu.memory_space<vmem>>) dst(%dma_wait3A_108 : memref<10240x128xf32, #tpu.memory_space<vmem_shared>>)
      tpu.yield
    }) : () -> ()
    %dma_wait3A_83 = arith.constant 0 : i32
    %dma_wait3A_84 = arith.constant 0 : i32
    %dma_wait3A_85 = tpu.memref_slice %arg7[%dma_wait3A_83, %dma_wait3A_84] : memref<40x128xi32, #tpu.memory_space<vmem>> -> memref<1x128xi32, #tpu.memory_space<vmem>>
    %dma_wait3A_86 = tpu.memref_squeeze %dma_wait3A_85 : memref<1x128xi32, #tpu.memory_space<vmem>> -> memref<128xi32, #tpu.memory_space<vmem>>
    %dma_wait3A_87 = arith.constant 0 : i32
    %dma_wait3A_88 = arith.constant 0 : i32
    %dma_wait3A_89 = tpu.memref_slice %arg2[%dma_wait3A_87, %dma_wait3A_88] : memref<10240x128xf32, #tpu.memory_space<hbm>> -> memref<10240x128xf32, #tpu.memory_space<hbm>>
    tpu.wait_indirect_dma semaphore(%arg12 : memref<!tpu.dma_semaphore, #tpu.memory_space<semaphore_mem>>) src(%dma_wait3A_89 : memref<10240x128xf32, #tpu.memory_space<hbm>>) dst(%arg10 : memref<128x128xf32, #tpu.memory_space<vmem>>)
    %run_scoped3A_90 = arith.constant 39 : i32
    "tpu.region"() ({
      %run_scoped3A_96 = tpu.sem_alloc : memref<!tpu.dma_semaphore, #tpu.memory_space<semaphore_mem>>
      %dma_start3A_97 = arith.constant 0 : i32
      %dma_start3A_98 = tpu.memref_slice %arg8[%run_scoped3A_90, %dma_start3A_97] : memref<40x128xi32, #tpu.memory_space<vmem>> -> memref<1x128xi32, #tpu.memory_space<vmem>>
      %dma_start3A_99 = tpu.memref_squeeze %dma_start3A_98 : memref<1x128xi32, #tpu.memory_space<vmem>> -> memref<128xi32, #tpu.memory_space<vmem>>
      %dma_start3A_100 = arith.constant 0 : i32
      %dma_start3A_101 = arith.constant 0 : i32
      %dma_start3A_102 = tpu.memref_slice %arg6[%dma_start3A_100, %dma_start3A_101] : memref<10240x128xf32, #tpu.memory_space<vmem_shared>> -> memref<10240x128xf32, #tpu.memory_space<vmem_shared>>
      tpu.enqueue_indirect_dma source(%arg10 : memref<128x128xf32, #tpu.memory_space<vmem>>) target(%dma_start3A_102 : memref<10240x128xf32, #tpu.memory_space<vmem_shared>>) offsets(%dma_start3A_99 : memref<128xi32, #tpu.memory_space<vmem>>) semaphore(%run_scoped3A_96 : memref<!tpu.dma_semaphore, #tpu.memory_space<semaphore_mem>>) {add = true}
      %dma_wait3A_103 = arith.constant 0 : i32
      %dma_wait3A_104 = tpu.memref_slice %arg8[%run_scoped3A_90, %dma_wait3A_103] : memref<40x128xi32, #tpu.memory_space<vmem>> -> memref<1x128xi32, #tpu.memory_space<vmem>>
      %dma_wait3A_105 = tpu.memref_squeeze %dma_wait3A_104 : memref<1x128xi32, #tpu.memory_space<vmem>> -> memref<128xi32, #tpu.memory_space<vmem>>
      %dma_wait3A_106 = arith.constant 0 : i32
      %dma_wait3A_107 = arith.constant 0 : i32
      %dma_wait3A_108 = tpu.memref_slice %arg6[%dma_wait3A_106, %dma_wait3A_107] : memref<10240x128xf32, #tpu.memory_space<vmem_shared>> -> memref<10240x128xf32, #tpu.memory_space<vmem_shared>>
      tpu.wait_indirect_dma semaphore(%run_scoped3A_96 : memref<!tpu.dma_semaphore, #tpu.memory_space<semaphore_mem>>) src(%arg10 : memref<128x128xf32, #tpu.memory_space<vmem>>) dst(%dma_wait3A_108 : memref<10240x128xf32, #tpu.memory_space<vmem_shared>>)
      tpu.yield
    }) : () -> ()
    %barrier3A_91 = arith.constant 0 : index
    tpu.barrier barrier_id(%barrier3A_91)
    %mul3A_92 = arith.constant 640 : i32
    %mul3A_93 = arith.muli %arg1, %mul3A_92 : i32
    %mul3A_94 = arith.constant 640 : i32
    %mul3A_95 = arith.muli %arg1, %mul3A_94 : i32
    "tpu.region"() ({
      %run_scoped3A_96 = tpu.sem_alloc : memref<!tpu.dma_semaphore, #tpu.memory_space<semaphore_mem>>
      %dma_start3A_97 = arith.constant 0 : i32
      %dma_start3A_98 = tpu.memref_slice %arg5[%arg0, %mul3A_95, %dma_start3A_97] : memref<2x10240x128xf32, #tpu.memory_space<hbm>> -> memref<1x640x128xf32, #tpu.memory_space<hbm>>
      %dma_start3A_99 = tpu.memref_squeeze %dma_start3A_98 : memref<1x640x128xf32, #tpu.memory_space<hbm>> -> memref<640x128xf32, #tpu.memory_space<hbm>>
      %dma_start3A_100 = arith.constant 0 : i32
      %dma_start3A_101 = tpu.memref_slice %arg6[%mul3A_93, %dma_start3A_100] : memref<10240x128xf32, #tpu.memory_space<vmem_shared>> -> memref<640x128xf32, #tpu.memory_space<vmem_shared>>
      tpu.enqueue_dma source(%dma_start3A_101 : memref<640x128xf32, #tpu.memory_space<vmem_shared>>) target(%dma_start3A_99 : memref<640x128xf32, #tpu.memory_space<hbm>>) target_semaphore(%run_scoped3A_96 : memref<!tpu.dma_semaphore, #tpu.memory_space<semaphore_mem>>)
      %dma_wait3A_102 = arith.constant 0 : i32
      %dma_wait3A_103 = tpu.memref_slice %arg5[%arg0, %mul3A_95, %dma_wait3A_102] : memref<2x10240x128xf32, #tpu.memory_space<hbm>> -> memref<1x640x128xf32, #tpu.memory_space<hbm>>
      %dma_wait3A_104 = tpu.memref_squeeze %dma_wait3A_103 : memref<1x640x128xf32, #tpu.memory_space<hbm>> -> memref<640x128xf32, #tpu.memory_space<hbm>>
      %dma_wait3A_105 = arith.constant 0 : i32
      %dma_wait3A_106 = tpu.memref_slice %arg6[%mul3A_93, %dma_wait3A_105] : memref<10240x128xf32, #tpu.memory_space<vmem_shared>> -> memref<640x128xf32, #tpu.memory_space<vmem_shared>>
      tpu.wait_dma2 semaphore(%run_scoped3A_96 : memref<!tpu.dma_semaphore, #tpu.memory_space<semaphore_mem>>) src(%dma_wait3A_106 : memref<640x128xf32, #tpu.memory_space<vmem_shared>>) dst(%dma_wait3A_104 : memref<640x128xf32, #tpu.memory_space<hbm>>)
      tpu.yield
    }) : () -> ()
    return
  }
}

#map = affine_map<(d0, d1) -> (0, 0)>
module attributes {stable_mosaic.version = 14 : i64} {
  func.func @_deg_body(%arg0: i32, %arg1: i32, %arg2: memref<2560x128xi32, #tpu.memory_space<hbm>>, %arg3: memref<2x10240xf32, #tpu.memory_space<hbm>>, %arg4: memref<10240xf32, #tpu.memory_space<vmem_shared>>, %arg5: memref<80x128xi32, #tpu.memory_space<vmem>>, %arg6: memref<128xf32, #tpu.memory_space<vmem>>, %arg7: memref<640xf32, #tpu.memory_space<vmem>>, %arg8: memref<!tpu.dma_semaphore, #tpu.memory_space<semaphore_mem>>) attributes {dimension_semantics = [#tpu.dimension_semantics<core_parallel>, #tpu.dimension_semantics<subcore_parallel>], iteration_bounds = array<i64: 2, 16>, scalar_prefetch = 0 : i64, scratch_operands = 5 : i64, tpu.core_type = #tpu.core_type<sc_vector_subcore>, window_params = [{transform_indices = #map}, {transform_indices = #map}]} {
    %mul3A = arith.constant 16 : i32
    %mul3A_0 = arith.muli %arg0, %mul3A : i32
    %add3A = arith.addi %mul3A_0, %arg1 : i32
    %scan3A = arith.constant 0 : i32
    %scan3A_1 = arith.constant 0 : i32
    %scan3A_2 = arith.constant 40 : i32
    %scan3A_3 = arith.addi %scan3A_1, %scan3A_2 : i32
    %scan3A_4 = arith.constant 1 : i32
    scf.for %scan3A_33 = %scan3A_1 to %scan3A_3 step %scan3A_4  : i32 {
      %broadcast_in_dim3A = arith.constant 0.000000e+00 : f32
      %broadcast_in_dim3A_34 = vector.broadcast %broadcast_in_dim3A : f32 to vector<16xf32>
      %mul3A_35 = arith.constant 16 : i32
      %mul3A_36 = arith.muli %scan3A_33, %mul3A_35 : i32
      %swap3A = arith.index_cast %mul3A_36 : i32 to index
      %swap3A_37 = tpu.vector_load %arg7[%swap3A] {strides = array<i32>} : memref<640xf32, #tpu.memory_space<vmem>>, vector<16xf32>,
      %swap3A_38 = vector.shape_cast %swap3A_37 : vector<16xf32> to vector<16xf32>
      %swap3A_39 = vector.shape_cast %broadcast_in_dim3A_34 : vector<16xf32> to vector<16xf32>
      tpu.vector_store %arg7[%swap3A], %swap3A_39 {strides = array<i32>} : memref<640xf32, #tpu.memory_space<vmem>>, vector<16xf32>,
    }
    %scan3A_5 = arith.constant 40 : i32
    %scan3A_6 = arith.constant 0 : i32
    %scan3A_7 = arith.constant 0 : i32
    %scan3A_8 = arith.constant 8 : i32
    %scan3A_9 = arith.addi %scan3A_7, %scan3A_8 : i32
    %scan3A_10 = arith.constant 1 : i32
    scf.for %scan3A_33 = %scan3A_7 to %scan3A_9 step %scan3A_10  : i32 {
      %broadcast_in_dim3A = arith.constant 1.000000e+00 : f32
      %broadcast_in_dim3A_34 = vector.broadcast %broadcast_in_dim3A : f32 to vector<16xf32>
      %mul3A_35 = arith.constant 16 : i32
      %mul3A_36 = arith.muli %scan3A_33, %mul3A_35 : i32
      %swap3A = arith.index_cast %mul3A_36 : i32 to index
      %swap3A_37 = tpu.vector_load %arg6[%swap3A] {strides = array<i32>} : memref<128xf32, #tpu.memory_space<vmem>>, vector<16xf32>,
      %swap3A_38 = vector.shape_cast %swap3A_37 : vector<16xf32> to vector<16xf32>
      %swap3A_39 = vector.shape_cast %broadcast_in_dim3A_34 : vector<16xf32> to vector<16xf32>
      tpu.vector_store %arg6[%swap3A], %swap3A_39 {strides = array<i32>} : memref<128xf32, #tpu.memory_space<vmem>>, vector<16xf32>,
    }
    %scan3A_11 = arith.constant 8 : i32
    %mul3A_12 = arith.constant 640 : i32
    %mul3A_13 = arith.muli %arg1, %mul3A_12 : i32
    "tpu.region"() ({
      %run_scoped3A = tpu.sem_alloc : memref<!tpu.dma_semaphore, #tpu.memory_space<semaphore_mem>>
      %dma_start3A = tpu.memref_slice %arg4[%mul3A_13] : memref<10240xf32, #tpu.memory_space<vmem_shared>> -> memref<640xf32, #tpu.memory_space<vmem_shared>>
      %dma_start3A_33 = tpu.memref_slice %arg4[%mul3A_13] : memref<10240xf32, #tpu.memory_space<vmem_shared>> -> memref<640xf32, #tpu.memory_space<vmem_shared>>
      tpu.enqueue_dma source(%arg7 : memref<640xf32, #tpu.memory_space<vmem>>) target(%dma_start3A_33 : memref<640xf32, #tpu.memory_space<vmem_shared>>) target_semaphore(%run_scoped3A : memref<!tpu.dma_semaphore, #tpu.memory_space<semaphore_mem>>)
      %dma_wait3A = tpu.memref_slice %arg4[%mul3A_13] : memref<10240xf32, #tpu.memory_space<vmem_shared>> -> memref<640xf32, #tpu.memory_space<vmem_shared>>
      %dma_wait3A_34 = tpu.memref_slice %arg4[%mul3A_13] : memref<10240xf32, #tpu.memory_space<vmem_shared>> -> memref<640xf32, #tpu.memory_space<vmem_shared>>
      tpu.wait_dma2 semaphore(%run_scoped3A : memref<!tpu.dma_semaphore, #tpu.memory_space<semaphore_mem>>) src(%arg7 : memref<640xf32, #tpu.memory_space<vmem>>) dst(%dma_wait3A_34 : memref<640xf32, #tpu.memory_space<vmem_shared>>)
      tpu.yield
    }) : () -> ()
    %mul3A_14 = arith.constant 80 : i32
    %mul3A_15 = arith.muli %add3A, %mul3A_14 : i32
    "tpu.region"() ({
      %run_scoped3A = tpu.sem_alloc : memref<!tpu.dma_semaphore, #tpu.memory_space<semaphore_mem>>
      %dma_start3A = arith.constant 0 : i32
      %dma_start3A_33 = tpu.memref_slice %arg2[%mul3A_15, %dma_start3A] : memref<2560x128xi32, #tpu.memory_space<hbm>> -> memref<80x128xi32, #tpu.memory_space<hbm>>
      %dma_start3A_34 = arith.constant 0 : i32
      %dma_start3A_35 = tpu.memref_slice %arg2[%mul3A_15, %dma_start3A_34] : memref<2560x128xi32, #tpu.memory_space<hbm>> -> memref<80x128xi32, #tpu.memory_space<hbm>>
      tpu.enqueue_dma source(%dma_start3A_35 : memref<80x128xi32, #tpu.memory_space<hbm>>) target(%arg5 : memref<80x128xi32, #tpu.memory_space<vmem>>) target_semaphore(%run_scoped3A : memref<!tpu.dma_semaphore, #tpu.memory_space<semaphore_mem>>)
      %dma_wait3A = arith.constant 0 : i32
      %dma_wait3A_36 = tpu.memref_slice %arg2[%mul3A_15, %dma_wait3A] : memref<2560x128xi32, #tpu.memory_space<hbm>> -> memref<80x128xi32, #tpu.memory_space<hbm>>
      %dma_wait3A_37 = arith.constant 0 : i32
      %dma_wait3A_38 = tpu.memref_slice %arg2[%mul3A_15, %dma_wait3A_37] : memref<2560x128xi32, #tpu.memory_space<hbm>> -> memref<80x128xi32, #tpu.memory_space<hbm>>
      tpu.wait_dma2 semaphore(%run_scoped3A : memref<!tpu.dma_semaphore, #tpu.memory_space<semaphore_mem>>) src(%dma_wait3A_38 : memref<80x128xi32, #tpu.memory_space<hbm>>) dst(%arg5 : memref<80x128xi32, #tpu.memory_space<vmem>>)
      tpu.yield
    }) : () -> ()
    %barrier3A = arith.constant 0 : index
    tpu.barrier barrier_id(%barrier3A)
    %scan3A_16 = arith.constant 0 : i32
    %scan3A_17 = arith.constant 0 : i32
    %scan3A_18 = arith.constant 80 : i32
    %scan3A_19 = arith.addi %scan3A_17, %scan3A_18 : i32
    %scan3A_20 = arith.constant 1 : i32
    scf.for %scan3A_33 = %scan3A_17 to %scan3A_19 step %scan3A_20  : i32 {
      %dma_start3A = arith.constant 0 : i32
      %dma_start3A_34 = tpu.memref_slice %arg5[%scan3A_33, %dma_start3A] : memref<80x128xi32, #tpu.memory_space<vmem>> -> memref<1x128xi32, #tpu.memory_space<vmem>>
      %dma_start3A_35 = tpu.memref_squeeze %dma_start3A_34 : memref<1x128xi32, #tpu.memory_space<vmem>> -> memref<128xi32, #tpu.memory_space<vmem>>
      %dma_start3A_36 = arith.constant 0 : i32
      %dma_start3A_37 = tpu.memref_slice %arg4[%dma_start3A_36] : memref<10240xf32, #tpu.memory_space<vmem_shared>> -> memref<10240xf32, #tpu.memory_space<vmem_shared>>
      tpu.enqueue_indirect_dma source(%arg6 : memref<128xf32, #tpu.memory_space<vmem>>) target(%dma_start3A_37 : memref<10240xf32, #tpu.memory_space<vmem_shared>>) offsets(%dma_start3A_35 : memref<128xi32, #tpu.memory_space<vmem>>) semaphore(%arg8 : memref<!tpu.dma_semaphore, #tpu.memory_space<semaphore_mem>>) {add = true}
    }
    %scan3A_21 = arith.constant 80 : i32
    %scan3A_22 = arith.constant 0 : i32
    %scan3A_23 = arith.constant 0 : i32
    %scan3A_24 = arith.constant 80 : i32
    %scan3A_25 = arith.addi %scan3A_23, %scan3A_24 : i32
    %scan3A_26 = arith.constant 1 : i32
    scf.for %scan3A_33 = %scan3A_23 to %scan3A_25 step %scan3A_26  : i32 {
      %dma_wait3A = arith.constant 0 : i32
      %dma_wait3A_34 = arith.constant 0 : i32
      %dma_wait3A_35 = tpu.memref_slice %arg5[%dma_wait3A, %dma_wait3A_34] : memref<80x128xi32, #tpu.memory_space<vmem>> -> memref<1x128xi32, #tpu.memory_space<vmem>>
      %dma_wait3A_36 = tpu.memref_squeeze %dma_wait3A_35 : memref<1x128xi32, #tpu.memory_space<vmem>> -> memref<128xi32, #tpu.memory_space<vmem>>
      %dma_wait3A_37 = arith.constant 0 : i32
      %dma_wait3A_38 = tpu.memref_slice %arg4[%dma_wait3A_37] : memref<10240xf32, #tpu.memory_space<vmem_shared>> -> memref<10240xf32, #tpu.memory_space<vmem_shared>>
      tpu.wait_indirect_dma semaphore(%arg8 : memref<!tpu.dma_semaphore, #tpu.memory_space<semaphore_mem>>) src(%arg6 : memref<128xf32, #tpu.memory_space<vmem>>) dst(%dma_wait3A_38 : memref<10240xf32, #tpu.memory_space<vmem_shared>>)
    }
    %scan3A_27 = arith.constant 80 : i32
    %barrier3A_28 = arith.constant 0 : index
    tpu.barrier barrier_id(%barrier3A_28)
    %mul3A_29 = arith.constant 640 : i32
    %mul3A_30 = arith.muli %arg1, %mul3A_29 : i32
    %mul3A_31 = arith.constant 640 : i32
    %mul3A_32 = arith.muli %arg1, %mul3A_31 : i32
    "tpu.region"() ({
      %run_scoped3A = tpu.sem_alloc : memref<!tpu.dma_semaphore, #tpu.memory_space<semaphore_mem>>
      %dma_start3A = tpu.memref_slice %arg3[%arg0, %mul3A_32] : memref<2x10240xf32, #tpu.memory_space<hbm>> -> memref<1x640xf32, #tpu.memory_space<hbm>>
      %dma_start3A_33 = tpu.memref_squeeze %dma_start3A : memref<1x640xf32, #tpu.memory_space<hbm>> -> memref<640xf32, #tpu.memory_space<hbm>>
      %dma_start3A_34 = tpu.memref_slice %arg4[%mul3A_30] : memref<10240xf32, #tpu.memory_space<vmem_shared>> -> memref<640xf32, #tpu.memory_space<vmem_shared>>
      tpu.enqueue_dma source(%dma_start3A_34 : memref<640xf32, #tpu.memory_space<vmem_shared>>) target(%dma_start3A_33 : memref<640xf32, #tpu.memory_space<hbm>>) target_semaphore(%run_scoped3A : memref<!tpu.dma_semaphore, #tpu.memory_space<semaphore_mem>>)
      %dma_wait3A = tpu.memref_slice %arg3[%arg0, %mul3A_32] : memref<2x10240xf32, #tpu.memory_space<hbm>> -> memref<1x640xf32, #tpu.memory_space<hbm>>
      %dma_wait3A_35 = tpu.memref_squeeze %dma_wait3A : memref<1x640xf32, #tpu.memory_space<hbm>> -> memref<640xf32, #tpu.memory_space<hbm>>
      %dma_wait3A_36 = tpu.memref_slice %arg4[%mul3A_30] : memref<10240xf32, #tpu.memory_space<vmem_shared>> -> memref<640xf32, #tpu.memory_space<vmem_shared>>
      tpu.wait_dma2 semaphore(%run_scoped3A : memref<!tpu.dma_semaphore, #tpu.memory_space<semaphore_mem>>) src(%dma_wait3A_36 : memref<640xf32, #tpu.memory_space<vmem_shared>>) dst(%dma_wait3A_35 : memref<640xf32, #tpu.memory_space<hbm>>)
      tpu.yield
    }) : () -> ()
    return
  }
}

module attributes {stable_mosaic.version = 14 : i64} {
  func.func @_tc_mm(%arg0: memref<10000x128xf32, #tpu.memory_space<vmem>>, %arg1: memref<128x128xf32, #tpu.memory_space<vmem>>, %arg2: memref<10240x128xf32, #tpu.memory_space<vmem>>) attributes {dimension_semantics = [], scalar_prefetch = 0 : i64, scratch_operands = 0 : i64, tpu.core_type = #tpu.core_type<tc>} {
    %get3A = arith.constant 0 : index
    %get3A_0 = arith.constant 0 : index
    %get3A_1 = vector.load %arg0[%get3A, %get3A_0] : memref<10000x128xf32, #tpu.memory_space<vmem>>, vector<10000x128xf32>
    %get3A_2 = arith.constant 0 : index
    %get3A_3 = arith.constant 0 : index
    %get3A_4 = vector.load %arg1[%get3A_2, %get3A_3] : memref<128x128xf32, #tpu.memory_space<vmem>>, vector<128x128xf32>
    %dot_general3A = arith.constant dense<0.000000e+00> : vector<10000x128xf32>
    %dot_general3A_5 = tpu.matmul %get3A_1, %get3A_4, %dot_general3A {dimension_numbers = #tpu.dot_dimension_numbers<[1], [0], [0], [1], [0, 0, 1, 1], [], []>, transpose_lhs_hint = false} : vector<10000x128xf32>, vector<128x128xf32>, vector<10000x128xf32> -> vector<10000x128xf32>
    %broadcast_in_dim3A = arith.constant 0.000000e+00 : f32
    %broadcast_in_dim3A_6 = vector.broadcast %broadcast_in_dim3A : f32 to vector<240x128xf32>
    %concatenate3A = tpu.concatenate %dot_general3A_5, %broadcast_in_dim3A_6 in 0 : vector<10000x128xf32>, vector<240x128xf32> -> vector<10240x128xf32>
    %swap3A = arith.constant 0 : index
    %swap3A_7 = arith.constant 0 : index
    %swap3A_8 = vector.load %arg2[%swap3A, %swap3A_7] : memref<10240x128xf32, #tpu.memory_space<vmem>>, vector<10240x128xf32>
    tpu.vector_store %arg2[%swap3A, %swap3A_7], %concatenate3A {strides = array<i32>} : memref<10240x128xf32, #tpu.memory_space<vmem>>, vector<10240x128xf32>,
    return
  }
}

module attributes {stable_mosaic.version = 14 : i64} {
  func.func @_tc_scale(%arg0: memref<10240x128xf32, #tpu.memory_space<vmem>>, %arg1: memref<10240x2xf32, #tpu.memory_space<vmem>>, %arg2: memref<10240x128xf32, #tpu.memory_space<vmem>>) attributes {dimension_semantics = [], scalar_prefetch = 0 : i64, scratch_operands = 0 : i64, tpu.core_type = #tpu.core_type<tc>} {
    %get3A = arith.constant 0 : index
    %get3A_0 = arith.constant 0 : index
    %get3A_1 = vector.load %arg0[%get3A, %get3A_0] : memref<10240x128xf32, #tpu.memory_space<vmem>>, vector<10240x128xf32>
    %get3A_2 = arith.constant 0 : index
    %get3A_3 = arith.constant 0 : index
    %get3A_4 = vector.load %arg1[%get3A_2, %get3A_3] : memref<10240x2xf32, #tpu.memory_space<vmem>>, vector<10240x1xf32>
    %get3A_5 = arith.constant 0 : index
    %get3A_6 = arith.constant 1 : index
    %get3A_7 = vector.load %arg1[%get3A_5, %get3A_6] : memref<10240x2xf32, #tpu.memory_space<vmem>>, vector<10240x1xf32>
    %add3A = arith.addf %get3A_4, %get3A_7 : vector<10240x1xf32>
    %add3A_8 = arith.constant 1.000000e+00 : f32
    %add3A_9 = vector.broadcast %add3A_8 : f32 to vector<10240x1xf32>
    %add3A_10 = arith.addf %add3A, %add3A_9 : vector<10240x1xf32>
    %rsqrt3A = math.rsqrt %add3A_10 : vector<10240x1xf32>
    %mul3A = vector.broadcast %rsqrt3A : vector<10240x1xf32> to vector<10240x128xf32>
    %mul3A_11 = arith.mulf %get3A_1, %mul3A : vector<10240x128xf32>
    %swap3A = arith.constant 0 : index
    %swap3A_12 = arith.constant 0 : index
    %swap3A_13 = vector.load %arg2[%swap3A, %swap3A_12] : memref<10240x128xf32, #tpu.memory_space<vmem>>, vector<10240x128xf32>
    tpu.vector_store %arg2[%swap3A, %swap3A_12], %mul3A_11 {strides = array<i32>} : memref<10240x128xf32, #tpu.memory_space<vmem>>, vector<10240x128xf32>,
    return
  }
}

module attributes {stable_mosaic.version = 14 : i64} {
  func.func @_tc_mid(%arg0: memref<2x10240x128xf32, #tpu.memory_space<vmem>>, %arg1: memref<10240x2xf32, #tpu.memory_space<vmem>>, %arg2: memref<1x128xf32, #tpu.memory_space<vmem>>, %arg3: memref<128x128xf32, #tpu.memory_space<vmem>>, %arg4: memref<10240x128xf32, #tpu.memory_space<vmem>>) attributes {dimension_semantics = [], scalar_prefetch = 0 : i64, scratch_operands = 0 : i64, tpu.core_type = #tpu.core_type<tc>} {
    %get3A = arith.constant 0 : index
    %get3A_0 = arith.constant 0 : index
    %get3A_1 = vector.load %arg1[%get3A, %get3A_0] : memref<10240x2xf32, #tpu.memory_space<vmem>>, vector<10240x1xf32>
    %get3A_2 = arith.constant 0 : index
    %get3A_3 = arith.constant 1 : index
    %get3A_4 = vector.load %arg1[%get3A_2, %get3A_3] : memref<10240x2xf32, #tpu.memory_space<vmem>>, vector<10240x1xf32>
    %add3A = arith.addf %get3A_1, %get3A_4 : vector<10240x1xf32>
    %add3A_5 = arith.constant 1.000000e+00 : f32
    %add3A_6 = vector.broadcast %add3A_5 : f32 to vector<10240x1xf32>
    %add3A_7 = arith.addf %add3A, %add3A_6 : vector<10240x1xf32>
    %rsqrt3A = math.rsqrt %add3A_7 : vector<10240x1xf32>
    %get3A_8 = arith.constant 0 : index
    %get3A_9 = arith.constant 0 : index
    %get3A_10 = arith.constant 0 : index
    %get3A_11 = vector.load %arg0[%get3A_8, %get3A_9, %get3A_10] : memref<2x10240x128xf32, #tpu.memory_space<vmem>>, vector<1x10240x128xf32>
    %get3A_12 = vector.shape_cast %get3A_11 : vector<1x10240x128xf32> to vector<10240x128xf32>
    %get3A_13 = arith.constant 1 : index
    %get3A_14 = arith.constant 0 : index
    %get3A_15 = arith.constant 0 : index
    %get3A_16 = vector.load %arg0[%get3A_13, %get3A_14, %get3A_15] : memref<2x10240x128xf32, #tpu.memory_space<vmem>>, vector<1x10240x128xf32>
    %get3A_17 = vector.shape_cast %get3A_16 : vector<1x10240x128xf32> to vector<10240x128xf32>
    %add3A_18 = arith.addf %get3A_12, %get3A_17 : vector<10240x128xf32>
    %mul3A = vector.broadcast %rsqrt3A : vector<10240x1xf32> to vector<10240x128xf32>
    %mul3A_19 = arith.mulf %add3A_18, %mul3A : vector<10240x128xf32>
    %get3A_20 = arith.constant 0 : index
    %get3A_21 = arith.constant 0 : index
    %get3A_22 = vector.load %arg2[%get3A_20, %get3A_21] : memref<1x128xf32, #tpu.memory_space<vmem>>, vector<1x128xf32>
    %add3A_23 = vector.broadcast %get3A_22 : vector<1x128xf32> to vector<10240x128xf32>
    %add3A_24 = arith.addf %mul3A_19, %add3A_23 : vector<10240x128xf32>
    %max3A = arith.constant 0.000000e+00 : f32
    %max3A_25 = vector.broadcast %max3A : f32 to vector<10240x128xf32>
    %max3A_26 = arith.maximumf %add3A_24, %max3A_25 : vector<10240x128xf32>
    %get3A_27 = arith.constant 0 : index
    %get3A_28 = arith.constant 0 : index
    %get3A_29 = vector.load %arg3[%get3A_27, %get3A_28] : memref<128x128xf32, #tpu.memory_space<vmem>>, vector<128x128xf32>
    %dot_general3A = arith.constant dense<0.000000e+00> : vector<10240x128xf32>
    %dot_general3A_30 = tpu.matmul %max3A_26, %get3A_29, %dot_general3A {dimension_numbers = #tpu.dot_dimension_numbers<[1], [0], [0], [1], [0, 0, 1, 1], [], []>, transpose_lhs_hint = false} : vector<10240x128xf32>, vector<128x128xf32>, vector<10240x128xf32> -> vector<10240x128xf32>
    %mul3A_31 = vector.broadcast %rsqrt3A : vector<10240x1xf32> to vector<10240x128xf32>
    %mul3A_32 = arith.mulf %dot_general3A_30, %mul3A_31 : vector<10240x128xf32>
    %swap3A = arith.constant 0 : index
    %swap3A_33 = arith.constant 0 : index
    %swap3A_34 = vector.load %arg4[%swap3A, %swap3A_33] : memref<10240x128xf32, #tpu.memory_space<vmem>>, vector<10240x128xf32>
    tpu.vector_store %arg4[%swap3A, %swap3A_33], %mul3A_32 {strides = array<i32>} : memref<10240x128xf32, #tpu.memory_space<vmem>>, vector<10240x128xf32>,
    return
  }
}

module attributes {stable_mosaic.version = 14 : i64} {
  func.func @_tc_fin(%arg0: memref<2x10240x128xf32, #tpu.memory_space<vmem>>, %arg1: memref<10240x2xf32, #tpu.memory_space<vmem>>, %arg2: memref<1x128xf32, #tpu.memory_space<vmem>>, %arg3: memref<10000x128xf32, #tpu.memory_space<vmem>>) attributes {dimension_semantics = [], scalar_prefetch = 0 : i64, scratch_operands = 0 : i64, tpu.core_type = #tpu.core_type<tc>} {
    %get3A = arith.constant 0 : index
    %get3A_0 = arith.constant 0 : index
    %get3A_1 = arith.constant 0 : index
    %get3A_2 = vector.load %arg0[%get3A, %get3A_0, %get3A_1] : memref<2x10240x128xf32, #tpu.memory_space<vmem>>, vector<1x10240x128xf32>
    %get3A_3 = vector.shape_cast %get3A_2 : vector<1x10240x128xf32> to vector<10240x128xf32>
    %get3A_4 = arith.constant 1 : index
    %get3A_5 = arith.constant 0 : index
    %get3A_6 = arith.constant 0 : index
    %get3A_7 = vector.load %arg0[%get3A_4, %get3A_5, %get3A_6] : memref<2x10240x128xf32, #tpu.memory_space<vmem>>, vector<1x10240x128xf32>
    %get3A_8 = vector.shape_cast %get3A_7 : vector<1x10240x128xf32> to vector<10240x128xf32>
    %add3A = arith.addf %get3A_3, %get3A_8 : vector<10240x128xf32>
    %get3A_9 = arith.constant 0 : index
    %get3A_10 = arith.constant 0 : index
    %get3A_11 = vector.load %arg1[%get3A_9, %get3A_10] : memref<10240x2xf32, #tpu.memory_space<vmem>>, vector<10240x1xf32>
    %get3A_12 = arith.constant 0 : index
    %get3A_13 = arith.constant 1 : index
    %get3A_14 = vector.load %arg1[%get3A_12, %get3A_13] : memref<10240x2xf32, #tpu.memory_space<vmem>>, vector<10240x1xf32>
    %add3A_15 = arith.addf %get3A_11, %get3A_14 : vector<10240x1xf32>
    %add3A_16 = arith.constant 1.000000e+00 : f32
    %add3A_17 = vector.broadcast %add3A_16 : f32 to vector<10240x1xf32>
    %add3A_18 = arith.addf %add3A_15, %add3A_17 : vector<10240x1xf32>
    %rsqrt3A = math.rsqrt %add3A_18 : vector<10240x1xf32>
    %mul3A = vector.broadcast %rsqrt3A : vector<10240x1xf32> to vector<10240x128xf32>
    %mul3A_19 = arith.mulf %add3A, %mul3A : vector<10240x128xf32>
    %get3A_20 = arith.constant 0 : index
    %get3A_21 = arith.constant 0 : index
    %get3A_22 = vector.load %arg2[%get3A_20, %get3A_21] : memref<1x128xf32, #tpu.memory_space<vmem>>, vector<1x128xf32>
    %add3A_23 = vector.broadcast %get3A_22 : vector<1x128xf32> to vector<10240x128xf32>
    %add3A_24 = arith.addf %mul3A_19, %add3A_23 : vector<10240x128xf32>
    %slice3A = vector.extract_strided_slice %add3A_24 {offsets = [0, 0], sizes = [10000, 128], strides = [1, 1]} : vector<10240x128xf32> to vector<10000x128xf32>
    %swap3A = arith.constant 0 : index
    %swap3A_25 = arith.constant 0 : index
    %swap3A_26 = vector.load %arg3[%swap3A, %swap3A_25] : memref<10000x128xf32, #tpu.memory_space<vmem>>, vector<10000x128xf32>
    tpu.vector_store %arg3[%swap3A, %swap3A_25], %slice3A {strides = array<i32>} : memref<10000x128xf32, #tpu.memory_space<vmem>>, vector<10000x128xf32>,
    return
  }
}

</mosaic_0001>

<sc_bundles>
// kernel: kernel.12.cloned.1.call-start
scs
__scs_entry_jumppad:
0x0: {  	(pc) =	sbr.rel $0x88, $3  }
0x1: {  	(tag) =	ssettag $0x0;
	lr =	simm.s32 $0x1  }
0x2: {  	[smem:$0x3F9B] =	sst lr;
	_ =	strace $0xD0000000  }
0x3: {  	_ = 	snop  }
0x4: {  	_ = 	snop  }
0x5: {  	_ = 	snop  }
0x6: {  	_ = 	snop  }
0x7: {  	_ = 	snop  }
__scs_overlays_trampoline_lowered:
0x8: {  	[smem:$0x3FAA] =	sst s0  }
0x9: {  	[smem:$0x3FAB] =	sst s1  }
0xa: {  	[smem:$0x3FAC] =	sst s2  }
0xb: {  	[smem:$0x3FAD] =	sst s3  }
0xc: {  	[smem:$0x3FAE] =	sst s4  }
0xd: {  	[smem:$0x3FAF] =	sst s5  }
0xe: {  	[smem:$0x3FB0] =	sst s6  }
0xf: {  	[smem:$0x3FB1] =	sst s7  }
0x10: {  	[smem:$0x3FB2] =	sst s8  }
0x11: {  	[smem:$0x3FB3] =	sst s9;
	s0 =	simm.s32 @!p0 $0x0  }
0x12: {  	s1 =	sld [smem:$0x3F99];
	s0 =	simm.s32 @p0 $0x1  }
0x13: {  	[smem:$0x3FB4] =	sst s0;
	s0 =	simm.s32 @!p1 $0x0  }
0x14: {  	s2 =	sld [smem:$0x3F98];
	s0 =	simm.s32 @p1 $0x1  }
0x15: {  	[smem:$0x3FB5] =	sst s0;
	s0 =	simm.s32 @!p2 $0x0  }
0x16: {  	s3 =	sld [smem:$0x3FDB];
	s0 =	simm.s32 @p2 $0x1  }
0x17: {  	s4 =	simm.s32 $0x1BF5;
	[smem:$0x3FB7] =	sst s0  }
0x18: {  	s0 =	sld [smem:$0x3F9A];
	_ =	swait.ge [sflag:s4], $0x0  }
0x19: {  	s7 =	sld [smem:$0x3F9B]  }
0x1a: {  	s8 =	sadd.s32 $0xFFFFE003, lr  }
0x1b: {  	s9 =	sadd.s32 $0xFFFFFEF7, lr;
	s5 =	simm.s32 $0xFFFFFFFF;
	p2 =	slt.u32 s8, $0xFFFFF086  }
0x1c: {  	p1 =	slt.u32 s9, $0xF7A;
	s5 =	simm.s32 @!p2 $0x0  }
0x1d: {  	s5 =	simm.s32 @p1 $0x1;
	p0 =	seq.s32 s7, s2  }
0x1e: {  	s7 =	smul.u32 @!p0 $0xF7A, s2;
	p2 =	seq.s32 @!p0 s5, $0x0  }
0x1f: {  	s9 =	smul.u32 $0xF7A, s1;
	s8 =	simm.s32 @!p0 $0x1BF5;
	p2 =	por !p2, p0  }
0x20: {  	[sflag:s8] =	ssyncset.s32 @!p0 $0xFFFFF086;
	s6 =	sadd.s32 @!p0 s3, s7;
	s7 =	simm.s32 @!p0 $0x108  }
0x21: {  	s3 =	sadd.s32 s3, s9;
	s6 =	sadd.s32 @!p0 $0x88, s6;
	s7 =	simm.s32 @p2 $0x1082  }
0x22: {  	[simem:s7], [sflag:s8] =	dma.local @!p0 [hbm:s6], $0xF7A  }
0x23: {  	s9 =	sor.u32 $0xD0000000, s2;
	s6 =	simm.s32 $0x108;
	_ =	swait.ge @!p0 [sflag:s8], $0x0  }
0x24: {  	s3 =	sadd.s32 $0x88, s3;
	s6 =	simm.s32 @!p1 $0x1082;
	[sflag:s4] =	ssyncset.s32 $0xFFFFF086  }
0x25: {  	[simem:s6], [sflag:s4] =	dma.local [hbm:s3], $0xF7A  }
0x26: {  	[smem:$0x3F9B] =	sst s1;
	(tag) =	ssettag s2;
	_ =	strace s9  }
0x27: {  	s1 =	sld [smem:$0x3FAB]  }
0x28: {  	s2 =	sld [smem:$0x3FAC]  }
0x29: {  	s4 =	sld [smem:$0x3FAE]  }
0x2a: {  	p0 =	seq.s32 s5, $0x0;
	s5 =	sld [smem:$0x3FAF]  }
0x2b: {  	s6 =	sld [smem:$0x3FB0]  }
0x2c: {  	s7 =	sld [smem:$0x3FB1]  }
0x2d: {  	s3 =	simm.s32 $0x108;
	s8 =	sld [smem:$0x3FB2]  }
0x2e: {  	s3 =	simm.s32 @!p0 $0x1082;
	s9 =	sld [smem:$0x3FB3]  }
0x2f: {  	lr =	sadd.s32 s0, s3;
	s0 =	sld [smem:$0x3FAA]  }
0x30: {  	s3 =	sld [smem:$0x3FAD]  }
0x31: {  	[smem:$0x3FB6] =	sst s10  }
0x32: {  	s10 =	sld [smem:$0x3FB4];
	_ =	sdelay $0x3  }
0x33: {  	p0 =	seq.s32 s10, $0x1;
	s10 =	sld [smem:$0x3FB6];
	_ =	sdelay $0x3  }
0x34: {  	[smem:$0x3FB6] =	sst s10  }
0x35: {  	s10 =	sld [smem:$0x3FB5];
	_ =	sdelay $0x3  }
0x36: {  	p1 =	seq.s32 s10, $0x1;
	s10 =	sld [smem:$0x3FB6];
	_ =	sdelay $0x3  }
0x37: {  	[smem:$0x3FB6] =	sst s10  }
0x38: {  	s10 =	sld [smem:$0x3FB7]  }
0x39: {  	_ = 	snop;
	(pc) =	sbr.ind lr, $3  }
0x3a: {  	_ = 	snop  }
0x3b: {  	_ = 	snop  }
0x3c: {  	p2 =	seq.s32 s10, $0x1;
	s10 =	sld [smem:$0x3FB6]  }
0x3d: {  	_ =	shalt  }
0x3e: {  	_ =	shalt  }
0x3f: {  	_ =	shalt  }
0x40: {  	_ =	shalt  }
0x41: {  	_ =	shalt  }
0x42: {  	_ =	shalt  }
0x43: {  	_ =	shalt  }
0x44: {  	_ =	shalt  }
0x45: {  	_ =	shalt  }
0x46: {  	_ =	shalt  }
0x47: {  	_ =	shalt  }
0x48: {  	_ =	shalt  }
0x49: {  	_ =	shalt  }
0x4a: {  	_ =	shalt  }
0x4b: {  	_ =	shalt  }
0x4c: {  	_ =	shalt  }
0x4d: {  	_ =	shalt  }
0x4e: {  	_ =	shalt  }
0x4f: {  	_ =	shalt  }
0x50: {  	_ =	shalt  }
0x51: {  	_ =	shalt  }
0x52: {  	_ =	shalt  }
0x53: {  	_ =	shalt  }
0x54: {  	_ =	shalt  }
0x55: {  	_ =	shalt  }
0x56: {  	_ =	shalt  }
0x57: {  	_ =	shalt  }
0x58: {  	_ =	shalt  }
0x59: {  	_ =	shalt  }
0x5a: {  	_ =	shalt  }
0x5b: {  	_ =	shalt  }
0x5c: {  	_ =	shalt  }
0x5d: {  	_ =	shalt  }
0x5e: {  	_ =	shalt  }
0x5f: {  	_ =	shalt  }
0x60: {  	_ =	shalt  }
0x61: {  	_ =	shalt  }
0x62: {  	_ =	shalt  }
0x63: {  	_ =	shalt  }
0x64: {  	_ =	shalt  }
0x65: {  	_ =	shalt  }
0x66: {  	_ =	shalt  }
0x67: {  	_ =	shalt  }
0x68: {  	_ =	shalt  }
0x69: {  	_ =	shalt  }
0x6a: {  	_ =	shalt  }
0x6b: {  	_ =	shalt  }
0x6c: {  	_ =	shalt  }
0x6d: {  	_ =	shalt  }
0x6e: {  	_ =	shalt  }
0x6f: {  	_ =	shalt  }
0x70: {  	_ =	shalt  }
0x71: {  	_ =	shalt  }
0x72: {  	_ =	shalt  }
0x73: {  	_ =	shalt  }
0x74: {  	_ =	shalt  }
0x75: {  	_ =	shalt  }
0x76: {  	_ =	shalt  }
0x77: {  	_ =	shalt  }
0x78: {  	_ =	shalt  }
0x79: {  	_ =	shalt  }
0x7a: {  	_ =	shalt  }
0x7b: {  	_ =	shalt  }
0x7c: {  	_ =	shalt  }
0x7d: {  	_ =	shalt  }
0x7e: {  	_ =	shalt  }
0x7f: {  	_ =	shalt  }
0x80: {  	_ =	shalt  }
0x81: {  	_ =	shalt  }
0x82: {  	_ =	shalt  }
0x83: {  	_ =	shalt  }
0x84: {  	_ =	shalt  }
0x85: {  	_ =	shalt  }
0x86: {  	_ =	shalt  }
0x87: {  	_ =	shalt  }
.Lfunc_end0:
.L_simem_size_0:
called_computation.1_lowered:
.L_overlay_start_0:
0x88: {  	s2 =	sld [smem:$0x3FD9]  }
0x89: {  	s3 =	sld [smem:$0x3FFE];
	_ =	sdelay $0x1  }
0x8a: {  	s1 =	srdreg.scid  }
0x8b: {  	s0 =	sand.u32 $0x1, s1  }
0x8c: {  	s17 =	sshll.u32 s0, $0xA;
	s2 =	sadd.s32 s3, s2  }
0x8d: {  	s2 =	sadd.s32 s2, s17  }
0x8e: {  	[smem:$0x3FC2] =	sst s2  }
0x8f: {  	_ = 	snop  }
0x90: {  	s2 =	sld [smem:$0x3FD0];
	(tm) =	ssettm $0x1  }
0x91: {  	s18 =	sld [smem:$0x3FFB];
	_ =	sdelay $0x3  }
0x92: {  	_ =	strace s18  }
0x93: {  	s3 =	sld [smem:$0x3FFC];
	_ =	sdelay $0x3  }
0x94: {  	_ =	strace s3  }
0x95: {  	s3 =	sld [smem:$0x3FFD];
	_ =	sdelay $0x3  }
0x96: {  	_ =	strace s3  }
0x97: {  	_ =	strace $0x8FFFFFFF  }
0x98: {  	s19 =	sld [smem:$0x3FDB];
	_ =	sdelay $0x1  }
0x99: {  	s4 =	simm.s32 $_scs_section_size  }
0x9a: {  	s5 =	simm.s32 $_size__tile_overlayer_lowered;
	s6 =	simm.s32 $_tile_overlayer_lowered  }
0x9b: {  	s22 =	simm.s32 $0x1BFF;
	s21 =	sshll.u32 s6, $0x1;
	s3 =	sadd.s32 s4, s19  }
0x9c: {  	s7 =	simm.s32 $0x0;
	s20 =	sshll.u32 s5, $0x1;
	s5 =	sadd.s32 s21, s3  }
0x9d: {  	[timem:s7], [sflag:s22] =	dma.local [hbm:s5], s20  }
0x9e: {  	_ =	swait.ge [sflag:s22], s20  }
0x9f: {  	s4 =	ssub.s32 $0x0, s20;
	[sflag:s22] =	ssyncset.done $0x0  }
0xa0: {  	[sflag:s22] =	ssyncadd.s32 s4;
	_ =	sdelay $0x1  }
0xa1: {  	s23 =	simm.s32 $0x1B8B  }
0xa2: {  	_ =	swait.ge [sflag:s23], $0x1  }
0xa3: {  	[sflag:s23] =	ssyncset.done $0x0  }
0xa4: {  	s25 =	simm.s32 $0x1B8E;
	s24 =	sld [smem:$0x3FFE];
	[sflag:s23] =	ssyncadd.s32 $0xFFFFFFFF  }
0xa5: {  	s26 =	simm.s32 $execute0_lowered;
	[smem:$0x3FD2] =	sst s25  }
0xa6: {  	s5 =	sshll.u32 s26, $0x1;
	_ =	strace $0x80000049;
	[dreg:$0x1] =	wrdreg $0xFFFFFFFF  }
0xa7: {  	s28 =	simm.s32 $_size_execute0_lowered;
	s3 =	sadd.s32 s3, s5;
	[dreg:$0x0] =	wrdreg $0x0  }
0xa8: {  	s5 =	sshll.u32 s28, $0x1;
	[dreg:$0x2] =	wrdreg s3  }
0xa9: {  	[dreg:$0x3] =	wrdreg s5  }
0xaa: {  	[dreg:$0x4] =	wrdreg $0xC0  }
0xab: {  	_ =	task [dreg:s7], $0x5FFFF  }
0xac: {  	[dreg:$0x1] =	wrdreg $0xFFFFFFFF  }
0xad: {  	[dreg:$0x0] =	wrdreg $0x60  }
0xae: {  	[dreg:$0x2] =	wrdreg s24  }
0xaf: {  	[dreg:$0x3] =	wrdreg s2  }
0xb0: {  	[dreg:$0x4] =	wrdreg $0x0  }
0xb1: {  	[dreg:$0x5] =	wrdreg $0x9  }
0xb2: {  	_ =	task.clear_ibuf [dreg:s7], $0x6FFFF;
	_ =	strace $0x90000049  }
0xb3: {  	s29 =	simm.s32 $0x9;
	_ =	strace $0x8000004B  }
0xb4: {  	_ =	swait.ge [sflag:s29], $0x1  }
0xb5: {  	[sflag:s29] =	ssyncadd.s32 $0xFFFFFFFF  }
0xb6: {  	_ =	strace $0x9000004B  }
0xb7: {  	_ =	sfence  }
0xb8: {  	s30 =	sld [smem:$0x0];
	_ =	sdelay $0x2  }
0xb9: {  	s31 =	sshll.u32 s1, $0xD;
	s1 =	sshrl.u32 s1, $0x2  }
0xba: {  	s3 =	sand.u32 $0x4000, s31;
	s1 =	sadd.s32 s1, s30  }
0xbb: {  	s0 =	sor.u32 s3, s0;
	s1 =	sshll.u32 s1, $0x11  }
0xbc: {  	s0 =	sor.u32 s1, s0  }
0xbd: {  	s0 =	sadd.s32 $0x8F2B, s0  }
0xbe: {  	[sflag:s0] =	ssyncadd.remote.s32 $0x1  }
0xbf: {  	_ =	sfence.sel $0xFFFF  }
0xc0: {  	[dreg:$0x0] =	wrdreg $0xFFFFFFFF;
	(pc) =	sbr.abs _section_cstart, $3  }
0xc1: {  	[dreg:$0x1] =	wrdreg $0xFFFFFFFF  }
0xc2: {  	_ =	task.clear_ibuf [dreg:s7], $0x2FFFF;
	_ =	strace $0x9FFFFFFF  }
0xc3: {  	(tm) =	ssettm $0x7FFFFFFF  }
tec
execute0_lowered:
.L_overlay_start_1:
0x0: {  	(tag) =	ssettag $0x1  }
0x1: {  	s0 =	rddreg [dreg:$0x0]  }
0x2: {  	s2 =	rddreg [dreg:$0x1]  }
0x3: {  	s1 =	rddreg [dreg:$0x2];
	s3 =	srdreg.scid  }
0x4: {  	s4 =	simm.s32 $0x0;
	s21 =	stileid.u32;
	s19 =	simm.s32 $0x3  }
0x5: {  	s20 =	simm.s32 $0x14000;
	s28 =	simm.s32 $0x15380;
	s29 =	simm.s32 $0x16700  }
0x6: {  	s30 =	simm.s32 $0x16780;
	s31 =	simm.s32 $0x0;
	s6 =	smul.u32 $0x14000, s21  }
0x7: {  	s17 =	sand.u32 $0x1, s3;
	[smem:$0x7FF] =	sst s4;
	s7 =	smul.u32 $0x50000, s21  }
0x8: {  	s4 =	sadd.s32 $0xBE00, s0;
	s13 =	sadd.s32 $0x1E00, s0;
	s10 =	smul.u32 $0x2800, s21  }
0x9: {  	s26 =	sshll.u32 s21, $0x6;
	s5 =	smul.u32 $0x140000, s17;
	_ =	strace $0x8000004A  }
0xa: {  	s22 =	ssub.s32 $0x2, s17;
	s8 =	sshll.u32 s17, $0x4;
	p0 =	sne.s32 s17, $0x0  }
0xb: {  	s17 =	sor.u32 $0x1C03, s26;
	s26 =	simm.s32 $0x2;
	s23 =	sshrl.u32 s22, $0x1  }
0xc: {  	s8 =	sor.u32 s21, s8;
	s7 =	sshrl.u32 s7, $0x2;
	s10 =	sadd.s32 s4, s10  }
0xd: {  	s21 =	simm.s32 $0x15400;
	s5 =	sadd.s32 s6, s5;
	s11 =	smul.u32 $0x2800, s8  }
0xe: {  	s16 =	ssub.s32 s22, s23;
	s12 =	smul.u32 $0x500, s8;
	s22 =	simm.s32 $0x80  }
0xf: {  	s23 =	simm.s32 $0x16800;
	s5 =	sshrl.u32 s5, $0x3;
	s16 =	smax.u32 s16, $0x1  }
0x10: {  	s0 =	sadd.s32 s5, s0;
	s5 =	sadd.s32 s7, s1;
	s14 =	sshrl.u32 s11, $0x3  }
0x11: {  	s11 =	sadd.s32 s13, s12;
	s12 =	sadd.s32 s2, s12;
	s24 =	sadd.s32 $0x4000, s5  }
0x12: {  	s25 =	sadd.s32 $0x8000, s5;
	s8 =	sadd.s32 $0xC000, s5;
	s9 =	sadd.s32 $0x10000, s5  }
0x13: {  	s14 =	sadd.s32 $0x280, s14;
	s15 =	sadd.s32 $0x33E00, s0;
	[dreg:$0x4] =	wrdreg s24  }
0x14: {  	s18 =	sshrl.u32 s5, $0x3;
	[dreg:$0x5] =	wrdreg s25;
	s13 =	sadd.s32 s13, s14  }
0x15: {  	v0 =	vimm.f32 $0.0e+00;
	s14 =	sadd.s32 s2, s14;
	s24 =	simm.s32 $0x1A800;
	s25 =	simm.s32 $0x1  }
.LBB2_1:
.Ltmp0:
0x16: {  	(pc) =	sbr.rel @p0 .LBB2_3-.Ltmp0, $1  }
0x17: {  	_ =	sdelay $0x3  }
.Ltmp1:
0x18: {  	(pc) =	sbr.rel .LBB2_6-.Ltmp1, $4  }
0x19: {  	[spmem:s18], [sflag:s17] =	dma.local [hbm:s10], $0x2800  }
0x1a: {  	_ =	swait.ge [sflag:s19], $0x2800  }
0x1b: {  	[sflag:s19] =	ssyncset.done $0x0  }
0x1c: {  	[sflag:s19] =	ssyncadd.s32 $0xFFFFD800  }
.LBB2_3:
0x1d: {  	s2 =	simm.s32 $0x0  }
0x1e: {  	s0 =	sshra.s32 s2, $0x2;
	s2 =	sadd.s32 $0x200, s2  }
.LBB2_4:
0x1f: {  	p1 =	sne.s32 s2, $0xFE00;
	[tilespmem:s0+$0x16870] =	vst v0  }
0x20: {  	[tilespmem:s0+$0x16800] =	vst v0  }
0x21: {  	[tilespmem:s0+$0x16810] =	vst v0  }
.Ltmp2:
0x22: {  	[tilespmem:s0+$0x16820] =	vst v0;
	(pc) =	sbr.rel @p1 .LBB2_4-.Ltmp2, $4  }
0x23: {  	[tilespmem:s0+$0x16830] =	vst v0  }
0x24: {  	[tilespmem:s0+$0x16840] =	vst v0  }
0x25: {  	[tilespmem:s0+$0x16850] =	vst v0  }
0x26: {  	[tilespmem:s0+$0x16860] =	vst v0;
	s0 =	sshra.s32 s2, $0x2;
	s2 =	sadd.s32 $0x200, s2  }
0x27: {  	[tilespmem:s0+$0x16870] =	vst v0  }
0x28: {  	[tilespmem:s0+$0x16800] =	vst v0  }
0x29: {  	[tilespmem:s0+$0x16810] =	vst v0  }
0x2a: {  	[tilespmem:s0+$0x16820] =	vst v0  }
0x2b: {  	[tilespmem:s0+$0x16830] =	vst v0  }
0x2c: {  	[tilespmem:s0+$0x16840] =	vst v0  }
0x2d: {  	[tilespmem:s0+$0x16850] =	vst v0  }
0x2e: {  	[tilespmem:s0+$0x16860] =	vst v0  }
0x2f: {  	[spmem:s5] =	stream.linear.scatter [tilespmem:s23], [sflag:$0x3], $0x4000, $0x38;
	[tilespmem:$0x1E800] =	vst v63  }
0x30: {  	_ =	swait.ge [sflag:s19], $0x4000  }
0x31: {  	[sflag:s19] =	ssyncset.done $0x0  }
0x32: {  	s6 =	rddreg [dreg:$0x4];
	[sflag:s19] =	ssyncadd.s32 $0xFFFFC000  }
0x33: {  	[spmem:s6] =	stream.linear.scatter [tilespmem:s23], [sflag:$0x3], $0x4000, $0x38;
	[tilespmem:$0x1E800] =	vst v63  }
0x34: {  	_ =	swait.ge [sflag:s19], $0x4000  }
0x35: {  	[sflag:s19] =	ssyncset.done $0x0  }
0x36: {  	s7 =	rddreg [dreg:$0x5];
	[sflag:s19] =	ssyncadd.s32 $0xFFFFC000  }
0x37: {  	[spmem:s7] =	stream.linear.scatter [tilespmem:s23], [sflag:$0x3], $0x4000, $0x38;
	[tilespmem:$0x1E800] =	vst v63  }
0x38: {  	_ =	swait.ge [sflag:s19], $0x4000  }
0x39: {  	[sflag:s19] =	ssyncset.done $0x0  }
0x3a: {  	[sflag:s19] =	ssyncadd.s32 $0xFFFFC000  }
0x3b: {  	[spmem:s8] =	stream.linear.scatter [tilespmem:s23], [sflag:$0x3], $0x4000, $0x38;
	[tilespmem:$0x1E800] =	vst v63  }
0x3c: {  	_ =	swait.ge [sflag:s19], $0x4000  }
0x3d: {  	[sflag:s19] =	ssyncset.done $0x0  }
0x3e: {  	[sflag:s19] =	ssyncadd.s32 $0xFFFFC000  }
0x3f: {  	[spmem:s9] =	stream.linear.scatter [tilespmem:s23], [sflag:$0x3], $0x4000, $0x38;
	[tilespmem:$0x1E800] =	vst v63  }
0x40: {  	_ =	swait.ge [sflag:s19], $0x4000  }
0x41: {  	[sflag:s19] =	ssyncset.done $0x0  }
0x42: {  	[sflag:s19] =	ssyncadd.s32 $0xFFFFC000  }
.LBB2_6:
0x43: {  	[bflag:$0x0] =	sbarrier.arrive $0xFFFF;
	s0 =	simm.s32 $0x0  }
0x44: {  	[tilespmem:s20], [sflag:$0x3] =	stream.linear.gather [hbm4b:s11+s0], $0x1400, $0x38;
	[tilespmem:$0x1E800] =	vst v63  }
0x45: {  	_ =	swait.ge [sflag:s19], $0x1400  }
0x46: {  	[sflag:s19] =	ssyncset.done $0x0  }
0x47: {  	[sflag:s19] =	ssyncadd.s32 $0xFFFFEC00  }
0x48: {  	[tilespmem:s21], [sflag:$0x3] =	stream.linear.gather [hbm4b:s12+s0], $0x1400, $0x38;
	[tilespmem:$0x1E800] =	vst v63  }
0x49: {  	_ =	swait.ge [sflag:s19], $0x1400  }
0x4a: {  	[sflag:s19] =	ssyncset.done $0x0  }
0x4b: {  	[sflag:s19] =	ssyncadd.s32 $0xFFFFEC00  }
0x4c: {  	[tilespmem:s23], [sflag:$0x1] =	stream.indirect.gather [hbm4b:s4+s22], $0x80, s20, s22, $0xb8;
	[tilespmem:$0x1E800] =	vst v63  }
0x4d: {  	s2 =	simm.s32 $0x14080  }
0x4e: {  	[tilespmem:s24], [sflag:$0x2] =	stream.indirect.gather [hbm4b:s4+s22], $0x80, s2, s22, $0xb8;
	[tilespmem:$0x1E800] =	vst v63  }
0x4f: {  	_ =	swait.ge [sflag:s25], $0x4000  }
0x50: {  	[sflag:s25] =	ssyncset.done $0x0  }
0x51: {  	s3 =	simm.s32 $0x15400;
	[sflag:s25] =	ssyncadd.s32 $0xFFFFC000  }
0x52: {  	[spmem:s1] =	stream.indirect.scatter.add.f32 [tilespmem:s23], [sflag:$0x3], $0x80, s3, s22, $0xb8;
	[tilespmem:$0x1E800] =	vst v63  }
0x53: {  	_ =	swait.ge [sflag:s19], $0x4000  }
0x54: {  	[sflag:s19] =	ssyncset.done $0x0  }
0x55: {  	s6 =	simm.s32 $0x14100;
	[sflag:s19] =	ssyncadd.s32 $0xFFFFC000  }
0x56: {  	[tilespmem:s23], [sflag:$0x1] =	stream.indirect.gather [hbm4b:s4+s22], $0x80, s6, s22, $0xb8;
	[tilespmem:$0x1E800] =	vst v63  }
0x57: {  	_ =	swait.ge [sflag:s26], $0x4000  }
0x58: {  	[sflag:s26] =	ssyncset.done $0x0  }
0x59: {  	s7 =	simm.s32 $0x15480;
	[sflag:s26] =	ssyncadd.s32 $0xFFFFC000  }
0x5a: {  	[spmem:s1] =	stream.indirect.scatter.add.f32 [tilespmem:s24], [sflag:$0x3], $0x80, s7, s22, $0xb8;
	[tilespmem:$0x1E800] =	vst v63  }
0x5b: {  	_ =	swait.ge [sflag:s19], $0x4000  }
0x5c: {  	s0 =	simm.s32 $0x100;
	s2 =	simm.s32 $0x800;
	[sflag:s19] =	ssyncset.done $0x0  }
.LBB2_7:
0x5d: {  	s3 =	sadd.s32 $0x14080, s0  }
0x5e: {  	[sflag:s19] =	ssyncadd.s32 $0xFFFFC000;
	s6 =	smov.u32 s2;
	s7 =	sadd.s32 $0x400, s2  }
0x5f: {  	[tilespmem:s24], [sflag:$0x2] =	stream.indirect.gather [hbm4b:s4+s22], $0x80, s3, s22, $0xb8;
	[tilespmem:$0x1E800] =	vst v63  }
0x60: {  	p1 =	sne.s32 s2, $0x4800;
	_ =	swait.ge [sflag:s25], $0x4000  }
0x61: {  	[sflag:s25] =	ssyncset.done $0x0  }
0x62: {  	s2 =	sadd.s32 $0x15400, s0;
	[sflag:s25] =	ssyncadd.s32 $0xFFFFC000  }
0x63: {  	[spmem:s1] =	stream.indirect.scatter.add.f32 [tilespmem:s23], [sflag:$0x3], $0x80, s2, s22, $0xb8;
	[tilespmem:$0x1E800] =	vst v63  }
0x64: {  	_ =	swait.ge [sflag:s19], $0x4000  }
0x65: {  	[sflag:s19] =	ssyncset.done $0x0  }
0x66: {  	s2 =	sadd.s32 $0x14100, s0;
	[sflag:s19] =	ssyncadd.s32 $0xFFFFC000  }
0x67: {  	[tilespmem:s23], [sflag:$0x1] =	stream.indirect.gather [hbm4b:s4+s22], $0x80, s2, s22, $0xb8;
	[tilespmem:$0x1E800] =	vst v63  }
0x68: {  	_ =	swait.ge [sflag:s26], $0x4000  }
.Ltmp3:
0x69: {  	[sflag:s26] =	ssyncset.done $0x0;
	(pc) =	sbr.rel @p1 .LBB2_7-.Ltmp3, $4  }
0x6a: {  	s0 =	sadd.s32 $0x15480, s0;
	[sflag:s26] =	ssyncadd.s32 $0xFFFFC000  }
0x6b: {  	[spmem:s1] =	stream.indirect.scatter.add.f32 [tilespmem:s24], [sflag:$0x3], $0x80, s0, s22, $0xb8;
	[tilespmem:$0x1E800] =	vst v63  }
0x6c: {  	_ =	swait.ge [sflag:s19], $0x4000  }
0x6d: {  	s2 =	smov.u32 s7;
	s0 =	sshra.s32 s6, $0x2;
	[sflag:s19] =	ssyncset.done $0x0  }
0x6e: {  	s2 =	sadd.s32 $0x14080, s0;
	[sflag:s19] =	ssyncadd.s32 $0xFFFFC000  }
0x6f: {  	[tilespmem:s24], [sflag:$0x2] =	stream.indirect.gather [hbm4b:s4+s22], $0x80, s2, s22, $0xb8;
	[tilespmem:$0x1E800] =	vst v63  }
0x70: {  	_ =	swait.ge [sflag:s25], $0x4000  }
0x71: {  	[sflag:s25] =	ssyncset.done $0x0  }
0x72: {  	s7 =	sadd.s32 $0x15400, s0;
	[sflag:s25] =	ssyncadd.s32 $0xFFFFC000  }
0x73: {  	[spmem:s1] =	stream.indirect.scatter.add.f32 [tilespmem:s23], [sflag:$0x3], $0x80, s7, s22, $0xb8;
	[tilespmem:$0x1E800] =	vst v63  }
0x74: {  	_ =	swait.ge [sflag:s19], $0x4000  }
0x75: {  	[sflag:s19] =	ssyncset.done $0x0  }
0x76: {  	s3 =	sadd.s32 $0x14100, s0;
	[sflag:s19] =	ssyncadd.s32 $0xFFFFC000  }
0x77: {  	[tilespmem:s23], [sflag:$0x1] =	stream.indirect.gather [hbm4b:s4+s22], $0x80, s3, s22, $0xb8;
	[tilespmem:$0x1E800] =	vst v63  }
0x78: {  	_ =	swait.ge [sflag:s26], $0x4000  }
0x79: {  	[sflag:s26] =	ssyncset.done $0x0  }
0x7a: {  	s6 =	sadd.s32 $0x15480, s0;
	[sflag:s26] =	ssyncadd.s32 $0xFFFFC000  }
0x7b: {  	[spmem:s1] =	stream.indirect.scatter.add.f32 [tilespmem:s24], [sflag:$0x3], $0x80, s6, s22, $0xb8;
	[tilespmem:$0x1E800] =	vst v63  }
0x7c: {  	_ =	swait.ge [sflag:s19], $0x4000  }
0x7d: {  	[sflag:s19] =	ssyncset.done $0x0  }
0x7e: {  	[sflag:s19] =	ssyncadd.s32 $0xFFFFC000  }
0x7f: {  	[tilespmem:s24], [sflag:$0x2] =	stream.indirect.gather [hbm4b:s4+s22], $0x80, s28, s22, $0xb8;
	[tilespmem:$0x1E800] =	vst v63  }
0x80: {  	_ =	swait.ge [sflag:s25], $0x4000  }
0x81: {  	[sflag:s25] =	ssyncset.done $0x0  }
0x82: {  	[sflag:s25] =	ssyncadd.s32 $0xFFFFC000  }
0x83: {  	[spmem:s1] =	stream.indirect.scatter.add.f32 [tilespmem:s23], [sflag:$0x3], $0x80, s29, s22, $0xb8;
	[tilespmem:$0x1E800] =	vst v63  }
0x84: {  	_ =	swait.ge [sflag:s19], $0x4000  }
0x85: {  	[sflag:s19] =	ssyncset.done $0x0  }
0x86: {  	[sflag:s19] =	ssyncadd.s32 $0xFFFFC000  }
0x87: {  	_ =	swait.ge [sflag:s26], $0x4000  }
0x88: {  	[sflag:s26] =	ssyncset.done $0x0  }
0x89: {  	[sflag:s26] =	ssyncadd.s32 $0xFFFFC000  }
0x8a: {  	[spmem:s1] =	stream.indirect.scatter.add.f32 [tilespmem:s24], [sflag:$0x3], $0x80, s30, s22, $0xb8;
	[tilespmem:$0x1E800] =	vst v63  }
0x8b: {  	_ =	swait.ge [sflag:s19], $0x4000  }
0x8c: {  	[sflag:s19] =	ssyncset.done $0x0  }
0x8d: {  	s7 =	simm.s32 $0x0;
	[sflag:s19] =	ssyncadd.s32 $0xFFFFC000  }
0x8e: {  	[tilespmem:s20], [sflag:$0x3] =	stream.linear.gather [hbm4b:s13+s7], $0x1400, $0x38;
	[tilespmem:$0x1E800] =	vst v63  }
0x8f: {  	_ =	swait.ge [sflag:s19], $0x1400  }
0x90: {  	[sflag:s19] =	ssyncset.done $0x0  }
0x91: {  	[sflag:s19] =	ssyncadd.s32 $0xFFFFEC00  }
0x92: {  	[tilespmem:s21], [sflag:$0x3] =	stream.linear.gather [hbm4b:s14+s7], $0x1400, $0x38;
	[tilespmem:$0x1E800] =	vst v63  }
0x93: {  	_ =	swait.ge [sflag:s19], $0x1400  }
0x94: {  	[sflag:s19] =	ssyncset.done $0x0  }
0x95: {  	[sflag:s19] =	ssyncadd.s32 $0xFFFFEC00  }
0x96: {  	[tilespmem:s23], [sflag:$0x1] =	stream.indirect.gather [hbm4b:s4+s22], $0x80, s20, s22, $0xb8;
	[tilespmem:$0x1E800] =	vst v63  }
0x97: {  	s2 =	simm.s32 $0x14080  }
0x98: {  	[tilespmem:s24], [sflag:$0x2] =	stream.indirect.gather [hbm4b:s4+s22], $0x80, s2, s22, $0xb8;
	[tilespmem:$0x1E800] =	vst v63  }
0x99: {  	_ =	swait.ge [sflag:s25], $0x4000  }
0x9a: {  	[sflag:s25] =	ssyncset.done $0x0  }
0x9b: {  	s3 =	simm.s32 $0x15400;
	[sflag:s25] =	ssyncadd.s32 $0xFFFFC000  }
0x9c: {  	[spmem:s1] =	stream.indirect.scatter.add.f32 [tilespmem:s23], [sflag:$0x3], $0x80, s3, s22, $0xb8;
	[tilespmem:$0x1E800] =	vst v63  }
0x9d: {  	_ =	swait.ge [sflag:s19], $0x4000  }
0x9e: {  	[sflag:s19] =	ssyncset.done $0x0  }
0x9f: {  	s6 =	simm.s32 $0x14100;
	[sflag:s19] =	ssyncadd.s32 $0xFFFFC000  }
0xa0: {  	[tilespmem:s23], [sflag:$0x1] =	stream.indirect.gather [hbm4b:s4+s22], $0x80, s6, s22, $0xb8;
	[tilespmem:$0x1E800] =	vst v63  }
0xa1: {  	_ =	swait.ge [sflag:s26], $0x4000  }
0xa2: {  	[sflag:s26] =	ssyncset.done $0x0  }
0xa3: {  	s7 =	simm.s32 $0x15480;
	[sflag:s26] =	ssyncadd.s32 $0xFFFFC000  }
0xa4: {  	[spmem:s1] =	stream.indirect.scatter.add.f32 [tilespmem:s24], [sflag:$0x3], $0x80, s7, s22, $0xb8;
	[tilespmem:$0x1E800] =	vst v63  }
0xa5: {  	_ =	swait.ge [sflag:s19], $0x4000  }
0xa6: {  	s0 =	simm.s32 $0x100;
	s2 =	simm.s32 $0x800;
	[sflag:s19] =	ssyncset.done $0x0  }
.LBB2_9:
0xa7: {  	s3 =	sadd.s32 $0x14080, s0  }
0xa8: {  	[sflag:s19] =	ssyncadd.s32 $0xFFFFC000;
	s6 =	smov.u32 s2;
	s7 =	sadd.s32 $0x400, s2  }
0xa9: {  	[tilespmem:s24], [sflag:$0x2] =	stream.indirect.gather [hbm4b:s4+s22], $0x80, s3, s22, $0xb8;
	[tilespmem:$0x1E800] =	vst v63  }
0xaa: {  	p1 =	sne.s32 s2, $0x4800;
	_ =	swait.ge [sflag:s25], $0x4000  }
0xab: {  	[sflag:s25] =	ssyncset.done $0x0  }
0xac: {  	s2 =	sadd.s32 $0x15400, s0;
	[sflag:s25] =	ssyncadd.s32 $0xFFFFC000  }
0xad: {  	[spmem:s1] =	stream.indirect.scatter.add.f32 [tilespmem:s23], [sflag:$0x3], $0x80, s2, s22, $0xb8;
	[tilespmem:$0x1E800] =	vst v63  }
0xae: {  	_ =	swait.ge [sflag:s19], $0x4000  }
0xaf: {  	[sflag:s19] =	ssyncset.done $0x0  }
0xb0: {  	s2 =	sadd.s32 $0x14100, s0;
	[sflag:s19] =	ssyncadd.s32 $0xFFFFC000  }
0xb1: {  	[tilespmem:s23], [sflag:$0x1] =	stream.indirect.gather [hbm4b:s4+s22], $0x80, s2, s22, $0xb8;
	[tilespmem:$0x1E800] =	vst v63  }
0xb2: {  	_ =	swait.ge [sflag:s26], $0x4000  }
.Ltmp4:
0xb3: {  	[sflag:s26] =	ssyncset.done $0x0;
	(pc) =	sbr.rel @p1 .LBB2_9-.Ltmp4, $4  }
0xb4: {  	s0 =	sadd.s32 $0x15480, s0;
	[sflag:s26] =	ssyncadd.s32 $0xFFFFC000  }
0xb5: {  	[spmem:s1] =	stream.indirect.scatter.add.f32 [tilespmem:s24], [sflag:$0x3], $0x80, s0, s22, $0xb8;
	[tilespmem:$0x1E800] =	vst v63  }
0xb6: {  	_ =	swait.ge [sflag:s19], $0x4000  }
0xb7: {  	s2 =	smov.u32 s7;
	s0 =	sshra.s32 s6, $0x2;
	[sflag:s19] =	ssyncset.done $0x0  }
0xb8: {  	s2 =	sadd.s32 $0x14080, s0;
	[sflag:s19] =	ssyncadd.s32 $0xFFFFC000  }
0xb9: {  	[tilespmem:s24], [sflag:$0x2] =	stream.indirect.gather [hbm4b:s4+s22], $0x80, s2, s22, $0xb8;
	[tilespmem:$0x1E800] =	vst v63  }
0xba: {  	_ =	swait.ge [sflag:s25], $0x4000  }
0xbb: {  	[sflag:s25] =	ssyncset.done $0x0  }
0xbc: {  	s3 =	sadd.s32 $0x15400, s0;
	[sflag:s25] =	ssyncadd.s32 $0xFFFFC000  }
0xbd: {  	[spmem:s1] =	stream.indirect.scatter.add.f32 [tilespmem:s23], [sflag:$0x3], $0x80, s3, s22, $0xb8;
	[tilespmem:$0x1E800] =	vst v63  }
0xbe: {  	_ =	swait.ge [sflag:s19], $0x4000  }
0xbf: {  	[sflag:s19] =	ssyncset.done $0x0  }
0xc0: {  	s6 =	sadd.s32 $0x14100, s0;
	[sflag:s19] =	ssyncadd.s32 $0xFFFFC000  }
0xc1: {  	[tilespmem:s23], [sflag:$0x1] =	stream.indirect.gather [hbm4b:s4+s22], $0x80, s6, s22, $0xb8;
	[tilespmem:$0x1E800] =	vst v63  }
0xc2: {  	_ =	swait.ge [sflag:s26], $0x4000  }
0xc3: {  	[sflag:s26] =	ssyncset.done $0x0  }
0xc4: {  	s7 =	sadd.s32 $0x15480, s0;
	[sflag:s26] =	ssyncadd.s32 $0xFFFFC000  }
0xc5: {  	[spmem:s1] =	stream.indirect.scatter.add.f32 [tilespmem:s24], [sflag:$0x3], $0x80, s7, s22, $0xb8;
	[tilespmem:$0x1E800] =	vst v63  }
0xc6: {  	_ =	swait.ge [sflag:s19], $0x4000  }
0xc7: {  	[sflag:s19] =	ssyncset.done $0x0  }
0xc8: {  	[sflag:s19] =	ssyncadd.s32 $0xFFFFC000  }
0xc9: {  	[tilespmem:s24], [sflag:$0x2] =	stream.indirect.gather [hbm4b:s4+s22], $0x80, s28, s22, $0xb8;
	[tilespmem:$0x1E800] =	vst v63  }
0xca: {  	_ =	swait.ge [sflag:s25], $0x4000  }
0xcb: {  	[sflag:s25] =	ssyncset.done $0x0  }
0xcc: {  	[sflag:s25] =	ssyncadd.s32 $0xFFFFC000  }
0xcd: {  	[spmem:s1] =	stream.indirect.scatter.add.f32 [tilespmem:s23], [sflag:$0x3], $0x80, s29, s22, $0xb8;
	[tilespmem:$0x1E800] =	vst v63  }
0xce: {  	_ =	swait.ge [sflag:s19], $0x4000  }
0xcf: {  	[sflag:s19] =	ssyncset.done $0x0  }
0xd0: {  	[sflag:s19] =	ssyncadd.s32 $0xFFFFC000  }
0xd1: {  	_ =	swait.ge [sflag:s26], $0x4000  }
0xd2: {  	[sflag:s26] =	ssyncset.done $0x0  }
0xd3: {  	[sflag:s26] =	ssyncadd.s32 $0xFFFFC000  }
0xd4: {  	[spmem:s1] =	stream.indirect.scatter.add.f32 [tilespmem:s24], [sflag:$0x3], $0x80, s30, s22, $0xb8;
	[tilespmem:$0x1E800] =	vst v63  }
0xd5: {  	_ =	swait.ge [sflag:s19], $0x4000  }
0xd6: {  	s31 =	sadd.s32 $0x1, s31;
	[sflag:s19] =	ssyncset.done $0x0  }
0xd7: {  	p1 =	sne.s32 s31, s16;
	[sflag:s19] =	ssyncadd.s32 $0xFFFFC000  }
.Ltmp5:
0xd8: {  	[bflag:$0x0] =	sbarrier.arrive $0xFFFF;
	(pc) =	sbr.rel @p1 .LBB2_1-.Ltmp5, $4  }
0xd9: {  	[hbm:s15], [sflag:s17] =	dma.local [spmem:s18], $0x2800  }
0xda: {  	_ =	swait.ge [sflag:s19], $0x2800  }
0xdb: {  	[sflag:s19] =	ssyncset.done $0x0  }
0xdc: {  	[sflag:s19] =	ssyncadd.s32 $0xFFFFD800  }
0xdd: {  	_ =	sfence.sel $0x180000  }
0xde: {  	[bflag:$0x0] =	sbarrier.arrive $0xFFFF  }
0xdf: {  	_ =	strace $0x9000004A  }
0xe0: {  	s0 =	stileid.u32;
	[bflag:$0x2] =	sbarrier.arrive $0xFFFF  }
0xe1: {  	p0 =	sne.s32 s0, $0x0;
	s0 =	rddreg [dreg:$0x3]  }
0xe2: {  	s0 =	sadd.s32 @!p0 $0x100000, s0  }
0xe3: {  	[sflag:s0] =	ssyncadd.tile.s32 @!p0 $0x1;
	_ =	shalt  }
.Lfunc_end2:
_tile_overlayer_lowered:
.L_overlay_start_2:
0xe4: {  	(tag) =	ssettag $0x2  }
0xe5: {  	s0 =	rddreg [dreg:$0x0];
	s2 =	stileid.u32  }
0xe6: {  	s1 =	rddreg [dreg:$0x1];
	p0 =	sne.s32 s2, $0x0  }
0xe7: {  	s3 =	rddreg [dreg:$0x2];
	[bflag:$0x3] =	sbarrier.arrive $0xFFFF;
	s2 =	simm.s32 @!p0 $0x1C03  }
0xe8: {  	[timem:s3], [sflag:s2] =	dma.local @!p0 [hbm:s0], s1  }
0xe9: {  	s0 =	simm.s32 @!p0 $0x3  }
0xea: {  	_ =	swait.ge @!p0 [sflag:s0], s1  }
0xeb: {  	s1 =	ssub.s32 @!p0 $0x0, s1;
	[sflag:s0] =	ssyncset.done @!p0 $0x0  }
0xec: {  	[sflag:s0] =	ssyncadd.s32 @!p0 s1  }
0xed: {  	[bflag:$0x3] =	sbarrier.arrive $0xFFFF  }
0xee: {  	_ =	shalt  }

// kernel: kernel.15.cloned.1.call-start
scs
__scs_entry_jumppad:
0x0: {  	(pc) =	sbr.rel $0x88, $3  }
0x1: {  	(tag) =	ssettag $0x0;
	lr =	simm.s32 $0x1  }
0x2: {  	[smem:$0x3F9B] =	sst lr;
	_ =	strace $0xD0000000  }
0x3: {  	_ = 	snop  }
0x4: {  	_ = 	snop  }
0x5: {  	_ = 	snop  }
0x6: {  	_ = 	snop  }
0x7: {  	_ = 	snop  }
__scs_overlays_trampoline_lowered:
0x8: {  	[smem:$0x3FAA] =	sst s0  }
0x9: {  	[smem:$0x3FAB] =	sst s1  }
0xa: {  	[smem:$0x3FAC] =	sst s2  }
0xb: {  	[smem:$0x3FAD] =	sst s3  }
0xc: {  	[smem:$0x3FAE] =	sst s4  }
0xd: {  	[smem:$0x3FAF] =	sst s5  }
0xe: {  	[smem:$0x3FB0] =	sst s6  }
0xf: {  	[smem:$0x3FB1] =	sst s7  }
0x10: {  	[smem:$0x3FB2] =	sst s8  }
0x11: {  	[smem:$0x3FB3] =	sst s9;
	s0 =	simm.s32 @!p0 $0x0  }
0x12: {  	s1 =	sld [smem:$0x3F99];
	s0 =	simm.s32 @p0 $0x1  }
0x13: {  	[smem:$0x3FB4] =	sst s0;
	s0 =	simm.s32 @!p1 $0x0  }
0x14: {  	s2 =	sld [smem:$0x3F98];
	s0 =	simm.s32 @p1 $0x1  }
0x15: {  	[smem:$0x3FB5] =	sst s0;
	s0 =	simm.s32 @!p2 $0x0  }
0x16: {  	s3 =	sld [smem:$0x3FDB];
	s0 =	simm.s32 @p2 $0x1  }
0x17: {  	s4 =	simm.s32 $0x1BF5;
	[smem:$0x3FB7] =	sst s0  }
0x18: {  	s0 =	sld [smem:$0x3F9A];
	_ =	swait.ge [sflag:s4], $0x0  }
0x19: {  	s7 =	sld [smem:$0x3F9B]  }
0x1a: {  	s8 =	sadd.s32 $0xFFFFE003, lr  }
0x1b: {  	s9 =	sadd.s32 $0xFFFFFEF7, lr;
	s5 =	simm.s32 $0xFFFFFFFF;
	p2 =	slt.u32 s8, $0xFFFFF086  }
0x1c: {  	p1 =	slt.u32 s9, $0xF7A;
	s5 =	simm.s32 @!p2 $0x0  }
0x1d: {  	s5 =	simm.s32 @p1 $0x1;
	p0 =	seq.s32 s7, s2  }
0x1e: {  	s7 =	smul.u32 @!p0 $0xF7A, s2;
	p2 =	seq.s32 @!p0 s5, $0x0  }
0x1f: {  	s9 =	smul.u32 $0xF7A, s1;
	s8 =	simm.s32 @!p0 $0x1BF5;
	p2 =	por !p2, p0  }
0x20: {  	[sflag:s8] =	ssyncset.s32 @!p0 $0xFFFFF086;
	s6 =	sadd.s32 @!p0 s3, s7;
	s7 =	simm.s32 @!p0 $0x108  }
0x21: {  	s3 =	sadd.s32 s3, s9;
	s6 =	sadd.s32 @!p0 $0x88, s6;
	s7 =	simm.s32 @p2 $0x1082  }
0x22: {  	[simem:s7], [sflag:s8] =	dma.local @!p0 [hbm:s6], $0xF7A  }
0x23: {  	s9 =	sor.u32 $0xD0000000, s2;
	s6 =	simm.s32 $0x108;
	_ =	swait.ge @!p0 [sflag:s8], $0x0  }
0x24: {  	s3 =	sadd.s32 $0x88, s3;
	s6 =	simm.s32 @!p1 $0x1082;
	[sflag:s4] =	ssyncset.s32 $0xFFFFF086  }
0x25: {  	[simem:s6], [sflag:s4] =	dma.local [hbm:s3], $0xF7A  }
0x26: {  	[smem:$0x3F9B] =	sst s1;
	(tag) =	ssettag s2;
	_ =	strace s9  }
0x27: {  	s1 =	sld [smem:$0x3FAB]  }
0x28: {  	s2 =	sld [smem:$0x3FAC]  }
0x29: {  	s4 =	sld [smem:$0x3FAE]  }
0x2a: {  	p0 =	seq.s32 s5, $0x0;
	s5 =	sld [smem:$0x3FAF]  }
0x2b: {  	s6 =	sld [smem:$0x3FB0]  }
0x2c: {  	s7 =	sld [smem:$0x3FB1]  }
0x2d: {  	s3 =	simm.s32 $0x108;
	s8 =	sld [smem:$0x3FB2]  }
0x2e: {  	s3 =	simm.s32 @!p0 $0x1082;
	s9 =	sld [smem:$0x3FB3]  }
0x2f: {  	lr =	sadd.s32 s0, s3;
	s0 =	sld [smem:$0x3FAA]  }
0x30: {  	s3 =	sld [smem:$0x3FAD]  }
0x31: {  	[smem:$0x3FB6] =	sst s10  }
0x32: {  	s10 =	sld [smem:$0x3FB4];
	_ =	sdelay $0x3  }
0x33: {  	p0 =	seq.s32 s10, $0x1;
	s10 =	sld [smem:$0x3FB6];
	_ =	sdelay $0x3  }
0x34: {  	[smem:$0x3FB6] =	sst s10  }
0x35: {  	s10 =	sld [smem:$0x3FB5];
	_ =	sdelay $0x3  }
0x36: {  	p1 =	seq.s32 s10, $0x1;
	s10 =	sld [smem:$0x3FB6];
	_ =	sdelay $0x3  }
0x37: {  	[smem:$0x3FB6] =	sst s10  }
0x38: {  	s10 =	sld [smem:$0x3FB7]  }
0x39: {  	_ = 	snop;
	(pc) =	sbr.ind lr, $3  }
0x3a: {  	_ = 	snop  }
0x3b: {  	_ = 	snop  }
0x3c: {  	p2 =	seq.s32 s10, $0x1;
	s10 =	sld [smem:$0x3FB6]  }
0x3d: {  	_ =	shalt  }
0x3e: {  	_ =	shalt  }
0x3f: {  	_ =	shalt  }
0x40: {  	_ =	shalt  }
0x41: {  	_ =	shalt  }
0x42: {  	_ =	shalt  }
0x43: {  	_ =	shalt  }
0x44: {  	_ =	shalt  }
0x45: {  	_ =	shalt  }
0x46: {  	_ =	shalt  }
0x47: {  	_ =	shalt  }
0x48: {  	_ =	shalt  }
0x49: {  	_ =	shalt  }
0x4a: {  	_ =	shalt  }
0x4b: {  	_ =	shalt  }
0x4c: {  	_ =	shalt  }
0x4d: {  	_ =	shalt  }
0x4e: {  	_ =	shalt  }
0x4f: {  	_ =	shalt  }
0x50: {  	_ =	shalt  }
0x51: {  	_ =	shalt  }
0x52: {  	_ =	shalt  }
0x53: {  	_ =	shalt  }
0x54: {  	_ =	shalt  }
0x55: {  	_ =	shalt  }
0x56: {  	_ =	shalt  }
0x57: {  	_ =	shalt  }
0x58: {  	_ =	shalt  }
0x59: {  	_ =	shalt  }
0x5a: {  	_ =	shalt  }
0x5b: {  	_ =	shalt  }
0x5c: {  	_ =	shalt  }
0x5d: {  	_ =	shalt  }
0x5e: {  	_ =	shalt  }
0x5f: {  	_ =	shalt  }
0x60: {  	_ =	shalt  }
0x61: {  	_ =	shalt  }
0x62: {  	_ =	shalt  }
0x63: {  	_ =	shalt  }
0x64: {  	_ =	shalt  }
0x65: {  	_ =	shalt  }
0x66: {  	_ =	shalt  }
0x67: {  	_ =	shalt  }
0x68: {  	_ =	shalt  }
0x69: {  	_ =	shalt  }
0x6a: {  	_ =	shalt  }
0x6b: {  	_ =	shalt  }
0x6c: {  	_ =	shalt  }
0x6d: {  	_ =	shalt  }
0x6e: {  	_ =	shalt  }
0x6f: {  	_ =	shalt  }
0x70: {  	_ =	shalt  }
0x71: {  	_ =	shalt  }
0x72: {  	_ =	shalt  }
0x73: {  	_ =	shalt  }
0x74: {  	_ =	shalt  }
0x75: {  	_ =	shalt  }
0x76: {  	_ =	shalt  }
0x77: {  	_ =	shalt  }
0x78: {  	_ =	shalt  }
0x79: {  	_ =	shalt  }
0x7a: {  	_ =	shalt  }
0x7b: {  	_ =	shalt  }
0x7c: {  	_ =	shalt  }
0x7d: {  	_ =	shalt  }
0x7e: {  	_ =	shalt  }
0x7f: {  	_ =	shalt  }
0x80: {  	_ =	shalt  }
0x81: {  	_ =	shalt  }
0x82: {  	_ =	shalt  }
0x83: {  	_ =	shalt  }
0x84: {  	_ =	shalt  }
0x85: {  	_ =	shalt  }
0x86: {  	_ =	shalt  }
0x87: {  	_ =	shalt  }
.Lfunc_end0:
.L_simem_size_0:
called_computation.2_lowered:
.L_overlay_start_0:
0x88: {  	s2 =	sld [smem:$0x3FD9]  }
0x89: {  	s3 =	sld [smem:$0x3FFE];
	_ =	sdelay $0x1  }
0x8a: {  	s1 =	srdreg.scid  }
0x8b: {  	s0 =	sand.u32 $0x1, s1  }
0x8c: {  	s17 =	sshll.u32 s0, $0xA;
	s2 =	sadd.s32 s3, s2  }
0x8d: {  	s2 =	sadd.s32 s2, s17  }
0x8e: {  	[smem:$0x3FC2] =	sst s2  }
0x8f: {  	_ = 	snop  }
0x90: {  	s2 =	sld [smem:$0x3FD0];
	(tm) =	ssettm $0x1  }
0x91: {  	s18 =	sld [smem:$0x3FFB];
	_ =	sdelay $0x3  }
0x92: {  	_ =	strace s18  }
0x93: {  	s3 =	sld [smem:$0x3FFC];
	_ =	sdelay $0x3  }
0x94: {  	_ =	strace s3  }
0x95: {  	s3 =	sld [smem:$0x3FFD];
	_ =	sdelay $0x3  }
0x96: {  	_ =	strace s3  }
0x97: {  	_ =	strace $0x8FFFFFFF  }
0x98: {  	s19 =	sld [smem:$0x3FDB];
	_ =	sdelay $0x1  }
0x99: {  	s4 =	simm.s32 $_scs_section_size  }
0x9a: {  	s5 =	simm.s32 $_size__tile_overlayer_lowered;
	s6 =	simm.s32 $_tile_overlayer_lowered  }
0x9b: {  	s22 =	simm.s32 $0x1BFF;
	s21 =	sshll.u32 s6, $0x1;
	s3 =	sadd.s32 s4, s19  }
0x9c: {  	s7 =	simm.s32 $0x0;
	s20 =	sshll.u32 s5, $0x1;
	s5 =	sadd.s32 s21, s3  }
0x9d: {  	[timem:s7], [sflag:s22] =	dma.local [hbm:s5], s20  }
0x9e: {  	_ =	swait.ge [sflag:s22], s20  }
0x9f: {  	s4 =	ssub.s32 $0x0, s20;
	[sflag:s22] =	ssyncset.done $0x0  }
0xa0: {  	[sflag:s22] =	ssyncadd.s32 s4;
	_ =	sdelay $0x1  }
0xa1: {  	s23 =	simm.s32 $0x1B8B  }
0xa2: {  	_ =	swait.ge [sflag:s23], $0x1  }
0xa3: {  	[sflag:s23] =	ssyncset.done $0x0  }
0xa4: {  	s25 =	simm.s32 $0x1B8E;
	s24 =	sld [smem:$0x3FFE];
	[sflag:s23] =	ssyncadd.s32 $0xFFFFFFFF  }
0xa5: {  	s26 =	simm.s32 $execute0_lowered;
	[smem:$0x3FD2] =	sst s25  }
0xa6: {  	s5 =	sshll.u32 s26, $0x1;
	_ =	strace $0x8000004C;
	[dreg:$0x1] =	wrdreg $0xFFFFFFFF  }
0xa7: {  	s28 =	simm.s32 $_size_execute0_lowered;
	s3 =	sadd.s32 s3, s5;
	[dreg:$0x0] =	wrdreg $0x0  }
0xa8: {  	s5 =	sshll.u32 s28, $0x1;
	[dreg:$0x2] =	wrdreg s3  }
0xa9: {  	[dreg:$0x3] =	wrdreg s5  }
0xaa: {  	[dreg:$0x4] =	wrdreg $0xC0  }
0xab: {  	_ =	task [dreg:s7], $0x5FFFF  }
0xac: {  	[dreg:$0x1] =	wrdreg $0xFFFFFFFF  }
0xad: {  	[dreg:$0x0] =	wrdreg $0x60  }
0xae: {  	[dreg:$0x2] =	wrdreg s24  }
0xaf: {  	[dreg:$0x3] =	wrdreg s2  }
0xb0: {  	[dreg:$0x4] =	wrdreg $0x0  }
0xb1: {  	[dreg:$0x5] =	wrdreg $0x9  }
0xb2: {  	_ =	task.clear_ibuf [dreg:s7], $0x6FFFF;
	_ =	strace $0x9000004C  }
0xb3: {  	s29 =	simm.s32 $0x9;
	_ =	strace $0x8000004E  }
0xb4: {  	_ =	swait.ge [sflag:s29], $0x1  }
0xb5: {  	[sflag:s29] =	ssyncadd.s32 $0xFFFFFFFF  }
0xb6: {  	_ =	strace $0x9000004E  }
0xb7: {  	_ =	sfence  }
0xb8: {  	s30 =	sld [smem:$0x0];
	_ =	sdelay $0x2  }
0xb9: {  	s31 =	sshll.u32 s1, $0xD;
	s1 =	sshrl.u32 s1, $0x2  }
0xba: {  	s3 =	sand.u32 $0x4000, s31;
	s1 =	sadd.s32 s1, s30  }
0xbb: {  	s0 =	sor.u32 s3, s0;
	s1 =	sshll.u32 s1, $0x11  }
0xbc: {  	s0 =	sor.u32 s1, s0  }
0xbd: {  	s0 =	sadd.s32 $0x8F2B, s0  }
0xbe: {  	[sflag:s0] =	ssyncadd.remote.s32 $0x1  }
0xbf: {  	_ =	sfence.sel $0xFFFF  }
0xc0: {  	[dreg:$0x0] =	wrdreg $0xFFFFFFFF;
	(pc) =	sbr.abs _section_cstart, $3  }
0xc1: {  	[dreg:$0x1] =	wrdreg $0xFFFFFFFF  }
0xc2: {  	_ =	task.clear_ibuf [dreg:s7], $0x2FFFF;
	_ =	strace $0x9FFFFFFF  }
0xc3: {  	(tm) =	ssettm $0x7FFFFFFF  }
tec
execute0_lowered:
.L_overlay_start_1:
0x0: {  	(tag) =	ssettag $0x1  }
0x1: {  	s0 =	rddreg [dreg:$0x0]  }
0x2: {  	s2 =	rddreg [dreg:$0x1]  }
0x3: {  	s1 =	rddreg [dreg:$0x2];
	s3 =	srdreg.scid  }
0x4: {  	s4 =	simm.s32 $0x0;
	s21 =	stileid.u32;
	s19 =	simm.s32 $0x3  }
0x5: {  	s20 =	simm.s32 $0x14000;
	s28 =	simm.s32 $0x15380;
	s29 =	simm.s32 $0x16700  }
0x6: {  	s30 =	simm.s32 $0x16780;
	s31 =	simm.s32 $0x0;
	s6 =	smul.u32 $0x14000, s21  }
0x7: {  	s17 =	sand.u32 $0x1, s3;
	[smem:$0x7FF] =	sst s4;
	s7 =	smul.u32 $0x50000, s21  }
0x8: {  	s4 =	sadd.s32 $0xBE00, s0;
	s13 =	sadd.s32 $0x1E00, s0;
	s10 =	smul.u32 $0x2800, s21  }
0x9: {  	s26 =	sshll.u32 s21, $0x6;
	s5 =	smul.u32 $0x140000, s17;
	_ =	strace $0x8000004D  }
0xa: {  	s22 =	ssub.s32 $0x2, s17;
	s8 =	sshll.u32 s17, $0x4;
	p0 =	sne.s32 s17, $0x0  }
0xb: {  	s17 =	sor.u32 $0x1C03, s26;
	s26 =	simm.s32 $0x2;
	s23 =	sshrl.u32 s22, $0x1  }
0xc: {  	s8 =	sor.u32 s21, s8;
	s7 =	sshrl.u32 s7, $0x2;
	s10 =	sadd.s32 s4, s10  }
0xd: {  	s21 =	simm.s32 $0x15400;
	s5 =	sadd.s32 s6, s5;
	s11 =	smul.u32 $0x2800, s8  }
0xe: {  	s16 =	ssub.s32 s22, s23;
	s12 =	smul.u32 $0x500, s8;
	s22 =	simm.s32 $0x80  }
0xf: {  	s23 =	simm.s32 $0x16800;
	s5 =	sshrl.u32 s5, $0x3;
	s16 =	smax.u32 s16, $0x1  }
0x10: {  	s0 =	sadd.s32 s5, s0;
	s5 =	sadd.s32 s7, s1;
	s14 =	sshrl.u32 s11, $0x3  }
0x11: {  	s11 =	sadd.s32 s13, s12;
	s12 =	sadd.s32 s2, s12;
	s24 =	sadd.s32 $0x4000, s5  }
0x12: {  	s25 =	sadd.s32 $0x8000, s5;
	s8 =	sadd.s32 $0xC000, s5;
	s9 =	sadd.s32 $0x10000, s5  }
0x13: {  	s14 =	sadd.s32 $0x280, s14;
	s15 =	sadd.s32 $0x33E00, s0;
	[dreg:$0x4] =	wrdreg s24  }
0x14: {  	s18 =	sshrl.u32 s5, $0x3;
	[dreg:$0x5] =	wrdreg s25;
	s13 =	sadd.s32 s13, s14  }
0x15: {  	v0 =	vimm.f32 $0.0e+00;
	s14 =	sadd.s32 s2, s14;
	s24 =	simm.s32 $0x1A800;
	s25 =	simm.s32 $0x1  }
.LBB2_1:
.Ltmp0:
0x16: {  	(pc) =	sbr.rel @p0 .LBB2_3-.Ltmp0, $1  }
0x17: {  	_ =	sdelay $0x3  }
.Ltmp1:
0x18: {  	(pc) =	sbr.rel .LBB2_6-.Ltmp1, $4  }
0x19: {  	[spmem:s18], [sflag:s17] =	dma.local [hbm:s10], $0x2800  }
0x1a: {  	_ =	swait.ge [sflag:s19], $0x2800  }
0x1b: {  	[sflag:s19] =	ssyncset.done $0x0  }
0x1c: {  	[sflag:s19] =	ssyncadd.s32 $0xFFFFD800  }
.LBB2_3:
0x1d: {  	s2 =	simm.s32 $0x0  }
0x1e: {  	s0 =	sshra.s32 s2, $0x2;
	s2 =	sadd.s32 $0x200, s2  }
.LBB2_4:
0x1f: {  	p1 =	sne.s32 s2, $0xFE00;
	[tilespmem:s0+$0x16870] =	vst v0  }
0x20: {  	[tilespmem:s0+$0x16800] =	vst v0  }
0x21: {  	[tilespmem:s0+$0x16810] =	vst v0  }
.Ltmp2:
0x22: {  	[tilespmem:s0+$0x16820] =	vst v0;
	(pc) =	sbr.rel @p1 .LBB2_4-.Ltmp2, $4  }
0x23: {  	[tilespmem:s0+$0x16830] =	vst v0  }
0x24: {  	[tilespmem:s0+$0x16840] =	vst v0  }
0x25: {  	[tilespmem:s0+$0x16850] =	vst v0  }
0x26: {  	[tilespmem:s0+$0x16860] =	vst v0;
	s0 =	sshra.s32 s2, $0x2;
	s2 =	sadd.s32 $0x200, s2  }
0x27: {  	[tilespmem:s0+$0x16870] =	vst v0  }
0x28: {  	[tilespmem:s0+$0x16800] =	vst v0  }
0x29: {  	[tilespmem:s0+$0x16810] =	vst v0  }
0x2a: {  	[tilespmem:s0+$0x16820] =	vst v0  }
0x2b: {  	[tilespmem:s0+$0x16830] =	vst v0  }
0x2c: {  	[tilespmem:s0+$0x16840] =	vst v0  }
0x2d: {  	[tilespmem:s0+$0x16850] =	vst v0  }
0x2e: {  	[tilespmem:s0+$0x16860] =	vst v0  }
0x2f: {  	[spmem:s5] =	stream.linear.scatter [tilespmem:s23], [sflag:$0x3], $0x4000, $0x38;
	[tilespmem:$0x1E800] =	vst v63  }
0x30: {  	_ =	swait.ge [sflag:s19], $0x4000  }
0x31: {  	[sflag:s19] =	ssyncset.done $0x0  }
0x32: {  	s6 =	rddreg [dreg:$0x4];
	[sflag:s19] =	ssyncadd.s32 $0xFFFFC000  }
0x33: {  	[spmem:s6] =	stream.linear.scatter [tilespmem:s23], [sflag:$0x3], $0x4000, $0x38;
	[tilespmem:$0x1E800] =	vst v63  }
0x34: {  	_ =	swait.ge [sflag:s19], $0x4000  }
0x35: {  	[sflag:s19] =	ssyncset.done $0x0  }
0x36: {  	s7 =	rddreg [dreg:$0x5];
	[sflag:s19] =	ssyncadd.s32 $0xFFFFC000  }
0x37: {  	[spmem:s7] =	stream.linear.scatter [tilespmem:s23], [sflag:$0x3], $0x4000, $0x38;
	[tilespmem:$0x1E800] =	vst v63  }
0x38: {  	_ =	swait.ge [sflag:s19], $0x4000  }
0x39: {  	[sflag:s19] =	ssyncset.done $0x0  }
0x3a: {  	[sflag:s19] =	ssyncadd.s32 $0xFFFFC000  }
0x3b: {  	[spmem:s8] =	stream.linear.scatter [tilespmem:s23], [sflag:$0x3], $0x4000, $0x38;
	[tilespmem:$0x1E800] =	vst v63  }
0x3c: {  	_ =	swait.ge [sflag:s19], $0x4000  }
0x3d: {  	[sflag:s19] =	ssyncset.done $0x0  }
0x3e: {  	[sflag:s19] =	ssyncadd.s32 $0xFFFFC000  }
0x3f: {  	[spmem:s9] =	stream.linear.scatter [tilespmem:s23], [sflag:$0x3], $0x4000, $0x38;
	[tilespmem:$0x1E800] =	vst v63  }
0x40: {  	_ =	swait.ge [sflag:s19], $0x4000  }
0x41: {  	[sflag:s19] =	ssyncset.done $0x0  }
0x42: {  	[sflag:s19] =	ssyncadd.s32 $0xFFFFC000  }
.LBB2_6:
0x43: {  	[bflag:$0x0] =	sbarrier.arrive $0xFFFF;
	s0 =	simm.s32 $0x0  }
0x44: {  	[tilespmem:s20], [sflag:$0x3] =	stream.linear.gather [hbm4b:s11+s0], $0x1400, $0x38;
	[tilespmem:$0x1E800] =	vst v63  }
0x45: {  	_ =	swait.ge [sflag:s19], $0x1400  }
0x46: {  	[sflag:s19] =	ssyncset.done $0x0  }
0x47: {  	[sflag:s19] =	ssyncadd.s32 $0xFFFFEC00  }
0x48: {  	[tilespmem:s21], [sflag:$0x3] =	stream.linear.gather [hbm4b:s12+s0], $0x1400, $0x38;
	[tilespmem:$0x1E800] =	vst v63  }
0x49: {  	_ =	swait.ge [sflag:s19], $0x1400  }
0x4a: {  	[sflag:s19] =	ssyncset.done $0x0  }
0x4b: {  	[sflag:s19] =	ssyncadd.s32 $0xFFFFEC00  }
0x4c: {  	[tilespmem:s23], [sflag:$0x1] =	stream.indirect.gather [hbm4b:s4+s22], $0x80, s20, s22, $0xb8;
	[tilespmem:$0x1E800] =	vst v63  }
0x4d: {  	s2 =	simm.s32 $0x14080  }
0x4e: {  	[tilespmem:s24], [sflag:$0x2] =	stream.indirect.gather [hbm4b:s4+s22], $0x80, s2, s22, $0xb8;
	[tilespmem:$0x1E800] =	vst v63  }
0x4f: {  	_ =	swait.ge [sflag:s25], $0x4000  }
0x50: {  	[sflag:s25] =	ssyncset.done $0x0  }
0x51: {  	s3 =	simm.s32 $0x15400;
	[sflag:s25] =	ssyncadd.s32 $0xFFFFC000  }
0x52: {  	[spmem:s1] =	stream.indirect.scatter.add.f32 [tilespmem:s23], [sflag:$0x3], $0x80, s3, s22, $0xb8;
	[tilespmem:$0x1E800] =	vst v63  }
0x53: {  	_ =	swait.ge [sflag:s19], $0x4000  }
0x54: {  	[sflag:s19] =	ssyncset.done $0x0  }
0x55: {  	s6 =	simm.s32 $0x14100;
	[sflag:s19] =	ssyncadd.s32 $0xFFFFC000  }
0x56: {  	[tilespmem:s23], [sflag:$0x1] =	stream.indirect.gather [hbm4b:s4+s22], $0x80, s6, s22, $0xb8;
	[tilespmem:$0x1E800] =	vst v63  }
0x57: {  	_ =	swait.ge [sflag:s26], $0x4000  }
0x58: {  	[sflag:s26] =	ssyncset.done $0x0  }
0x59: {  	s7 =	simm.s32 $0x15480;
	[sflag:s26] =	ssyncadd.s32 $0xFFFFC000  }
0x5a: {  	[spmem:s1] =	stream.indirect.scatter.add.f32 [tilespmem:s24], [sflag:$0x3], $0x80, s7, s22, $0xb8;
	[tilespmem:$0x1E800] =	vst v63  }
0x5b: {  	_ =	swait.ge [sflag:s19], $0x4000  }
0x5c: {  	s0 =	simm.s32 $0x100;
	s2 =	simm.s32 $0x800;
	[sflag:s19] =	ssyncset.done $0x0  }
.LBB2_7:
0x5d: {  	s3 =	sadd.s32 $0x14080, s0  }
0x5e: {  	[sflag:s19] =	ssyncadd.s32 $0xFFFFC000;
	s6 =	smov.u32 s2;
	s7 =	sadd.s32 $0x400, s2  }
0x5f: {  	[tilespmem:s24], [sflag:$0x2] =	stream.indirect.gather [hbm4b:s4+s22], $0x80, s3, s22, $0xb8;
	[tilespmem:$0x1E800] =	vst v63  }
0x60: {  	p1 =	sne.s32 s2, $0x4800;
	_ =	swait.ge [sflag:s25], $0x4000  }
0x61: {  	[sflag:s25] =	ssyncset.done $0x0  }
0x62: {  	s2 =	sadd.s32 $0x15400, s0;
	[sflag:s25] =	ssyncadd.s32 $0xFFFFC000  }
0x63: {  	[spmem:s1] =	stream.indirect.scatter.add.f32 [tilespmem:s23], [sflag:$0x3], $0x80, s2, s22, $0xb8;
	[tilespmem:$0x1E800] =	vst v63  }
0x64: {  	_ =	swait.ge [sflag:s19], $0x4000  }
0x65: {  	[sflag:s19] =	ssyncset.done $0x0  }
0x66: {  	s2 =	sadd.s32 $0x14100, s0;
	[sflag:s19] =	ssyncadd.s32 $0xFFFFC000  }
0x67: {  	[tilespmem:s23], [sflag:$0x1] =	stream.indirect.gather [hbm4b:s4+s22], $0x80, s2, s22, $0xb8;
	[tilespmem:$0x1E800] =	vst v63  }
0x68: {  	_ =	swait.ge [sflag:s26], $0x4000  }
.Ltmp3:
0x69: {  	[sflag:s26] =	ssyncset.done $0x0;
	(pc) =	sbr.rel @p1 .LBB2_7-.Ltmp3, $4  }
0x6a: {  	s0 =	sadd.s32 $0x15480, s0;
	[sflag:s26] =	ssyncadd.s32 $0xFFFFC000  }
0x6b: {  	[spmem:s1] =	stream.indirect.scatter.add.f32 [tilespmem:s24], [sflag:$0x3], $0x80, s0, s22, $0xb8;
	[tilespmem:$0x1E800] =	vst v63  }
0x6c: {  	_ =	swait.ge [sflag:s19], $0x4000  }
0x6d: {  	s2 =	smov.u32 s7;
	s0 =	sshra.s32 s6, $0x2;
	[sflag:s19] =	ssyncset.done $0x0  }
0x6e: {  	s2 =	sadd.s32 $0x14080, s0;
	[sflag:s19] =	ssyncadd.s32 $0xFFFFC000  }
0x6f: {  	[tilespmem:s24], [sflag:$0x2] =	stream.indirect.gather [hbm4b:s4+s22], $0x80, s2, s22, $0xb8;
	[tilespmem:$0x1E800] =	vst v63  }
0x70: {  	_ =	swait.ge [sflag:s25], $0x4000  }
0x71: {  	[sflag:s25] =	ssyncset.done $0x0  }
0x72: {  	s7 =	sadd.s32 $0x15400, s0;
	[sflag:s25] =	ssyncadd.s32 $0xFFFFC000  }
0x73: {  	[spmem:s1] =	stream.indirect.scatter.add.f32 [tilespmem:s23], [sflag:$0x3], $0x80, s7, s22, $0xb8;
	[tilespmem:$0x1E800] =	vst v63  }
0x74: {  	_ =	swait.ge [sflag:s19], $0x4000  }
0x75: {  	[sflag:s19] =	ssyncset.done $0x0  }
0x76: {  	s3 =	sadd.s32 $0x14100, s0;
	[sflag:s19] =	ssyncadd.s32 $0xFFFFC000  }
0x77: {  	[tilespmem:s23], [sflag:$0x1] =	stream.indirect.gather [hbm4b:s4+s22], $0x80, s3, s22, $0xb8;
	[tilespmem:$0x1E800] =	vst v63  }
0x78: {  	_ =	swait.ge [sflag:s26], $0x4000  }
0x79: {  	[sflag:s26] =	ssyncset.done $0x0  }
0x7a: {  	s6 =	sadd.s32 $0x15480, s0;
	[sflag:s26] =	ssyncadd.s32 $0xFFFFC000  }
0x7b: {  	[spmem:s1] =	stream.indirect.scatter.add.f32 [tilespmem:s24], [sflag:$0x3], $0x80, s6, s22, $0xb8;
	[tilespmem:$0x1E800] =	vst v63  }
0x7c: {  	_ =	swait.ge [sflag:s19], $0x4000  }
0x7d: {  	[sflag:s19] =	ssyncset.done $0x0  }
0x7e: {  	[sflag:s19] =	ssyncadd.s32 $0xFFFFC000  }
0x7f: {  	[tilespmem:s24], [sflag:$0x2] =	stream.indirect.gather [hbm4b:s4+s22], $0x80, s28, s22, $0xb8;
	[tilespmem:$0x1E800] =	vst v63  }
0x80: {  	_ =	swait.ge [sflag:s25], $0x4000  }
0x81: {  	[sflag:s25] =	ssyncset.done $0x0  }
0x82: {  	[sflag:s25] =	ssyncadd.s32 $0xFFFFC000  }
0x83: {  	[spmem:s1] =	stream.indirect.scatter.add.f32 [tilespmem:s23], [sflag:$0x3], $0x80, s29, s22, $0xb8;
	[tilespmem:$0x1E800] =	vst v63  }
0x84: {  	_ =	swait.ge [sflag:s19], $0x4000  }
0x85: {  	[sflag:s19] =	ssyncset.done $0x0  }
0x86: {  	[sflag:s19] =	ssyncadd.s32 $0xFFFFC000  }
0x87: {  	_ =	swait.ge [sflag:s26], $0x4000  }
0x88: {  	[sflag:s26] =	ssyncset.done $0x0  }
0x89: {  	[sflag:s26] =	ssyncadd.s32 $0xFFFFC000  }
0x8a: {  	[spmem:s1] =	stream.indirect.scatter.add.f32 [tilespmem:s24], [sflag:$0x3], $0x80, s30, s22, $0xb8;
	[tilespmem:$0x1E800] =	vst v63  }
0x8b: {  	_ =	swait.ge [sflag:s19], $0x4000  }
0x8c: {  	[sflag:s19] =	ssyncset.done $0x0  }
0x8d: {  	s7 =	simm.s32 $0x0;
	[sflag:s19] =	ssyncadd.s32 $0xFFFFC000  }
0x8e: {  	[tilespmem:s20], [sflag:$0x3] =	stream.linear.gather [hbm4b:s13+s7], $0x1400, $0x38;
	[tilespmem:$0x1E800] =	vst v63  }
0x8f: {  	_ =	swait.ge [sflag:s19], $0x1400  }
0x90: {  	[sflag:s19] =	ssyncset.done $0x0  }
0x91: {  	[sflag:s19] =	ssyncadd.s32 $0xFFFFEC00  }
0x92: {  	[tilespmem:s21], [sflag:$0x3] =	stream.linear.gather [hbm4b:s14+s7], $0x1400, $0x38;
	[tilespmem:$0x1E800] =	vst v63  }
0x93: {  	_ =	swait.ge [sflag:s19], $0x1400  }
0x94: {  	[sflag:s19] =	ssyncset.done $0x0  }
0x95: {  	[sflag:s19] =	ssyncadd.s32 $0xFFFFEC00  }
0x96: {  	[tilespmem:s23], [sflag:$0x1] =	stream.indirect.gather [hbm4b:s4+s22], $0x80, s20, s22, $0xb8;
	[tilespmem:$0x1E800] =	vst v63  }
0x97: {  	s2 =	simm.s32 $0x14080  }
0x98: {  	[tilespmem:s24], [sflag:$0x2] =	stream.indirect.gather [hbm4b:s4+s22], $0x80, s2, s22, $0xb8;
	[tilespmem:$0x1E800] =	vst v63  }
0x99: {  	_ =	swait.ge [sflag:s25], $0x4000  }
0x9a: {  	[sflag:s25] =	ssyncset.done $0x0  }
0x9b: {  	s3 =	simm.s32 $0x15400;
	[sflag:s25] =	ssyncadd.s32 $0xFFFFC000  }
0x9c: {  	[spmem:s1] =	stream.indirect.scatter.add.f32 [tilespmem:s23], [sflag:$0x3], $0x80, s3, s22, $0xb8;
	[tilespmem:$0x1E800] =	vst v63  }
0x9d: {  	_ =	swait.ge [sflag:s19], $0x4000  }
0x9e: {  	[sflag:s19] =	ssyncset.done $0x0  }
0x9f: {  	s6 =	simm.s32 $0x14100;
	[sflag:s19] =	ssyncadd.s32 $0xFFFFC000  }
0xa0: {  	[tilespmem:s23], [sflag:$0x1] =	stream.indirect.gather [hbm4b:s4+s22], $0x80, s6, s22, $0xb8;
	[tilespmem:$0x1E800] =	vst v63  }
0xa1: {  	_ =	swait.ge [sflag:s26], $0x4000  }
0xa2: {  	[sflag:s26] =	ssyncset.done $0x0  }
0xa3: {  	s7 =	simm.s32 $0x15480;
	[sflag:s26] =	ssyncadd.s32 $0xFFFFC000  }
0xa4: {  	[spmem:s1] =	stream.indirect.scatter.add.f32 [tilespmem:s24], [sflag:$0x3], $0x80, s7, s22, $0xb8;
	[tilespmem:$0x1E800] =	vst v63  }
0xa5: {  	_ =	swait.ge [sflag:s19], $0x4000  }
0xa6: {  	s0 =	simm.s32 $0x100;
	s2 =	simm.s32 $0x800;
	[sflag:s19] =	ssyncset.done $0x0  }
.LBB2_9:
0xa7: {  	s3 =	sadd.s32 $0x14080, s0  }
0xa8: {  	[sflag:s19] =	ssyncadd.s32 $0xFFFFC000;
	s6 =	smov.u32 s2;
	s7 =	sadd.s32 $0x400, s2  }
0xa9: {  	[tilespmem:s24], [sflag:$0x2] =	stream.indirect.gather [hbm4b:s4+s22], $0x80, s3, s22, $0xb8;
	[tilespmem:$0x1E800] =	vst v63  }
0xaa: {  	p1 =	sne.s32 s2, $0x4800;
	_ =	swait.ge [sflag:s25], $0x4000  }
0xab: {  	[sflag:s25] =	ssyncset.done $0x0  }
0xac: {  	s2 =	sadd.s32 $0x15400, s0;
	[sflag:s25] =	ssyncadd.s32 $0xFFFFC000  }
0xad: {  	[spmem:s1] =	stream.indirect.scatter.add.f32 [tilespmem:s23], [sflag:$0x3], $0x80, s2, s22, $0xb8;
	[tilespmem:$0x1E800] =	vst v63  }
0xae: {  	_ =	swait.ge [sflag:s19], $0x4000  }
0xaf: {  	[sflag:s19] =	ssyncset.done $0x0  }
0xb0: {  	s2 =	sadd.s32 $0x14100, s0;
	[sflag:s19] =	ssyncadd.s32 $0xFFFFC000  }
0xb1: {  	[tilespmem:s23], [sflag:$0x1] =	stream.indirect.gather [hbm4b:s4+s22], $0x80, s2, s22, $0xb8;
	[tilespmem:$0x1E800] =	vst v63  }
0xb2: {  	_ =	swait.ge [sflag:s26], $0x4000  }
.Ltmp4:
0xb3: {  	[sflag:s26] =	ssyncset.done $0x0;
	(pc) =	sbr.rel @p1 .LBB2_9-.Ltmp4, $4  }
0xb4: {  	s0 =	sadd.s32 $0x15480, s0;
	[sflag:s26] =	ssyncadd.s32 $0xFFFFC000  }
0xb5: {  	[spmem:s1] =	stream.indirect.scatter.add.f32 [tilespmem:s24], [sflag:$0x3], $0x80, s0, s22, $0xb8;
	[tilespmem:$0x1E800] =	vst v63  }
0xb6: {  	_ =	swait.ge [sflag:s19], $0x4000  }
0xb7: {  	s2 =	smov.u32 s7;
	s0 =	sshra.s32 s6, $0x2;
	[sflag:s19] =	ssyncset.done $0x0  }
0xb8: {  	s2 =	sadd.s32 $0x14080, s0;
	[sflag:s19] =	ssyncadd.s32 $0xFFFFC000  }
0xb9: {  	[tilespmem:s24], [sflag:$0x2] =	stream.indirect.gather [hbm4b:s4+s22], $0x80, s2, s22, $0xb8;
	[tilespmem:$0x1E800] =	vst v63  }
0xba: {  	_ =	swait.ge [sflag:s25], $0x4000  }
0xbb: {  	[sflag:s25] =	ssyncset.done $0x0  }
0xbc: {  	s3 =	sadd.s32 $0x15400, s0;
	[sflag:s25] =	ssyncadd.s32 $0xFFFFC000  }
0xbd: {  	[spmem:s1] =	stream.indirect.scatter.add.f32 [tilespmem:s23], [sflag:$0x3], $0x80, s3, s22, $0xb8;
	[tilespmem:$0x1E800] =	vst v63  }
0xbe: {  	_ =	swait.ge [sflag:s19], $0x4000  }
0xbf: {  	[sflag:s19] =	ssyncset.done $0x0  }
0xc0: {  	s6 =	sadd.s32 $0x14100, s0;
	[sflag:s19] =	ssyncadd.s32 $0xFFFFC000  }
0xc1: {  	[tilespmem:s23], [sflag:$0x1] =	stream.indirect.gather [hbm4b:s4+s22], $0x80, s6, s22, $0xb8;
	[tilespmem:$0x1E800] =	vst v63  }
0xc2: {  	_ =	swait.ge [sflag:s26], $0x4000  }
0xc3: {  	[sflag:s26] =	ssyncset.done $0x0  }
0xc4: {  	s7 =	sadd.s32 $0x15480, s0;
	[sflag:s26] =	ssyncadd.s32 $0xFFFFC000  }
0xc5: {  	[spmem:s1] =	stream.indirect.scatter.add.f32 [tilespmem:s24], [sflag:$0x3], $0x80, s7, s22, $0xb8;
	[tilespmem:$0x1E800] =	vst v63  }
0xc6: {  	_ =	swait.ge [sflag:s19], $0x4000  }
0xc7: {  	[sflag:s19] =	ssyncset.done $0x0  }
0xc8: {  	[sflag:s19] =	ssyncadd.s32 $0xFFFFC000  }
0xc9: {  	[tilespmem:s24], [sflag:$0x2] =	stream.indirect.gather [hbm4b:s4+s22], $0x80, s28, s22, $0xb8;
	[tilespmem:$0x1E800] =	vst v63  }
0xca: {  	_ =	swait.ge [sflag:s25], $0x4000  }
0xcb: {  	[sflag:s25] =	ssyncset.done $0x0  }
0xcc: {  	[sflag:s25] =	ssyncadd.s32 $0xFFFFC000  }
0xcd: {  	[spmem:s1] =	stream.indirect.scatter.add.f32 [tilespmem:s23], [sflag:$0x3], $0x80, s29, s22, $0xb8;
	[tilespmem:$0x1E800] =	vst v63  }
0xce: {  	_ =	swait.ge [sflag:s19], $0x4000  }
0xcf: {  	[sflag:s19] =	ssyncset.done $0x0  }
0xd0: {  	[sflag:s19] =	ssyncadd.s32 $0xFFFFC000  }
0xd1: {  	_ =	swait.ge [sflag:s26], $0x4000  }
0xd2: {  	[sflag:s26] =	ssyncset.done $0x0  }
0xd3: {  	[sflag:s26] =	ssyncadd.s32 $0xFFFFC000  }
0xd4: {  	[spmem:s1] =	stream.indirect.scatter.add.f32 [tilespmem:s24], [sflag:$0x3], $0x80, s30, s22, $0xb8;
	[tilespmem:$0x1E800] =	vst v63  }
0xd5: {  	_ =	swait.ge [sflag:s19], $0x4000  }
0xd6: {  	s31 =	sadd.s32 $0x1, s31;
	[sflag:s19] =	ssyncset.done $0x0  }
0xd7: {  	p1 =	sne.s32 s31, s16;
	[sflag:s19] =	ssyncadd.s32 $0xFFFFC000  }
.Ltmp5:
0xd8: {  	[bflag:$0x0] =	sbarrier.arrive $0xFFFF;
	(pc) =	sbr.rel @p1 .LBB2_1-.Ltmp5, $4  }
0xd9: {  	[hbm:s15], [sflag:s17] =	dma.local [spmem:s18], $0x2800  }
0xda: {  	_ =	swait.ge [sflag:s19], $0x2800  }
0xdb: {  	[sflag:s19] =	ssyncset.done $0x0  }
0xdc: {  	[sflag:s19] =	ssyncadd.s32 $0xFFFFD800  }
0xdd: {  	_ =	sfence.sel $0x180000  }
0xde: {  	[bflag:$0x0] =	sbarrier.arrive $0xFFFF  }
0xdf: {  	_ =	strace $0x9000004D  }
0xe0: {  	s0 =	stileid.u32;
	[bflag:$0x2] =	sbarrier.arrive $0xFFFF  }
0xe1: {  	p0 =	sne.s32 s0, $0x0;
	s0 =	rddreg [dreg:$0x3]  }
0xe2: {  	s0 =	sadd.s32 @!p0 $0x100000, s0  }
0xe3: {  	[sflag:s0] =	ssyncadd.tile.s32 @!p0 $0x1;
	_ =	shalt  }
.Lfunc_end2:
_tile_overlayer_lowered:
.L_overlay_start_2:
0xe4: {  	(tag) =	ssettag $0x2  }
0xe5: {  	s0 =	rddreg [dreg:$0x0];
	s2 =	stileid.u32  }
0xe6: {  	s1 =	rddreg [dreg:$0x1];
	p0 =	sne.s32 s2, $0x0  }
0xe7: {  	s3 =	rddreg [dreg:$0x2];
	[bflag:$0x3] =	sbarrier.arrive $0xFFFF;
	s2 =	simm.s32 @!p0 $0x1C03  }
0xe8: {  	[timem:s3], [sflag:s2] =	dma.local @!p0 [hbm:s0], s1  }
0xe9: {  	s0 =	simm.s32 @!p0 $0x3  }
0xea: {  	_ =	swait.ge @!p0 [sflag:s0], s1  }
0xeb: {  	s1 =	ssub.s32 @!p0 $0x0, s1;
	[sflag:s0] =	ssyncset.done @!p0 $0x0  }
0xec: {  	[sflag:s0] =	ssyncadd.s32 @!p0 s1  }
0xed: {  	[bflag:$0x3] =	sbarrier.arrive $0xFFFF  }
0xee: {  	_ =	shalt  }

// kernel: kernel.9.cloned.1.call-start
scs
__scs_entry_jumppad:
0x0: {  	(pc) =	sbr.rel $0x88, $3  }
0x1: {  	(tag) =	ssettag $0x0;
	lr =	simm.s32 $0x1  }
0x2: {  	[smem:$0x3F9B] =	sst lr;
	_ =	strace $0xD0000000  }
0x3: {  	_ = 	snop  }
0x4: {  	_ = 	snop  }
0x5: {  	_ = 	snop  }
0x6: {  	_ = 	snop  }
0x7: {  	_ = 	snop  }
__scs_overlays_trampoline_lowered:
0x8: {  	[smem:$0x3FAA] =	sst s0  }
0x9: {  	[smem:$0x3FAB] =	sst s1  }
0xa: {  	[smem:$0x3FAC] =	sst s2  }
0xb: {  	[smem:$0x3FAD] =	sst s3  }
0xc: {  	[smem:$0x3FAE] =	sst s4  }
0xd: {  	[smem:$0x3FAF] =	sst s5  }
0xe: {  	[smem:$0x3FB0] =	sst s6  }
0xf: {  	[smem:$0x3FB1] =	sst s7  }
0x10: {  	[smem:$0x3FB2] =	sst s8  }
0x11: {  	[smem:$0x3FB3] =	sst s9;
	s0 =	simm.s32 @!p0 $0x0  }
0x12: {  	s1 =	sld [smem:$0x3F99];
	s0 =	simm.s32 @p0 $0x1  }
0x13: {  	[smem:$0x3FB4] =	sst s0;
	s0 =	simm.s32 @!p1 $0x0  }
0x14: {  	s2 =	sld [smem:$0x3F98];
	s0 =	simm.s32 @p1 $0x1  }
0x15: {  	[smem:$0x3FB5] =	sst s0;
	s0 =	simm.s32 @!p2 $0x0  }
0x16: {  	s3 =	sld [smem:$0x3FDB];
	s0 =	simm.s32 @p2 $0x1  }
0x17: {  	s4 =	simm.s32 $0x1BF5;
	[smem:$0x3FB7] =	sst s0  }
0x18: {  	s0 =	sld [smem:$0x3F9A];
	_ =	swait.ge [sflag:s4], $0x0  }
0x19: {  	s7 =	sld [smem:$0x3F9B]  }
0x1a: {  	s8 =	sadd.s32 $0xFFFFE003, lr  }
0x1b: {  	s9 =	sadd.s32 $0xFFFFFEF7, lr;
	s5 =	simm.s32 $0xFFFFFFFF;
	p2 =	slt.u32 s8, $0xFFFFF086  }
0x1c: {  	p1 =	slt.u32 s9, $0xF7A;
	s5 =	simm.s32 @!p2 $0x0  }
0x1d: {  	s5 =	simm.s32 @p1 $0x1;
	p0 =	seq.s32 s7, s2  }
0x1e: {  	s7 =	smul.u32 @!p0 $0xF7A, s2;
	p2 =	seq.s32 @!p0 s5, $0x0  }
0x1f: {  	s9 =	smul.u32 $0xF7A, s1;
	s8 =	simm.s32 @!p0 $0x1BF5;
	p2 =	por !p2, p0  }
0x20: {  	[sflag:s8] =	ssyncset.s32 @!p0 $0xFFFFF086;
	s6 =	sadd.s32 @!p0 s3, s7;
	s7 =	simm.s32 @!p0 $0x108  }
0x21: {  	s3 =	sadd.s32 s3, s9;
	s6 =	sadd.s32 @!p0 $0x88, s6;
	s7 =	simm.s32 @p2 $0x1082  }
0x22: {  	[simem:s7], [sflag:s8] =	dma.local @!p0 [hbm:s6], $0xF7A  }
0x23: {  	s9 =	sor.u32 $0xD0000000, s2;
	s6 =	simm.s32 $0x108;
	_ =	swait.ge @!p0 [sflag:s8], $0x0  }
0x24: {  	s3 =	sadd.s32 $0x88, s3;
	s6 =	simm.s32 @!p1 $0x1082;
	[sflag:s4] =	ssyncset.s32 $0xFFFFF086  }
0x25: {  	[simem:s6], [sflag:s4] =	dma.local [hbm:s3], $0xF7A  }
0x26: {  	[smem:$0x3F9B] =	sst s1;
	(tag) =	ssettag s2;
	_ =	strace s9  }
0x27: {  	s1 =	sld [smem:$0x3FAB]  }
0x28: {  	s2 =	sld [smem:$0x3FAC]  }
0x29: {  	s4 =	sld [smem:$0x3FAE]  }
0x2a: {  	p0 =	seq.s32 s5, $0x0;
	s5 =	sld [smem:$0x3FAF]  }
0x2b: {  	s6 =	sld [smem:$0x3FB0]  }
0x2c: {  	s7 =	sld [smem:$0x3FB1]  }
0x2d: {  	s3 =	simm.s32 $0x108;
	s8 =	sld [smem:$0x3FB2]  }
0x2e: {  	s3 =	simm.s32 @!p0 $0x1082;
	s9 =	sld [smem:$0x3FB3]  }
0x2f: {  	lr =	sadd.s32 s0, s3;
	s0 =	sld [smem:$0x3FAA]  }
0x30: {  	s3 =	sld [smem:$0x3FAD]  }
0x31: {  	[smem:$0x3FB6] =	sst s10  }
0x32: {  	s10 =	sld [smem:$0x3FB4];
	_ =	sdelay $0x3  }
0x33: {  	p0 =	seq.s32 s10, $0x1;
	s10 =	sld [smem:$0x3FB6];
	_ =	sdelay $0x3  }
0x34: {  	[smem:$0x3FB6] =	sst s10  }
0x35: {  	s10 =	sld [smem:$0x3FB5];
	_ =	sdelay $0x3  }
0x36: {  	p1 =	seq.s32 s10, $0x1;
	s10 =	sld [smem:$0x3FB6];
	_ =	sdelay $0x3  }
0x37: {  	[smem:$0x3FB6] =	sst s10  }
0x38: {  	s10 =	sld [smem:$0x3FB7]  }
0x39: {  	_ = 	snop;
	(pc) =	sbr.ind lr, $3  }
0x3a: {  	_ = 	snop  }
0x3b: {  	_ = 	snop  }
0x3c: {  	p2 =	seq.s32 s10, $0x1;
	s10 =	sld [smem:$0x3FB6]  }
0x3d: {  	_ =	shalt  }
0x3e: {  	_ =	shalt  }
0x3f: {  	_ =	shalt  }
0x40: {  	_ =	shalt  }
0x41: {  	_ =	shalt  }
0x42: {  	_ =	shalt  }
0x43: {  	_ =	shalt  }
0x44: {  	_ =	shalt  }
0x45: {  	_ =	shalt  }
0x46: {  	_ =	shalt  }
0x47: {  	_ =	shalt  }
0x48: {  	_ =	shalt  }
0x49: {  	_ =	shalt  }
0x4a: {  	_ =	shalt  }
0x4b: {  	_ =	shalt  }
0x4c: {  	_ =	shalt  }
0x4d: {  	_ =	shalt  }
0x4e: {  	_ =	shalt  }
0x4f: {  	_ =	shalt  }
0x50: {  	_ =	shalt  }
0x51: {  	_ =	shalt  }
0x52: {  	_ =	shalt  }
0x53: {  	_ =	shalt  }
0x54: {  	_ =	shalt  }
0x55: {  	_ =	shalt  }
0x56: {  	_ =	shalt  }
0x57: {  	_ =	shalt  }
0x58: {  	_ =	shalt  }
0x59: {  	_ =	shalt  }
0x5a: {  	_ =	shalt  }
0x5b: {  	_ =	shalt  }
0x5c: {  	_ =	shalt  }
0x5d: {  	_ =	shalt  }
0x5e: {  	_ =	shalt  }
0x5f: {  	_ =	shalt  }
0x60: {  	_ =	shalt  }
0x61: {  	_ =	shalt  }
0x62: {  	_ =	shalt  }
0x63: {  	_ =	shalt  }
0x64: {  	_ =	shalt  }
0x65: {  	_ =	shalt  }
0x66: {  	_ =	shalt  }
0x67: {  	_ =	shalt  }
0x68: {  	_ =	shalt  }
0x69: {  	_ =	shalt  }
0x6a: {  	_ =	shalt  }
0x6b: {  	_ =	shalt  }
0x6c: {  	_ =	shalt  }
0x6d: {  	_ =	shalt  }
0x6e: {  	_ =	shalt  }
0x6f: {  	_ =	shalt  }
0x70: {  	_ =	shalt  }
0x71: {  	_ =	shalt  }
0x72: {  	_ =	shalt  }
0x73: {  	_ =	shalt  }
0x74: {  	_ =	shalt  }
0x75: {  	_ =	shalt  }
0x76: {  	_ =	shalt  }
0x77: {  	_ =	shalt  }
0x78: {  	_ =	shalt  }
0x79: {  	_ =	shalt  }
0x7a: {  	_ =	shalt  }
0x7b: {  	_ =	shalt  }
0x7c: {  	_ =	shalt  }
0x7d: {  	_ =	shalt  }
0x7e: {  	_ =	shalt  }
0x7f: {  	_ =	shalt  }
0x80: {  	_ =	shalt  }
0x81: {  	_ =	shalt  }
0x82: {  	_ =	shalt  }
0x83: {  	_ =	shalt  }
0x84: {  	_ =	shalt  }
0x85: {  	_ =	shalt  }
0x86: {  	_ =	shalt  }
0x87: {  	_ =	shalt  }
.Lfunc_end0:
.L_simem_size_0:
called_computation_lowered:
.L_overlay_start_0:
0x88: {  	s2 =	sld [smem:$0x3FD9]  }
0x89: {  	s3 =	sld [smem:$0x3FFE];
	_ =	sdelay $0x1  }
0x8a: {  	s1 =	srdreg.scid  }
0x8b: {  	s0 =	sand.u32 $0x1, s1  }
0x8c: {  	s17 =	sshll.u32 s0, $0xA;
	s2 =	sadd.s32 s3, s2  }
0x8d: {  	s2 =	sadd.s32 s2, s17  }
0x8e: {  	[smem:$0x3FC2] =	sst s2  }
0x8f: {  	_ = 	snop  }
0x90: {  	s2 =	sld [smem:$0x3FD0];
	(tm) =	ssettm $0x1  }
0x91: {  	s18 =	sld [smem:$0x3FFB];
	_ =	sdelay $0x3  }
0x92: {  	_ =	strace s18  }
0x93: {  	s3 =	sld [smem:$0x3FFC];
	_ =	sdelay $0x3  }
0x94: {  	_ =	strace s3  }
0x95: {  	s3 =	sld [smem:$0x3FFD];
	_ =	sdelay $0x3  }
0x96: {  	_ =	strace s3  }
0x97: {  	_ =	strace $0x8FFFFFFF  }
0x98: {  	s19 =	sld [smem:$0x3FDB];
	_ =	sdelay $0x1  }
0x99: {  	s4 =	simm.s32 $_scs_section_size  }
0x9a: {  	s5 =	simm.s32 $_size__tile_overlayer_lowered;
	s6 =	simm.s32 $_tile_overlayer_lowered  }
0x9b: {  	s22 =	simm.s32 $0x1BFF;
	s21 =	sshll.u32 s6, $0x1;
	s3 =	sadd.s32 s4, s19  }
0x9c: {  	s7 =	simm.s32 $0x0;
	s20 =	sshll.u32 s5, $0x1;
	s5 =	sadd.s32 s21, s3  }
0x9d: {  	[timem:s7], [sflag:s22] =	dma.local [hbm:s5], s20  }
0x9e: {  	_ =	swait.ge [sflag:s22], s20  }
0x9f: {  	s4 =	ssub.s32 $0x0, s20;
	[sflag:s22] =	ssyncset.done $0x0  }
0xa0: {  	[sflag:s22] =	ssyncadd.s32 s4;
	_ =	sdelay $0x1  }
0xa1: {  	s23 =	simm.s32 $0x1B8B  }
0xa2: {  	_ =	swait.ge [sflag:s23], $0x1  }
0xa3: {  	[sflag:s23] =	ssyncset.done $0x0  }
0xa4: {  	s25 =	simm.s32 $0x1B8E;
	s24 =	sld [smem:$0x3FFE];
	[sflag:s23] =	ssyncadd.s32 $0xFFFFFFFF  }
0xa5: {  	s26 =	simm.s32 $execute0_lowered;
	[smem:$0x3FD2] =	sst s25  }
0xa6: {  	s5 =	sshll.u32 s26, $0x1;
	_ =	strace $0x80000046;
	[dreg:$0x1] =	wrdreg $0xFFFFFFFF  }
0xa7: {  	s28 =	simm.s32 $_size_execute0_lowered;
	s3 =	sadd.s32 s3, s5;
	[dreg:$0x0] =	wrdreg $0x0  }
0xa8: {  	s5 =	sshll.u32 s28, $0x1;
	[dreg:$0x2] =	wrdreg s3  }
0xa9: {  	[dreg:$0x3] =	wrdreg s5  }
0xaa: {  	[dreg:$0x4] =	wrdreg $0xC0  }
0xab: {  	_ =	task [dreg:s7], $0x5FFFF  }
0xac: {  	[dreg:$0x1] =	wrdreg $0xFFFFFFFF  }
0xad: {  	[dreg:$0x0] =	wrdreg $0x60  }
0xae: {  	[dreg:$0x2] =	wrdreg s2  }
0xaf: {  	[dreg:$0x3] =	wrdreg s24  }
0xb0: {  	[dreg:$0x4] =	wrdreg $0x0  }
0xb1: {  	[dreg:$0x5] =	wrdreg $0x9  }
0xb2: {  	_ =	task.clear_ibuf [dreg:s7], $0x6FFFF;
	_ =	strace $0x90000046  }
0xb3: {  	s29 =	simm.s32 $0x9;
	_ =	strace $0x80000048  }
0xb4: {  	_ =	swait.ge [sflag:s29], $0x1  }
0xb5: {  	[sflag:s29] =	ssyncadd.s32 $0xFFFFFFFF  }
0xb6: {  	_ =	strace $0x90000048  }
0xb7: {  	_ =	sfence  }
0xb8: {  	s30 =	sld [smem:$0x0];
	_ =	sdelay $0x2  }
0xb9: {  	s31 =	sshll.u32 s1, $0xD;
	s1 =	sshrl.u32 s1, $0x2  }
0xba: {  	s3 =	sand.u32 $0x4000, s31;
	s1 =	sadd.s32 s1, s30  }
0xbb: {  	s0 =	sor.u32 s3, s0;
	s1 =	sshll.u32 s1, $0x11  }
0xbc: {  	s0 =	sor.u32 s1, s0  }
0xbd: {  	s0 =	sadd.s32 $0x8F2B, s0  }
0xbe: {  	[sflag:s0] =	ssyncadd.remote.s32 $0x1  }
0xbf: {  	_ =	sfence.sel $0xFFFF  }
0xc0: {  	[dreg:$0x0] =	wrdreg $0xFFFFFFFF;
	(pc) =	sbr.abs _section_cstart, $3  }
0xc1: {  	[dreg:$0x1] =	wrdreg $0xFFFFFFFF  }
0xc2: {  	_ =	task.clear_ibuf [dreg:s7], $0x2FFFF;
	_ =	strace $0x9FFFFFFF  }
0xc3: {  	(tm) =	ssettm $0x7FFFFFFF  }
tec
execute0_lowered:
.L_overlay_start_1:
0x0: {  	(tag) =	ssettag $0x1  }
0x1: {  	s5 =	rddreg [dreg:$0x0]  }
0x2: {  	s4 =	rddreg [dreg:$0x1]  }
0x3: {  	s2 =	rddreg [dreg:$0x2]  }
0x4: {  	s0 =	rddreg [dreg:$0x3];
	s3 =	simm.s32 $0x0;
	s6 =	srdreg.scid  }
0x5: {  	s1 =	stileid.u32;
	s11 =	simm.s32 $0x80;
	s12 =	simm.s32 $0x2A80  }
0x6: {  	s13 =	simm.s32 $0x1;
	s16 =	simm.s32 $0x20;
	s17 =	simm.s32 $0x10  }
0x7: {  	s18 =	simm.s32 $0x0;
	[smem:$0x7FF] =	sst s3;
	s7 =	smul.u32 $0x500, s1  }
0x8: {  	s6 =	sand.u32 $0x1, s6;
	s9 =	smul.u32 $0xA00, s1;
	s14 =	sshll.u32 s1, $0x6  }
0x9: {  	_ =	strace $0x80000047;
	s8 =	sshll.u32 s6, $0x7;
	s31 =	sshll.u32 s6, $0x4  }
0xa: {  	s6 =	ssub.s32 $0x2, s6;
	s14 =	sor.u32 $0x1C02, s14;
	s7 =	sor.u32 s8, s7  }
0xb: {  	s8 =	sor.u32 s1, s31;
	s10 =	sshrl.u32 s6, $0x1;
	s9 =	sshrl.u32 s9, $0x2  }
0xc: {  	s7 =	sshrl.u32 s7, $0x3;
	s8 =	smul.u32 $0x500, s8;
	s10 =	ssub.s32 s6, s10  }
0xd: {  	s7 =	sadd.s32 s7, s4;
	s4 =	sadd.s32 s9, s2;
	s9 =	simm.s32 $0x2  }
0xe: {  	s5 =	sadd.s32 s5, s8;
	s6 =	sadd.s32 $0xBE00, s7;
	s7 =	smax.u32 s10, $0x1  }
0xf: {  	v0 =	vimm.f32 $0.0e+00;
	v1 =	vimm.f32 $1.000000000e+00;
	s8 =	simm.s32 $0x2B00;
	s10 =	simm.s32 $0x280;
	s15 =	sshrl.u32 s4, $0x3  }
.LBB2_1:
0x10: {  	[tilespmem:$0x2B00] =	vst v0  }
0x11: {  	[tilespmem:$0x2B10] =	vst v0  }
0x12: {  	[tilespmem:$0x2B20] =	vst v0  }
0x13: {  	[tilespmem:$0x2B30] =	vst v0  }
0x14: {  	[tilespmem:$0x2B40] =	vst v0  }
0x15: {  	[tilespmem:$0x2B50] =	vst v0  }
0x16: {  	[tilespmem:$0x2B60] =	vst v0  }
0x17: {  	[tilespmem:$0x2B70] =	vst v0  }
0x18: {  	[tilespmem:$0x2B80] =	vst v0  }
0x19: {  	[tilespmem:$0x2B90] =	vst v0  }
0x1a: {  	[tilespmem:$0x2BA0] =	vst v0  }
0x1b: {  	[tilespmem:$0x2BB0] =	vst v0  }
0x1c: {  	[tilespmem:$0x2BC0] =	vst v0  }
0x1d: {  	[tilespmem:$0x2BD0] =	vst v0  }
0x1e: {  	[tilespmem:$0x2BE0] =	vst v0  }
0x1f: {  	[tilespmem:$0x2BF0] =	vst v0  }
0x20: {  	[tilespmem:$0x2C00] =	vst v0  }
0x21: {  	[tilespmem:$0x2C10] =	vst v0  }
0x22: {  	[tilespmem:$0x2C20] =	vst v0  }
0x23: {  	[tilespmem:$0x2C30] =	vst v0  }
0x24: {  	[tilespmem:$0x2C40] =	vst v0  }
0x25: {  	[tilespmem:$0x2C50] =	vst v0  }
0x26: {  	[tilespmem:$0x2C60] =	vst v0  }
0x27: {  	[tilespmem:$0x2C70] =	vst v0  }
0x28: {  	[tilespmem:$0x2C80] =	vst v0  }
0x29: {  	[tilespmem:$0x2C90] =	vst v0  }
0x2a: {  	[tilespmem:$0x2CA0] =	vst v0  }
0x2b: {  	[tilespmem:$0x2CB0] =	vst v0  }
0x2c: {  	[tilespmem:$0x2CC0] =	vst v0  }
0x2d: {  	[tilespmem:$0x2CD0] =	vst v0  }
0x2e: {  	[tilespmem:$0x2CE0] =	vst v0  }
0x2f: {  	[tilespmem:$0x2CF0] =	vst v0  }
0x30: {  	[tilespmem:$0x2D00] =	vst v0  }
0x31: {  	[tilespmem:$0x2D10] =	vst v0  }
0x32: {  	[tilespmem:$0x2D20] =	vst v0  }
0x33: {  	[tilespmem:$0x2D30] =	vst v0  }
0x34: {  	[tilespmem:$0x2D40] =	vst v0  }
0x35: {  	[tilespmem:$0x2D50] =	vst v0  }
0x36: {  	[tilespmem:$0x2D60] =	vst v0  }
0x37: {  	[tilespmem:$0x2D70] =	vst v0  }
0x38: {  	[tilespmem:$0x2A80] =	vst v1  }
0x39: {  	[tilespmem:$0x2A90] =	vst v1  }
0x3a: {  	[tilespmem:$0x2AA0] =	vst v1  }
0x3b: {  	[tilespmem:$0x2AB0] =	vst v1  }
0x3c: {  	[tilespmem:$0x2AC0] =	vst v1  }
0x3d: {  	[tilespmem:$0x2AD0] =	vst v1  }
0x3e: {  	[tilespmem:$0x2AE0] =	vst v1  }
0x3f: {  	[tilespmem:$0x2AF0] =	vst v1  }
0x40: {  	[spmem:s4] =	stream.linear.scatter [tilespmem:s8], [sflag:$0x2], $0x280, $0x38;
	[tilespmem:$0x2D80] =	vst v63  }
0x41: {  	_ =	swait.ge [sflag:s9], $0x280  }
0x42: {  	[sflag:s9] =	ssyncset.done $0x0  }
0x43: {  	[sflag:s9] =	ssyncadd.s32 $0xFFFFFD80  }
0x44: {  	[tilespmem:s10], [sflag:$0x2] =	stream.linear.gather [hbm4b:s5+s3], $0x2800, $0x38;
	[tilespmem:$0x2D80] =	vst v63  }
0x45: {  	_ =	swait.ge [sflag:s9], $0x2800  }
0x46: {  	[sflag:s9] =	ssyncset.done $0x0  }
0x47: {  	[sflag:s9] =	ssyncadd.s32 $0xFFFFD800  }
0x48: {  	s19 =	simm.s32 $0x0;
	[bflag:$0x0] =	sbarrier.arrive $0xFFFF  }
.LBB2_2:
0x49: {  	p0 =	sne.s32 s19, $0x9E00  }
.Ltmp0:
0x4a: {  	_ = 	snop;
	(pc) =	sbr.rel @p0 .LBB2_2-.Ltmp0, $4  }
0x4b: {  	_ = 	snop  }
0x4c: {  	s20 =	sshra.s32 s19, $0x2  }
0x4d: {  	s19 =	sadd.s32 $0x200, s19;
	s20 =	sadd.s32 $0x280, s20  }
0x4e: {  	[spmem:s2] =	stream.indirect.scatter.add.f32 [tilespmem:s12], [sflag:$0x1], $0x1, s20, s11, $0xb8;
	[tilespmem:$0x2D80] =	vst v63  }
0x4f: {  	_ =	swait.ge [sflag:s13], $0x80  }
0x50: {  	s19 =	simm.s32 $0x4F;
	[sflag:s13] =	ssyncset.done $0x0  }
.LBB2_4:
0x51: {  	p0 =	sne.s32 s19, $0x1;
	s19 =	sadd.s32 $0xFFFFFFFF, s19;
	[sflag:s13] =	ssyncadd.s32 $0xFFFFFF80  }
.Ltmp1:
0x52: {  	(pc) =	sbr.rel @p0 .LBB2_4-.Ltmp1, $3  }
0x53: {  	_ =	sdelay $0x1  }
0x54: {  	_ =	swait.ge [sflag:s13], $0x80  }
0x55: {  	[sflag:s13] =	ssyncset.done $0x0  }
0x56: {  	s18 =	sadd.s32 $0x1, s18  }
0x57: {  	[sflag:s13] =	ssyncadd.s32 $0xFFFFFF80;
	p0 =	sne.s32 s18, s7  }
.Ltmp2:
0x58: {  	[bflag:$0x0] =	sbarrier.arrive $0xFFFF;
	(pc) =	sbr.rel @p0 .LBB2_1-.Ltmp2, $4  }
0x59: {  	[hbm:s6@s16], [sflag:s14] =	dma.strided [spmem:s15@s17], $0x50, s13, $0x10   }
0x5a: {  	_ =	swait.ge [sflag:s9], $0x50  }
0x5b: {  	[sflag:s9] =	ssyncset.done $0x0  }
0x5c: {  	[sflag:s9] =	ssyncadd.s32 $0xFFFFFFB0  }
0x5d: {  	_ =	sfence.sel $0x180000  }
0x5e: {  	[bflag:$0x0] =	sbarrier.arrive $0xFFFF  }
0x5f: {  	p0 =	sne.s32 s1, $0x0;
	_ =	strace $0x90000047  }
0x60: {  	s0 =	sadd.s32 @!p0 $0x100000, s0;
	[bflag:$0x2] =	sbarrier.arrive $0xFFFF  }
0x61: {  	[sflag:s0] =	ssyncadd.tile.s32 @!p0 $0x1;
	_ =	shalt  }
.Lfunc_end2:
_tile_overlayer_lowered:
.L_overlay_start_2:
0x62: {  	(tag) =	ssettag $0x2  }
0x63: {  	s0 =	rddreg [dreg:$0x0];
	s2 =	stileid.u32  }
0x64: {  	s1 =	rddreg [dreg:$0x1];
	p0 =	sne.s32 s2, $0x0  }
0x65: {  	s3 =	rddreg [dreg:$0x2];
	[bflag:$0x3] =	sbarrier.arrive $0xFFFF;
	s2 =	simm.s32 @!p0 $0x1C02  }
0x66: {  	[timem:s3], [sflag:s2] =	dma.local @!p0 [hbm:s0], s1  }
0x67: {  	s0 =	simm.s32 @!p0 $0x2  }
0x68: {  	_ =	swait.ge @!p0 [sflag:s0], s1  }
0x69: {  	s1 =	ssub.s32 @!p0 $0x0, s1;
	[sflag:s0] =	ssyncset.done @!p0 $0x0  }
0x6a: {  	[sflag:s0] =	ssyncadd.s32 @!p0 s1  }
0x6b: {  	[bflag:$0x3] =	sbarrier.arrive $0xFFFF  }
0x6c: {  	_ =	shalt  }

</sc_bundles>
